<compile_context>
chip_gen: v7x
topology: tpu7x:2x2x1
jax: 0.10.2.dev20260603
libtpu: 0.0.44.dev20260713+nightly
codegen_flags: <defaults>
</compile_context>

<pallas_src>
import functools

import jax
import jax.numpy as jnp
from jax import lax
from jax.experimental import pallas as pl
from jax.experimental.pallas import tpu as pltpu
from jax.experimental.pallas import tpu_sc as plsc


def _sc_gather(table, idx_flat, n_tokens, emb):
    info = plsc.get_sparse_core_info()
    nw = info.num_cores * info.num_subcores
    assert n_tokens % (8 * nw) == 0
    b_per_w = n_tokens // nw
    nc = info.num_cores

    mesh = plsc.VectorSubcoreMesh(core_axis_name="c", subcore_axis_name="s")

    @functools.partial(
        pl.kernel,
        mesh=mesh,
        out_type=jax.ShapeDtypeStruct((n_tokens, emb), jnp.float32),
        scratch_types=[
            pltpu.VMEM((b_per_w,), jnp.int32),
            pltpu.VMEM((b_per_w, emb), jnp.float32),
            pltpu.SemaphoreType.DMA,
        ],
    )
    def gather_kernel(table_hbm, idx_hbm, out_hbm, idx_v, rows_v, sem):
        wid = lax.axis_index("s") * nc + lax.axis_index("c")
        base = wid * b_per_w
        pltpu.sync_copy(idx_hbm.at[pl.ds(base, b_per_w)], idx_v)
        pltpu.async_copy(table_hbm.at[idx_v], rows_v, sem).wait()
        pltpu.sync_copy(rows_v, out_hbm.at[pl.ds(base, b_per_w)])

    return gather_kernel(table, idx_flat)


def _tc_prep(x_tok, pos_emb, batch, seq):
    n = batch * seq
    emb = x_tok.shape[1]

    def prep_kernel(x_ref, pos_ref, xs_ref):
        for b in range(batch):
            xs_ref[b * seq:(b + 1) * seq, :] = (
                x_ref[b * seq:(b + 1) * seq, :] + pos_ref[...]
            ).astype(jnp.bfloat16)

    return pl.pallas_call(
        prep_kernel,
        out_shape=jax.ShapeDtypeStruct((n, emb), jnp.bfloat16),
    )(x_tok, pos_emb)


def _tc_matmul(xs, w_out, batch, seq, vt):
    n = batch * seq
    emb = xs.shape[1]
    vocab = w_out.shape[0]
    n_vt = pl.cdiv(vocab, vt)

    n_sh = seq // 128
    rem = vocab - (n_vt - 1) * vt

    half = seq // 4

    def mm_kernel(xs_ref, w_ref, out_ref, wb2_ref,
                  res_a, res_b, tail_a, tail_b, sem_a, sem_b):
        v = pl.program_id(0)
        b = pl.program_id(1)

        @pl.when((v == 0) & (b == 0))
        def _():
            wb2_ref[pl.ds(0, vt), :] = w_ref[...].astype(jnp.bfloat16)

        @pl.when((b == 1) & (v < n_vt - 1))
        def _():
            wb2_ref[pl.ds(((v + 1) % 2) * vt, vt), :] = (
                w_ref[...].astype(jnp.bfloat16))

        def dot_half(h):
            return lax.dot_general(
                wb2_ref[pl.ds((v % 2) * vt, vt), :],
                xs_ref[pl.ds(b * seq + h * half, half), :],
                dimension_numbers=(((1,), (1,)), ((), ())),
                preferred_element_type=jnp.float32,
            )

        def copies(buf, sem, rows):
            return [
                pltpu.make_async_copy(
                    buf.at[:, pl.ds(sh * 128, 128)],
                    out_ref.at[pl.ds(v * vt, rows), sh * 2 + b, :],
                    sem,
                )
                for sh in range(n_sh)
            ]

        def step(buf, sem, tail):
            @pl.when(v >= 1)
            def _():
                for c in copies(buf, sem, vt):
                    c.wait()

            @pl.when(v < n_vt - 1)
            def _():
                for h in range(4):
                    buf[:, h * half:(h + 1) * half] = dot_half(h)
                for c in copies(buf, sem, vt):
                    c.start()

            @pl.when(v == n_vt - 1)
            def _():
                for h in range(4):
                    tail[:, h * half:(h + 1) * half] = dot_half(h)[:rem, :]
                for c in copies(tail, sem, rem):
                    c.start()

        @pl.when(b == 0)
        def _():
            step(res_a, sem_a, tail_a)

        @pl.when(b == 1)
        def _():
            step(res_b, sem_b, tail_b)

        @pl.when((v == n_vt - 1) & (b == 1))
        def _():
            for c in copies(tail_a, sem_a, rem):
                c.wait()
            for c in copies(tail_b, sem_b, rem):
                c.wait()

    out3 = pl.pallas_call(
        mm_kernel,
        grid=(n_vt, batch),
        in_specs=[
            pl.BlockSpec((n, emb), lambda v, b: (0, 0)),
            pl.BlockSpec((vt, emb),
                         lambda v, b: (jnp.minimum(v + b, n_vt - 1), 0)),
        ],
        out_specs=pl.BlockSpec(memory_space=pltpu.HBM),
        out_shape=jax.ShapeDtypeStruct((vocab, 2 * n_sh, 128),
                                       jnp.float32),
        scratch_shapes=[
            pltpu.VMEM((2 * vt, emb), jnp.bfloat16),
            pltpu.VMEM((vt, seq), jnp.float32),
            pltpu.VMEM((vt, seq), jnp.float32),
            pltpu.VMEM((rem, seq), jnp.float32),
            pltpu.VMEM((rem, seq), jnp.float32),
            pltpu.SemaphoreType.DMA,
            pltpu.SemaphoreType.DMA,
        ],
        compiler_params=pltpu.CompilerParams(
            dimension_semantics=("arbitrary", "arbitrary"),
        ),
    )(xs, w_out)
    out4 = out3.reshape(vocab, n_sh, batch, 128)
    return out4.transpose(2, 1, 3, 0).reshape(batch, seq, vocab)


def kernel(in_idx, tok_emb, pos_emb, W_out):
    batch, seq = in_idx.shape
    vocab, emb = W_out.shape
    idx_flat = in_idx.reshape(-1)
    x_tok = _sc_gather(tok_emb, idx_flat, batch * seq, emb)
    xs = _tc_prep(x_tok, pos_emb[:seq], batch, seq)
    return _tc_matmul(xs, W_out, batch, seq, vt=1024)

# --- scband reference (transcript-rebuilt; emitter-appended) ---
"""Pipeline reference for scband-dummy-gptmodel-78116865179649 (READ-ONLY COPY).

The authoritative reference and input builder live on the scoring server;
editing this copy changes nothing except your own understanding.
"""

import jax, jax.numpy as jnp
import numpy as np

VOCAB = 50257
EMB = 768
CTX = 2048
BATCH = 2
SEQ = 2048


def setup_inputs(seed: int = 0) -> dict:
    key = jax.random.key(seed)
    k1, k2, k3, k4 = jax.random.split(key, 4)
    in_idx = jax.random.randint(k1, (BATCH, SEQ), 0, VOCAB, dtype=jnp.int32)
    tok_emb = jax.random.normal(k2, (VOCAB, EMB), dtype=jnp.float32) * 0.02
    pos_emb = jax.random.normal(k3, (CTX, EMB), dtype=jnp.float32) * 0.02
    # nn.Linear(emb_dim, vocab_size, bias=False) weight has shape [vocab_size, emb_dim]
    W_out = jax.random.normal(k4, (VOCAB, EMB), dtype=jnp.float32) * 0.02
    return {"in_idx": in_idx, "tok_emb": tok_emb, "pos_emb": pos_emb, "W_out": W_out}


def reference(in_idx, tok_emb, pos_emb, W_out):
    batch_size, seq_len = in_idx.shape
    # token embedding lookup (gather)
    tok_embeds = jnp.take(tok_emb, in_idx, axis=0)            # [B, S, E]
    # positional embedding lookup (gather over arange)
    pos_embeds = jnp.take(pos_emb, jnp.arange(seq_len), axis=0)  # [S, E]
    x = tok_embeds + pos_embeds[None, :, :]
    # drop_rate = 0.0 -> dropout is identity
    # DummyTransformerBlock stack is identity; DummyLayerNorm is identity
    logits = x @ W_out.T                                       # [B, S, VOCAB]
    return logits

if __name__ == "__main__":
    import jax
    _d = setup_inputs()
    print(jax.jit(kernel)(*tuple(_d.values())))

</pallas_src>

<mosaic_0001>
#map = affine_map<(d0, d1) -> (0, 0)>
#map1 = affine_map<(d0, d1) -> (0)>
module attributes {stable_mosaic.version = 14 : i64} {
  func.func @gather_kernel(%arg0: i32, %arg1: i32, %arg2: memref<50257x768xf32, #tpu.memory_space<hbm>>, %arg3: memref<4096xi32, #tpu.memory_space<hbm>>, %arg4: memref<4096x768xf32, #tpu.memory_space<hbm>>, %arg5: memref<128xi32, #tpu.memory_space<vmem>>, %arg6: memref<128x768xf32, #tpu.memory_space<vmem>>, %arg7: memref<!tpu.dma_semaphore, #tpu.memory_space<semaphore_mem>>) attributes {dimension_semantics = [#tpu.dimension_semantics<core_parallel>, #tpu.dimension_semantics<subcore_parallel>], iteration_bounds = array<i64: 2, 16>, scalar_prefetch = 0 : i64, scratch_operands = 3 : i64, tpu.core_type = #tpu.core_type<sc_vector_subcore>, window_params = [{transform_indices = #map}, {transform_indices = #map1}, {transform_indices = #map}]} {
    %mul3A = arith.constant 2 : i32
    %mul3A_0 = arith.muli %arg1, %mul3A : i32
    %add3A = arith.addi %mul3A_0, %arg0 : i32
    %mul3A_1 = arith.constant 128 : i32
    %mul3A_2 = arith.muli %add3A, %mul3A_1 : i32
    "tpu.region"() ({
      %run_scoped3A = tpu.sem_alloc : memref<!tpu.dma_semaphore, #tpu.memory_space<semaphore_mem>>
      %dma_start3A_7 = tpu.memref_slice %arg3[%mul3A_2] : memref<4096xi32, #tpu.memory_space<hbm>> -> memref<128xi32, #tpu.memory_space<hbm>>
      %dma_start3A_8 = tpu.memref_slice %arg3[%mul3A_2] : memref<4096xi32, #tpu.memory_space<hbm>> -> memref<128xi32, #tpu.memory_space<hbm>>
      tpu.enqueue_dma source(%dma_start3A_8 : memref<128xi32, #tpu.memory_space<hbm>>) target(%arg5 : memref<128xi32, #tpu.memory_space<vmem>>) target_semaphore(%run_scoped3A : memref<!tpu.dma_semaphore, #tpu.memory_space<semaphore_mem>>)
      %dma_wait3A_9 = tpu.memref_slice %arg3[%mul3A_2] : memref<4096xi32, #tpu.memory_space<hbm>> -> memref<128xi32, #tpu.memory_space<hbm>>
      %dma_wait3A_10 = tpu.memref_slice %arg3[%mul3A_2] : memref<4096xi32, #tpu.memory_space<hbm>> -> memref<128xi32, #tpu.memory_space<hbm>>
      tpu.wait_dma2 semaphore(%run_scoped3A : memref<!tpu.dma_semaphore, #tpu.memory_space<semaphore_mem>>) src(%dma_wait3A_10 : memref<128xi32, #tpu.memory_space<hbm>>) dst(%arg5 : memref<128xi32, #tpu.memory_space<vmem>>)
      tpu.yield
    }) : () -> ()
    %dma_start3A = arith.constant 0 : i32
    %dma_start3A_3 = arith.constant 0 : i32
    %dma_start3A_4 = tpu.memref_slice %arg2[%dma_start3A, %dma_start3A_3] : memref<50257x768xf32, #tpu.memory_space<hbm>> -> memref<50257x768xf32, #tpu.memory_space<hbm>>
    tpu.enqueue_indirect_dma source(%dma_start3A_4 : memref<50257x768xf32, #tpu.memory_space<hbm>>) target(%arg6 : memref<128x768xf32, #tpu.memory_space<vmem>>) offsets(%arg5 : memref<128xi32, #tpu.memory_space<vmem>>) semaphore(%arg7 : memref<!tpu.dma_semaphore, #tpu.memory_space<semaphore_mem>>)
    %dma_wait3A = arith.constant 0 : i32
    %dma_wait3A_5 = arith.constant 0 : i32
    %dma_wait3A_6 = tpu.memref_slice %arg2[%dma_wait3A, %dma_wait3A_5] : memref<50257x768xf32, #tpu.memory_space<hbm>> -> memref<50257x768xf32, #tpu.memory_space<hbm>>
    tpu.wait_indirect_dma semaphore(%arg7 : memref<!tpu.dma_semaphore, #tpu.memory_space<semaphore_mem>>) src(%dma_wait3A_6 : memref<50257x768xf32, #tpu.memory_space<hbm>>) dst(%arg6 : memref<128x768xf32, #tpu.memory_space<vmem>>)
    "tpu.region"() ({
      %run_scoped3A = tpu.sem_alloc : memref<!tpu.dma_semaphore, #tpu.memory_space<semaphore_mem>>
      %dma_start3A_7 = arith.constant 0 : i32
      %dma_start3A_8 = tpu.memref_slice %arg4[%mul3A_2, %dma_start3A_7] : memref<4096x768xf32, #tpu.memory_space<hbm>> -> memref<128x768xf32, #tpu.memory_space<hbm>>
      %dma_start3A_9 = arith.constant 0 : i32
      %dma_start3A_10 = tpu.memref_slice %arg4[%mul3A_2, %dma_start3A_9] : memref<4096x768xf32, #tpu.memory_space<hbm>> -> memref<128x768xf32, #tpu.memory_space<hbm>>
      tpu.enqueue_dma source(%arg6 : memref<128x768xf32, #tpu.memory_space<vmem>>) target(%dma_start3A_10 : memref<128x768xf32, #tpu.memory_space<hbm>>) target_semaphore(%run_scoped3A : memref<!tpu.dma_semaphore, #tpu.memory_space<semaphore_mem>>)
      %dma_wait3A_11 = arith.constant 0 : i32
      %dma_wait3A_12 = tpu.memref_slice %arg4[%mul3A_2, %dma_wait3A_11] : memref<4096x768xf32, #tpu.memory_space<hbm>> -> memref<128x768xf32, #tpu.memory_space<hbm>>
      %dma_wait3A_13 = arith.constant 0 : i32
      %dma_wait3A_14 = tpu.memref_slice %arg4[%mul3A_2, %dma_wait3A_13] : memref<4096x768xf32, #tpu.memory_space<hbm>> -> memref<128x768xf32, #tpu.memory_space<hbm>>
      tpu.wait_dma2 semaphore(%run_scoped3A : memref<!tpu.dma_semaphore, #tpu.memory_space<semaphore_mem>>) src(%arg6 : memref<128x768xf32, #tpu.memory_space<vmem>>) dst(%dma_wait3A_14 : memref<128x768xf32, #tpu.memory_space<hbm>>)
      tpu.yield
    }) : () -> ()
    return
  }
}

module attributes {stable_mosaic.version = 14 : i64} {
  func.func @prep_kernel(%arg0: memref<4096x768xf32, #tpu.memory_space<vmem>>, %arg1: memref<2048x768xf32, #tpu.memory_space<vmem>>, %arg2: memref<4096x768xbf16, #tpu.memory_space<vmem>>) attributes {dimension_semantics = [], scalar_prefetch = 0 : i64, scratch_operands = 0 : i64, tpu.core_type = #tpu.core_type<tc>} {
    %get3A = arith.constant 0 : index
    %get3A_0 = arith.constant 0 : index
    %get3A_1 = vector.load %arg0[%get3A, %get3A_0] : memref<4096x768xf32, #tpu.memory_space<vmem>>, vector<2048x768xf32>
    %get3A_2 = arith.constant 0 : index
    %get3A_3 = arith.constant 0 : index
    %get3A_4 = vector.load %arg1[%get3A_2, %get3A_3] : memref<2048x768xf32, #tpu.memory_space<vmem>>, vector<2048x768xf32>
    %add3A = arith.addf %get3A_1, %get3A_4 : vector<2048x768xf32>
    %convert_element_type3A = arith.truncf %add3A : vector<2048x768xf32> to vector<2048x768xbf16>
    %swap3A = arith.constant 0 : index
    %swap3A_5 = arith.constant 0 : index
    %swap3A_6 = vector.load %arg2[%swap3A, %swap3A_5] : memref<4096x768xbf16, #tpu.memory_space<vmem>>, vector<2048x768xbf16>
    tpu.vector_store %arg2[%swap3A, %swap3A_5], %convert_element_type3A {strides = array<i32>} : memref<4096x768xbf16, #tpu.memory_space<vmem>>, vector<2048x768xbf16>,
    %get3A_7 = arith.constant 2048 : index
    %get3A_8 = arith.constant 0 : index
    %get3A_9 = vector.load %arg0[%get3A_7, %get3A_8] : memref<4096x768xf32, #tpu.memory_space<vmem>>, vector<2048x768xf32>
    %get3A_10 = arith.constant 0 : index
    %get3A_11 = arith.constant 0 : index
    %get3A_12 = vector.load %arg1[%get3A_10, %get3A_11] : memref<2048x768xf32, #tpu.memory_space<vmem>>, vector<2048x768xf32>
    %add3A_13 = arith.addf %get3A_9, %get3A_12 : vector<2048x768xf32>
    %convert_element_type3A_14 = arith.truncf %add3A_13 : vector<2048x768xf32> to vector<2048x768xbf16>
    %swap3A_15 = arith.constant 2048 : index
    %swap3A_16 = arith.constant 0 : index
    %swap3A_17 = vector.load %arg2[%swap3A_15, %swap3A_16] : memref<4096x768xbf16, #tpu.memory_space<vmem>>, vector<2048x768xbf16>
    tpu.vector_store %arg2[%swap3A_15, %swap3A_16], %convert_element_type3A_14 {strides = array<i32>} : memref<4096x768xbf16, #tpu.memory_space<vmem>>, vector<2048x768xbf16>,
    return
  }
}

module attributes {stable_mosaic.version = 14 : i64} {
  func.func @mm_kernel(%arg0: i32, %arg1: i32, %arg2: memref<4096x768xbf16, #tpu.memory_space<vmem>>, %arg3: memref<1024x768xf32, #tpu.memory_space<vmem>>, %arg4: memref<50257x32x128xf32, #tpu.memory_space<hbm>>, %arg5: memref<2048x768xbf16, #tpu.memory_space<vmem>>, %arg6: memref<1024x2048xf32, #tpu.memory_space<vmem>>, %arg7: memref<1024x2048xf32, #tpu.memory_space<vmem>>, %arg8: memref<81x2048xf32, #tpu.memory_space<vmem>>, %arg9: memref<81x2048xf32, #tpu.memory_space<vmem>>, %arg10: memref<!tpu.dma_semaphore, #tpu.memory_space<semaphore_mem>>, %arg11: memref<!tpu.dma_semaphore, #tpu.memory_space<semaphore_mem>>) attributes {dimension_semantics = [#tpu.dimension_semantics<arbitrary>, #tpu.dimension_semantics<arbitrary>], iteration_bounds = array<i64: 50, 2>, scalar_prefetch = 0 : i64, scratch_operands = 7 : i64, tpu.core_type = #tpu.core_type<tc>, window_params = [{pipeline_mode = #tpu.pipeline_mode<synchronous>, transform_indices = @transform_0, window_bounds = array<i64: 4096, 768>}, {transform_indices = @transform_1, window_bounds = array<i64: 1024, 768>}, {}]} {
    %eq3A = arith.constant 0 : i32
    %eq3A_0 = arith.cmpi eq, %arg0, %eq3A : i32
    %eq3A_1 = arith.constant 0 : i32
    %eq3A_2 = arith.cmpi eq, %arg1, %eq3A_1 : i32
    %and3A = arith.andi %eq3A_0, %eq3A_2 : i1
    %convert_element_type3A = arith.extui %and3A : i1 to i32
    %cond3A = arith.constant 0 : i32
    %cond3A_3 = arith.cmpi ne, %convert_element_type3A, %cond3A : i32
    scf.if %cond3A_3 {
      %get3A = arith.constant 0 : index
      %get3A_29 = arith.constant 0 : index
      %get3A_30 = vector.load %arg3[%get3A, %get3A_29] : memref<1024x768xf32, #tpu.memory_space<vmem>>, vector<1024x768xf32>
      %convert_element_type3A_31 = arith.truncf %get3A_30 : vector<1024x768xf32> to vector<1024x768xbf16>
      %swap3A = arith.constant 0 : index
      %swap3A_32 = arith.constant 0 : index
      %swap3A_33 = vector.load %arg5[%swap3A, %swap3A_32] : memref<2048x768xbf16, #tpu.memory_space<vmem>>, vector<1024x768xbf16>
      tpu.vector_store %arg5[%swap3A, %swap3A_32], %convert_element_type3A_31 {strides = array<i32>} : memref<2048x768xbf16, #tpu.memory_space<vmem>>, vector<1024x768xbf16>,
    } else {
    }
    %eq3A_4 = arith.constant 1 : i32
    %eq3A_5 = arith.cmpi eq, %arg1, %eq3A_4 : i32
    %lt3A = arith.constant 49 : i32
    %lt3A_6 = arith.cmpi slt, %arg0, %lt3A : i32
    %and3A_7 = arith.andi %eq3A_5, %lt3A_6 : i1
    %convert_element_type3A_8 = arith.extui %and3A_7 : i1 to i32
    %cond3A_9 = arith.constant 0 : i32
    %cond3A_10 = arith.cmpi ne, %convert_element_type3A_8, %cond3A_9 : i32
    scf.if %cond3A_10 {
      %get3A = arith.constant 0 : index
      %get3A_29 = arith.constant 0 : index
      %get3A_30 = vector.load %arg3[%get3A, %get3A_29] : memref<1024x768xf32, #tpu.memory_space<vmem>>, vector<1024x768xf32>
      %convert_element_type3A_31 = arith.truncf %get3A_30 : vector<1024x768xf32> to vector<1024x768xbf16>
      %add3A = arith.constant 1 : i32
      %add3A_32 = arith.addi %arg0, %add3A : i32
      %jit3A = arith.constant 2 : i32
      %eq3A_33 = arith.constant 0 : i32
      %eq3A_34 = arith.cmpi eq, %jit3A, %eq3A_33 : i32
      %jit3A_35 = arith.constant 1 : i32
      %select_n3A = arith.select %eq3A_34, %jit3A_35, %jit3A : i32
      %rem3A = arith.remsi %add3A_32, %select_n3A : i32
      %ne3A = arith.constant 0 : i32
      %ne3A_36 = arith.cmpi ne, %rem3A, %ne3A : i32
      %lt3A_37 = arith.constant 0 : i32
      %lt3A_38 = arith.cmpi slt, %rem3A, %lt3A_37 : i32
      %lt3A_39 = arith.constant 0 : i32
      %lt3A_40 = arith.cmpi slt, %select_n3A, %lt3A_39 : i32
      %ne3A_41 = arith.xori %lt3A_38, %lt3A_40 : i1
      %and3A_42 = arith.andi %ne3A_41, %ne3A_36 : i1
      %add3A_43 = arith.addi %rem3A, %select_n3A : i32
      %select_n3A_44 = arith.select %and3A_42, %add3A_43, %rem3A : i32
      %mul3A = arith.constant 1024 : i32
      %mul3A_45 = arith.muli %select_n3A_44, %mul3A : i32
      %swap3A = arith.index_cast %mul3A_45 : i32 to index
      %swap3A_46 = arith.constant 0 : index
      %swap3A_47 = vector.load %arg5[%swap3A, %swap3A_46] : memref<2048x768xbf16, #tpu.memory_space<vmem>>, vector<1024x768xbf16>
      tpu.vector_store %arg5[%swap3A, %swap3A_46], %convert_element_type3A_31 {strides = array<i32>} : memref<2048x768xbf16, #tpu.memory_space<vmem>>, vector<1024x768xbf16>,
    } else {
    }
    %eq3A_11 = arith.constant 0 : i32
    %eq3A_12 = arith.cmpi eq, %arg1, %eq3A_11 : i32
    %convert_element_type3A_13 = arith.extui %eq3A_12 : i1 to i32
    %cond3A_14 = arith.constant 0 : i32
    %cond3A_15 = arith.cmpi ne, %convert_element_type3A_13, %cond3A_14 : i32
    scf.if %cond3A_15 {
      %ge3A = arith.constant 1 : i32
      %ge3A_29 = arith.cmpi sge, %arg0, %ge3A : i32
      %convert_element_type3A_30 = arith.extui %ge3A_29 : i1 to i32
      %cond3A_31 = arith.constant 0 : i32
      %cond3A_32 = arith.cmpi ne, %convert_element_type3A_30, %cond3A_31 : i32
      scf.if %cond3A_32 {
        %mul3A = arith.constant 1024 : i32
        %mul3A_43 = arith.muli %arg0, %mul3A : i32
        %add3A = arith.constant 0 : i32
        %add3A_44 = arith.addi %add3A, %arg1 : i32
        %mul3A_45 = arith.constant 1024 : i32
        %mul3A_46 = arith.muli %arg0, %mul3A_45 : i32
        %add3A_47 = arith.constant 2 : i32
        %add3A_48 = arith.addi %add3A_47, %arg1 : i32
        %mul3A_49 = arith.constant 1024 : i32
        %mul3A_50 = arith.muli %arg0, %mul3A_49 : i32
        %add3A_51 = arith.constant 4 : i32
        %add3A_52 = arith.addi %add3A_51, %arg1 : i32
        %mul3A_53 = arith.constant 1024 : i32
        %mul3A_54 = arith.muli %arg0, %mul3A_53 : i32
        %add3A_55 = arith.constant 6 : i32
        %add3A_56 = arith.addi %add3A_55, %arg1 : i32
        %mul3A_57 = arith.constant 1024 : i32
        %mul3A_58 = arith.muli %arg0, %mul3A_57 : i32
        %add3A_59 = arith.constant 8 : i32
        %add3A_60 = arith.addi %add3A_59, %arg1 : i32
        %mul3A_61 = arith.constant 1024 : i32
        %mul3A_62 = arith.muli %arg0, %mul3A_61 : i32
        %add3A_63 = arith.constant 10 : i32
        %add3A_64 = arith.addi %add3A_63, %arg1 : i32
        %mul3A_65 = arith.constant 1024 : i32
        %mul3A_66 = arith.muli %arg0, %mul3A_65 : i32
        %add3A_67 = arith.constant 12 : i32
        %add3A_68 = arith.addi %add3A_67, %arg1 : i32
        %mul3A_69 = arith.constant 1024 : i32
        %mul3A_70 = arith.muli %arg0, %mul3A_69 : i32
        %add3A_71 = arith.constant 14 : i32
        %add3A_72 = arith.addi %add3A_71, %arg1 : i32
        %mul3A_73 = arith.constant 1024 : i32
        %mul3A_74 = arith.muli %arg0, %mul3A_73 : i32
        %add3A_75 = arith.constant 16 : i32
        %add3A_76 = arith.addi %add3A_75, %arg1 : i32
        %mul3A_77 = arith.constant 1024 : i32
        %mul3A_78 = arith.muli %arg0, %mul3A_77 : i32
        %add3A_79 = arith.constant 18 : i32
        %add3A_80 = arith.addi %add3A_79, %arg1 : i32
        %mul3A_81 = arith.constant 1024 : i32
        %mul3A_82 = arith.muli %arg0, %mul3A_81 : i32
        %add3A_83 = arith.constant 20 : i32
        %add3A_84 = arith.addi %add3A_83, %arg1 : i32
        %mul3A_85 = arith.constant 1024 : i32
        %mul3A_86 = arith.muli %arg0, %mul3A_85 : i32
        %add3A_87 = arith.constant 22 : i32
        %add3A_88 = arith.addi %add3A_87, %arg1 : i32
        %mul3A_89 = arith.constant 1024 : i32
        %mul3A_90 = arith.muli %arg0, %mul3A_89 : i32
        %add3A_91 = arith.constant 24 : i32
        %add3A_92 = arith.addi %add3A_91, %arg1 : i32
        %mul3A_93 = arith.constant 1024 : i32
        %mul3A_94 = arith.muli %arg0, %mul3A_93 : i32
        %add3A_95 = arith.constant 26 : i32
        %add3A_96 = arith.addi %add3A_95, %arg1 : i32
        %mul3A_97 = arith.constant 1024 : i32
        %mul3A_98 = arith.muli %arg0, %mul3A_97 : i32
        %add3A_99 = arith.constant 28 : i32
        %add3A_100 = arith.addi %add3A_99, %arg1 : i32
        %mul3A_101 = arith.constant 1024 : i32
        %mul3A_102 = arith.muli %arg0, %mul3A_101 : i32
        %add3A_103 = arith.constant 30 : i32
        %add3A_104 = arith.addi %add3A_103, %arg1 : i32
        %dma_wait3A = arith.constant 0 : i32
        %dma_wait3A_105 = tpu.memref_slice %arg4[%mul3A_43, %add3A_44, %dma_wait3A] : memref<50257x32x128xf32, #tpu.memory_space<hbm>> -> memref<1024x1x128xf32, #tpu.memory_space<hbm>>
        %dma_wait3A_106 = tpu.memref_squeeze %dma_wait3A_105 : memref<1024x1x128xf32, #tpu.memory_space<hbm>> -> memref<1024x128xf32, #tpu.memory_space<hbm>>
        %dma_wait3A_107 = arith.constant 0 : i32
        %dma_wait3A_108 = arith.constant 0 : i32
        %dma_wait3A_109 = tpu.memref_slice %arg6[%dma_wait3A_107, %dma_wait3A_108] : memref<1024x2048xf32, #tpu.memory_space<vmem>> -> memref<1024x128xf32, #tpu.memory_space<vmem>>
        tpu.wait_dma2 semaphore(%arg10 : memref<!tpu.dma_semaphore, #tpu.memory_space<semaphore_mem>>) src(%dma_wait3A_109 : memref<1024x128xf32, #tpu.memory_space<vmem>>) dst(%dma_wait3A_106 : memref<1024x128xf32, #tpu.memory_space<hbm>>)
        %dma_wait3A_110 = arith.constant 0 : i32
        %dma_wait3A_111 = tpu.memref_slice %arg4[%mul3A_46, %add3A_48, %dma_wait3A_110] : memref<50257x32x128xf32, #tpu.memory_space<hbm>> -> memref<1024x1x128xf32, #tpu.memory_space<hbm>>
        %dma_wait3A_112 = tpu.memref_squeeze %dma_wait3A_111 : memref<1024x1x128xf32, #tpu.memory_space<hbm>> -> memref<1024x128xf32, #tpu.memory_space<hbm>>
        %dma_wait3A_113 = arith.constant 0 : i32
        %dma_wait3A_114 = arith.constant 128 : i32
        %dma_wait3A_115 = tpu.memref_slice %arg6[%dma_wait3A_113, %dma_wait3A_114] : memref<1024x2048xf32, #tpu.memory_space<vmem>> -> memref<1024x128xf32, #tpu.memory_space<vmem>>
        tpu.wait_dma2 semaphore(%arg10 : memref<!tpu.dma_semaphore, #tpu.memory_space<semaphore_mem>>) src(%dma_wait3A_115 : memref<1024x128xf32, #tpu.memory_space<vmem>>) dst(%dma_wait3A_112 : memref<1024x128xf32, #tpu.memory_space<hbm>>)
        %dma_wait3A_116 = arith.constant 0 : i32
        %dma_wait3A_117 = tpu.memref_slice %arg4[%mul3A_50, %add3A_52, %dma_wait3A_116] : memref<50257x32x128xf32, #tpu.memory_space<hbm>> -> memref<1024x1x128xf32, #tpu.memory_space<hbm>>
        %dma_wait3A_118 = tpu.memref_squeeze %dma_wait3A_117 : memref<1024x1x128xf32, #tpu.memory_space<hbm>> -> memref<1024x128xf32, #tpu.memory_space<hbm>>
        %dma_wait3A_119 = arith.constant 0 : i32
        %dma_wait3A_120 = arith.constant 256 : i32
        %dma_wait3A_121 = tpu.memref_slice %arg6[%dma_wait3A_119, %dma_wait3A_120] : memref<1024x2048xf32, #tpu.memory_space<vmem>> -> memref<1024x128xf32, #tpu.memory_space<vmem>>
        tpu.wait_dma2 semaphore(%arg10 : memref<!tpu.dma_semaphore, #tpu.memory_space<semaphore_mem>>) src(%dma_wait3A_121 : memref<1024x128xf32, #tpu.memory_space<vmem>>) dst(%dma_wait3A_118 : memref<1024x128xf32, #tpu.memory_space<hbm>>)
        %dma_wait3A_122 = arith.constant 0 : i32
        %dma_wait3A_123 = tpu.memref_slice %arg4[%mul3A_54, %add3A_56, %dma_wait3A_122] : memref<50257x32x128xf32, #tpu.memory_space<hbm>> -> memref<1024x1x128xf32, #tpu.memory_space<hbm>>
        %dma_wait3A_124 = tpu.memref_squeeze %dma_wait3A_123 : memref<1024x1x128xf32, #tpu.memory_space<hbm>> -> memref<1024x128xf32, #tpu.memory_space<hbm>>
        %dma_wait3A_125 = arith.constant 0 : i32
        %dma_wait3A_126 = arith.constant 384 : i32
        %dma_wait3A_127 = tpu.memref_slice %arg6[%dma_wait3A_125, %dma_wait3A_126] : memref<1024x2048xf32, #tpu.memory_space<vmem>> -> memref<1024x128xf32, #tpu.memory_space<vmem>>
        tpu.wait_dma2 semaphore(%arg10 : memref<!tpu.dma_semaphore, #tpu.memory_space<semaphore_mem>>) src(%dma_wait3A_127 : memref<1024x128xf32, #tpu.memory_space<vmem>>) dst(%dma_wait3A_124 : memref<1024x128xf32, #tpu.memory_space<hbm>>)
        %dma_wait3A_128 = arith.constant 0 : i32
        %dma_wait3A_129 = tpu.memref_slice %arg4[%mul3A_58, %add3A_60, %dma_wait3A_128] : memref<50257x32x128xf32, #tpu.memory_space<hbm>> -> memref<1024x1x128xf32, #tpu.memory_space<hbm>>
        %dma_wait3A_130 = tpu.memref_squeeze %dma_wait3A_129 : memref<1024x1x128xf32, #tpu.memory_space<hbm>> -> memref<1024x128xf32, #tpu.memory_space<hbm>>
        %dma_wait3A_131 = arith.constant 0 : i32
        %dma_wait3A_132 = arith.constant 512 : i32
        %dma_wait3A_133 = tpu.memref_slice %arg6[%dma_wait3A_131, %dma_wait3A_132] : memref<1024x2048xf32, #tpu.memory_space<vmem>> -> memref<1024x128xf32, #tpu.memory_space<vmem>>
        tpu.wait_dma2 semaphore(%arg10 : memref<!tpu.dma_semaphore, #tpu.memory_space<semaphore_mem>>) src(%dma_wait3A_133 : memref<1024x128xf32, #tpu.memory_space<vmem>>) dst(%dma_wait3A_130 : memref<1024x128xf32, #tpu.memory_space<hbm>>)
        %dma_wait3A_134 = arith.constant 0 : i32
        %dma_wait3A_135 = tpu.memref_slice %arg4[%mul3A_62, %add3A_64, %dma_wait3A_134] : memref<50257x32x128xf32, #tpu.memory_space<hbm>> -> memref<1024x1x128xf32, #tpu.memory_space<hbm>>
        %dma_wait3A_136 = tpu.memref_squeeze %dma_wait3A_135 : memref<1024x1x128xf32, #tpu.memory_space<hbm>> -> memref<1024x128xf32, #tpu.memory_space<hbm>>
        %dma_wait3A_137 = arith.constant 0 : i32
        %dma_wait3A_138 = arith.constant 640 : i32
        %dma_wait3A_139 = tpu.memref_slice %arg6[%dma_wait3A_137, %dma_wait3A_138] : memref<1024x2048xf32, #tpu.memory_space<vmem>> -> memref<1024x128xf32, #tpu.memory_space<vmem>>
        tpu.wait_dma2 semaphore(%arg10 : memref<!tpu.dma_semaphore, #tpu.memory_space<semaphore_mem>>) src(%dma_wait3A_139 : memref<1024x128xf32, #tpu.memory_space<vmem>>) dst(%dma_wait3A_136 : memref<1024x128xf32, #tpu.memory_space<hbm>>)
        %dma_wait3A_140 = arith.constant 0 : i32
        %dma_wait3A_141 = tpu.memref_slice %arg4[%mul3A_66, %add3A_68, %dma_wait3A_140] : memref<50257x32x128xf32, #tpu.memory_space<hbm>> -> memref<1024x1x128xf32, #tpu.memory_space<hbm>>
        %dma_wait3A_142 = tpu.memref_squeeze %dma_wait3A_141 : memref<1024x1x128xf32, #tpu.memory_space<hbm>> -> memref<1024x128xf32, #tpu.memory_space<hbm>>
        %dma_wait3A_143 = arith.constant 0 : i32
        %dma_wait3A_144 = arith.constant 768 : i32
        %dma_wait3A_145 = tpu.memref_slice %arg6[%dma_wait3A_143, %dma_wait3A_144] : memref<1024x2048xf32, #tpu.memory_space<vmem>> -> memref<1024x128xf32, #tpu.memory_space<vmem>>
        tpu.wait_dma2 semaphore(%arg10 : memref<!tpu.dma_semaphore, #tpu.memory_space<semaphore_mem>>) src(%dma_wait3A_145 : memref<1024x128xf32, #tpu.memory_space<vmem>>) dst(%dma_wait3A_142 : memref<1024x128xf32, #tpu.memory_space<hbm>>)
        %dma_wait3A_146 = arith.constant 0 : i32
        %dma_wait3A_147 = tpu.memref_slice %arg4[%mul3A_70, %add3A_72, %dma_wait3A_146] : memref<50257x32x128xf32, #tpu.memory_space<hbm>> -> memref<1024x1x128xf32, #tpu.memory_space<hbm>>
        %dma_wait3A_148 = tpu.memref_squeeze %dma_wait3A_147 : memref<1024x1x128xf32, #tpu.memory_space<hbm>> -> memref<1024x128xf32, #tpu.memory_space<hbm>>
        %dma_wait3A_149 = arith.constant 0 : i32
        %dma_wait3A_150 = arith.constant 896 : i32
        %dma_wait3A_151 = tpu.memref_slice %arg6[%dma_wait3A_149, %dma_wait3A_150] : memref<1024x2048xf32, #tpu.memory_space<vmem>> -> memref<1024x128xf32, #tpu.memory_space<vmem>>
        tpu.wait_dma2 semaphore(%arg10 : memref<!tpu.dma_semaphore, #tpu.memory_space<semaphore_mem>>) src(%dma_wait3A_151 : memref<1024x128xf32, #tpu.memory_space<vmem>>) dst(%dma_wait3A_148 : memref<1024x128xf32, #tpu.memory_space<hbm>>)
        %dma_wait3A_152 = arith.constant 0 : i32
        %dma_wait3A_153 = tpu.memref_slice %arg4[%mul3A_74, %add3A_76, %dma_wait3A_152] : memref<50257x32x128xf32, #tpu.memory_space<hbm>> -> memref<1024x1x128xf32, #tpu.memory_space<hbm>>
        %dma_wait3A_154 = tpu.memref_squeeze %dma_wait3A_153 : memref<1024x1x128xf32, #tpu.memory_space<hbm>> -> memref<1024x128xf32, #tpu.memory_space<hbm>>
        %dma_wait3A_155 = arith.constant 0 : i32
        %dma_wait3A_156 = arith.constant 1024 : i32
        %dma_wait3A_157 = tpu.memref_slice %arg6[%dma_wait3A_155, %dma_wait3A_156] : memref<1024x2048xf32, #tpu.memory_space<vmem>> -> memref<1024x128xf32, #tpu.memory_space<vmem>>
        tpu.wait_dma2 semaphore(%arg10 : memref<!tpu.dma_semaphore, #tpu.memory_space<semaphore_mem>>) src(%dma_wait3A_157 : memref<1024x128xf32, #tpu.memory_space<vmem>>) dst(%dma_wait3A_154 : memref<1024x128xf32, #tpu.memory_space<hbm>>)
        %dma_wait3A_158 = arith.constant 0 : i32
        %dma_wait3A_159 = tpu.memref_slice %arg4[%mul3A_78, %add3A_80, %dma_wait3A_158] : memref<50257x32x128xf32, #tpu.memory_space<hbm>> -> memref<1024x1x128xf32, #tpu.memory_space<hbm>>
        %dma_wait3A_160 = tpu.memref_squeeze %dma_wait3A_159 : memref<1024x1x128xf32, #tpu.memory_space<hbm>> -> memref<1024x128xf32, #tpu.memory_space<hbm>>
        %dma_wait3A_161 = arith.constant 0 : i32
        %dma_wait3A_162 = arith.constant 1152 : i32
        %dma_wait3A_163 = tpu.memref_slice %arg6[%dma_wait3A_161, %dma_wait3A_162] : memref<1024x2048xf32, #tpu.memory_space<vmem>> -> memref<1024x128xf32, #tpu.memory_space<vmem>>
        tpu.wait_dma2 semaphore(%arg10 : memref<!tpu.dma_semaphore, #tpu.memory_space<semaphore_mem>>) src(%dma_wait3A_163 : memref<1024x128xf32, #tpu.memory_space<vmem>>) dst(%dma_wait3A_160 : memref<1024x128xf32, #tpu.memory_space<hbm>>)
        %dma_wait3A_164 = arith.constant 0 : i32
        %dma_wait3A_165 = tpu.memref_slice %arg4[%mul3A_82, %add3A_84, %dma_wait3A_164] : memref<50257x32x128xf32, #tpu.memory_space<hbm>> -> memref<1024x1x128xf32, #tpu.memory_space<hbm>>
        %dma_wait3A_166 = tpu.memref_squeeze %dma_wait3A_165 : memref<1024x1x128xf32, #tpu.memory_space<hbm>> -> memref<1024x128xf32, #tpu.memory_space<hbm>>
        %dma_wait3A_167 = arith.constant 0 : i32
        %dma_wait3A_168 = arith.constant 1280 : i32
        %dma_wait3A_169 = tpu.memref_slice %arg6[%dma_wait3A_167, %dma_wait3A_168] : memref<1024x2048xf32, #tpu.memory_space<vmem>> -> memref<1024x128xf32, #tpu.memory_space<vmem>>
        tpu.wait_dma2 semaphore(%arg10 : memref<!tpu.dma_semaphore, #tpu.memory_space<semaphore_mem>>) src(%dma_wait3A_169 : memref<1024x128xf32, #tpu.memory_space<vmem>>) dst(%dma_wait3A_166 : memref<1024x128xf32, #tpu.memory_space<hbm>>)
        %dma_wait3A_170 = arith.constant 0 : i32
        %dma_wait3A_171 = tpu.memref_slice %arg4[%mul3A_86, %add3A_88, %dma_wait3A_170] : memref<50257x32x128xf32, #tpu.memory_space<hbm>> -> memref<1024x1x128xf32, #tpu.memory_space<hbm>>
        %dma_wait3A_172 = tpu.memref_squeeze %dma_wait3A_171 : memref<1024x1x128xf32, #tpu.memory_space<hbm>> -> memref<1024x128xf32, #tpu.memory_space<hbm>>
        %dma_wait3A_173 = arith.constant 0 : i32
        %dma_wait3A_174 = arith.constant 1408 : i32
        %dma_wait3A_175 = tpu.memref_slice %arg6[%dma_wait3A_173, %dma_wait3A_174] : memref<1024x2048xf32, #tpu.memory_space<vmem>> -> memref<1024x128xf32, #tpu.memory_space<vmem>>
        tpu.wait_dma2 semaphore(%arg10 : memref<!tpu.dma_semaphore, #tpu.memory_space<semaphore_mem>>) src(%dma_wait3A_175 : memref<1024x128xf32, #tpu.memory_space<vmem>>) dst(%dma_wait3A_172 : memref<1024x128xf32, #tpu.memory_space<hbm>>)
        %dma_wait3A_176 = arith.constant 0 : i32
        %dma_wait3A_177 = tpu.memref_slice %arg4[%mul3A_90, %add3A_92, %dma_wait3A_176] : memref<50257x32x128xf32, #tpu.memory_space<hbm>> -> memref<1024x1x128xf32, #tpu.memory_space<hbm>>
        %dma_wait3A_178 = tpu.memref_squeeze %dma_wait3A_177 : memref<1024x1x128xf32, #tpu.memory_space<hbm>> -> memref<1024x128xf32, #tpu.memory_space<hbm>>
        %dma_wait3A_179 = arith.constant 0 : i32
        %dma_wait3A_180 = arith.constant 1536 : i32
        %dma_wait3A_181 = tpu.memref_slice %arg6[%dma_wait3A_179, %dma_wait3A_180] : memref<1024x2048xf32, #tpu.memory_space<vmem>> -> memref<1024x128xf32, #tpu.memory_space<vmem>>
        tpu.wait_dma2 semaphore(%arg10 : memref<!tpu.dma_semaphore, #tpu.memory_space<semaphore_mem>>) src(%dma_wait3A_181 : memref<1024x128xf32, #tpu.memory_space<vmem>>) dst(%dma_wait3A_178 : memref<1024x128xf32, #tpu.memory_space<hbm>>)
        %dma_wait3A_182 = arith.constant 0 : i32
        %dma_wait3A_183 = tpu.memref_slice %arg4[%mul3A_94, %add3A_96, %dma_wait3A_182] : memref<50257x32x128xf32, #tpu.memory_space<hbm>> -> memref<1024x1x128xf32, #tpu.memory_space<hbm>>
        %dma_wait3A_184 = tpu.memref_squeeze %dma_wait3A_183 : memref<1024x1x128xf32, #tpu.memory_space<hbm>> -> memref<1024x128xf32, #tpu.memory_space<hbm>>
        %dma_wait3A_185 = arith.constant 0 : i32
        %dma_wait3A_186 = arith.constant 1664 : i32
        %dma_wait3A_187 = tpu.memref_slice %arg6[%dma_wait3A_185, %dma_wait3A_186] : memref<1024x2048xf32, #tpu.memory_space<vmem>> -> memref<1024x128xf32, #tpu.memory_space<vmem>>
        tpu.wait_dma2 semaphore(%arg10 : memref<!tpu.dma_semaphore, #tpu.memory_space<semaphore_mem>>) src(%dma_wait3A_187 : memref<1024x128xf32, #tpu.memory_space<vmem>>) dst(%dma_wait3A_184 : memref<1024x128xf32, #tpu.memory_space<hbm>>)
        %dma_wait3A_188 = arith.constant 0 : i32
        %dma_wait3A_189 = tpu.memref_slice %arg4[%mul3A_98, %add3A_100, %dma_wait3A_188] : memref<50257x32x128xf32, #tpu.memory_space<hbm>> -> memref<1024x1x128xf32, #tpu.memory_space<hbm>>
        %dma_wait3A_190 = tpu.memref_squeeze %dma_wait3A_189 : memref<1024x1x128xf32, #tpu.memory_space<hbm>> -> memref<1024x128xf32, #tpu.memory_space<hbm>>
        %dma_wait3A_191 = arith.constant 0 : i32
        %dma_wait3A_192 = arith.constant 1792 : i32
        %dma_wait3A_193 = tpu.memref_slice %arg6[%dma_wait3A_191, %dma_wait3A_192] : memref<1024x2048xf32, #tpu.memory_space<vmem>> -> memref<1024x128xf32, #tpu.memory_space<vmem>>
        tpu.wait_dma2 semaphore(%arg10 : memref<!tpu.dma_semaphore, #tpu.memory_space<semaphore_mem>>) src(%dma_wait3A_193 : memref<1024x128xf32, #tpu.memory_space<vmem>>) dst(%dma_wait3A_190 : memref<1024x128xf32, #tpu.memory_space<hbm>>)
        %dma_wait3A_194 = arith.constant 0 : i32
        %dma_wait3A_195 = tpu.memref_slice %arg4[%mul3A_102, %add3A_104, %dma_wait3A_194] : memref<50257x32x128xf32, #tpu.memory_space<hbm>> -> memref<1024x1x128xf32, #tpu.memory_space<hbm>>
        %dma_wait3A_196 = tpu.memref_squeeze %dma_wait3A_195 : memref<1024x1x128xf32, #tpu.memory_space<hbm>> -> memref<1024x128xf32, #tpu.memory_space<hbm>>
        %dma_wait3A_197 = arith.constant 0 : i32
        %dma_wait3A_198 = arith.constant 1920 : i32
        %dma_wait3A_199 = tpu.memref_slice %arg6[%dma_wait3A_197, %dma_wait3A_198] : memref<1024x2048xf32, #tpu.memory_space<vmem>> -> memref<1024x128xf32, #tpu.memory_space<vmem>>
        tpu.wait_dma2 semaphore(%arg10 : memref<!tpu.dma_semaphore, #tpu.memory_space<semaphore_mem>>) src(%dma_wait3A_199 : memref<1024x128xf32, #tpu.memory_space<vmem>>) dst(%dma_wait3A_196 : memref<1024x128xf32, #tpu.memory_space<hbm>>)
      } else {
      }
      %lt3A_33 = arith.constant 49 : i32
      %lt3A_34 = arith.cmpi slt, %arg0, %lt3A_33 : i32
      %convert_element_type3A_35 = arith.extui %lt3A_34 : i1 to i32
      %cond3A_36 = arith.constant 0 : i32
      %cond3A_37 = arith.cmpi ne, %convert_element_type3A_35, %cond3A_36 : i32
      scf.if %cond3A_37 {
        %jit3A = arith.constant 2 : i32
        %eq3A_43 = arith.constant 0 : i32
        %eq3A_44 = arith.cmpi eq, %jit3A, %eq3A_43 : i32
        %jit3A_45 = arith.constant 1 : i32
        %select_n3A = arith.select %eq3A_44, %jit3A_45, %jit3A : i32
        %rem3A = arith.remsi %arg0, %select_n3A : i32
        %ne3A = arith.constant 0 : i32
        %ne3A_46 = arith.cmpi ne, %rem3A, %ne3A : i32
        %lt3A_47 = arith.constant 0 : i32
        %lt3A_48 = arith.cmpi slt, %rem3A, %lt3A_47 : i32
        %lt3A_49 = arith.constant 0 : i32
        %lt3A_50 = arith.cmpi slt, %select_n3A, %lt3A_49 : i32
        %ne3A_51 = arith.xori %lt3A_48, %lt3A_50 : i1
        %and3A_52 = arith.andi %ne3A_51, %ne3A_46 : i1
        %add3A = arith.addi %rem3A, %select_n3A : i32
        %select_n3A_53 = arith.select %and3A_52, %add3A, %rem3A : i32
        %mul3A = arith.constant 1024 : i32
        %mul3A_54 = arith.muli %select_n3A_53, %mul3A : i32
        %get3A = arith.index_cast %mul3A_54 : i32 to index
        %get3A_55 = arith.constant 0 : index
        %get3A_56 = vector.load %arg5[%get3A, %get3A_55] : memref<2048x768xbf16, #tpu.memory_space<vmem>>, vector<1024x768xbf16>
        %mul3A_57 = arith.constant 2048 : i32
        %mul3A_58 = arith.muli %arg1, %mul3A_57 : i32
        %add3A_59 = arith.constant 0 : i32
        %add3A_60 = arith.addi %mul3A_58, %add3A_59 : i32
        %get3A_61 = arith.index_cast %add3A_60 : i32 to index
        %get3A_62 = arith.constant 0 : index
        %get3A_63 = vector.load %arg2[%get3A_61, %get3A_62] : memref<4096x768xbf16, #tpu.memory_space<vmem>>, vector<512x768xbf16>
        %dot_general3A = arith.constant dense<0.000000e+00> : vector<1024x512xf32>
        %dot_general3A_64 = tpu.matmul %get3A_56, %get3A_63, %dot_general3A {dimension_numbers = #tpu.dot_dimension_numbers<[1], [1], [0], [0], [0, 0, 1, 0], [], []>, transpose_lhs_hint = false} : vector<1024x768xbf16>, vector<512x768xbf16>, vector<1024x512xf32> -> vector<1024x512xf32>
        %swap3A = arith.constant 0 : index
        %swap3A_65 = arith.constant 0 : index
        %swap3A_66 = vector.load %arg6[%swap3A, %swap3A_65] : memref<1024x2048xf32, #tpu.memory_space<vmem>>, vector<1024x512xf32>
        tpu.vector_store %arg6[%swap3A, %swap3A_65], %dot_general3A_64 {strides = array<i32>} : memref<1024x2048xf32, #tpu.memory_space<vmem>>, vector<1024x512xf32>,
        %jit3A_67 = arith.constant 2 : i32
        %eq3A_68 = arith.constant 0 : i32
        %eq3A_69 = arith.cmpi eq, %jit3A_67, %eq3A_68 : i32
        %jit3A_70 = arith.constant 1 : i32
        %select_n3A_71 = arith.select %eq3A_69, %jit3A_70, %jit3A_67 : i32
        %rem3A_72 = arith.remsi %arg0, %select_n3A_71 : i32
        %ne3A_73 = arith.constant 0 : i32
        %ne3A_74 = arith.cmpi ne, %rem3A_72, %ne3A_73 : i32
        %lt3A_75 = arith.constant 0 : i32
        %lt3A_76 = arith.cmpi slt, %rem3A_72, %lt3A_75 : i32
        %lt3A_77 = arith.constant 0 : i32
        %lt3A_78 = arith.cmpi slt, %select_n3A_71, %lt3A_77 : i32
        %ne3A_79 = arith.xori %lt3A_76, %lt3A_78 : i1
        %and3A_80 = arith.andi %ne3A_79, %ne3A_74 : i1
        %add3A_81 = arith.addi %rem3A_72, %select_n3A_71 : i32
        %select_n3A_82 = arith.select %and3A_80, %add3A_81, %rem3A_72 : i32
        %mul3A_83 = arith.constant 1024 : i32
        %mul3A_84 = arith.muli %select_n3A_82, %mul3A_83 : i32
        %get3A_85 = arith.index_cast %mul3A_84 : i32 to index
        %get3A_86 = arith.constant 0 : index
        %get3A_87 = vector.load %arg5[%get3A_85, %get3A_86] : memref<2048x768xbf16, #tpu.memory_space<vmem>>, vector<1024x768xbf16>
        %mul3A_88 = arith.constant 2048 : i32
        %mul3A_89 = arith.muli %arg1, %mul3A_88 : i32
        %add3A_90 = arith.constant 512 : i32
        %add3A_91 = arith.addi %mul3A_89, %add3A_90 : i32
        %get3A_92 = arith.index_cast %add3A_91 : i32 to index
        %get3A_93 = arith.constant 0 : index
        %get3A_94 = vector.load %arg2[%get3A_92, %get3A_93] : memref<4096x768xbf16, #tpu.memory_space<vmem>>, vector<512x768xbf16>
        %dot_general3A_95 = arith.constant dense<0.000000e+00> : vector<1024x512xf32>
        %dot_general3A_96 = tpu.matmul %get3A_87, %get3A_94, %dot_general3A_95 {dimension_numbers = #tpu.dot_dimension_numbers<[1], [1], [0], [0], [0, 0, 1, 0], [], []>, transpose_lhs_hint = false} : vector<1024x768xbf16>, vector<512x768xbf16>, vector<1024x512xf32> -> vector<1024x512xf32>
        %swap3A_97 = arith.constant 0 : index
        %swap3A_98 = arith.constant 512 : index
        %swap3A_99 = vector.load %arg6[%swap3A_97, %swap3A_98] : memref<1024x2048xf32, #tpu.memory_space<vmem>>, vector<1024x512xf32>
        tpu.vector_store %arg6[%swap3A_97, %swap3A_98], %dot_general3A_96 {strides = array<i32>} : memref<1024x2048xf32, #tpu.memory_space<vmem>>, vector<1024x512xf32>,
        %jit3A_100 = arith.constant 2 : i32
        %eq3A_101 = arith.constant 0 : i32
        %eq3A_102 = arith.cmpi eq, %jit3A_100, %eq3A_101 : i32
        %jit3A_103 = arith.constant 1 : i32
        %select_n3A_104 = arith.select %eq3A_102, %jit3A_103, %jit3A_100 : i32
        %rem3A_105 = arith.remsi %arg0, %select_n3A_104 : i32
        %ne3A_106 = arith.constant 0 : i32
        %ne3A_107 = arith.cmpi ne, %rem3A_105, %ne3A_106 : i32
        %lt3A_108 = arith.constant 0 : i32
        %lt3A_109 = arith.cmpi slt, %rem3A_105, %lt3A_108 : i32
        %lt3A_110 = arith.constant 0 : i32
        %lt3A_111 = arith.cmpi slt, %select_n3A_104, %lt3A_110 : i32
        %ne3A_112 = arith.xori %lt3A_109, %lt3A_111 : i1
        %and3A_113 = arith.andi %ne3A_112, %ne3A_107 : i1
        %add3A_114 = arith.addi %rem3A_105, %select_n3A_104 : i32
        %select_n3A_115 = arith.select %and3A_113, %add3A_114, %rem3A_105 : i32
        %mul3A_116 = arith.constant 1024 : i32
        %mul3A_117 = arith.muli %select_n3A_115, %mul3A_116 : i32
        %get3A_118 = arith.index_cast %mul3A_117 : i32 to index
        %get3A_119 = arith.constant 0 : index
        %get3A_120 = vector.load %arg5[%get3A_118, %get3A_119] : memref<2048x768xbf16, #tpu.memory_space<vmem>>, vector<1024x768xbf16>
        %mul3A_121 = arith.constant 2048 : i32
        %mul3A_122 = arith.muli %arg1, %mul3A_121 : i32
        %add3A_123 = arith.constant 1024 : i32
        %add3A_124 = arith.addi %mul3A_122, %add3A_123 : i32
        %get3A_125 = arith.index_cast %add3A_124 : i32 to index
        %get3A_126 = arith.constant 0 : index
        %get3A_127 = vector.load %arg2[%get3A_125, %get3A_126] : memref<4096x768xbf16, #tpu.memory_space<vmem>>, vector<512x768xbf16>
        %dot_general3A_128 = arith.constant dense<0.000000e+00> : vector<1024x512xf32>
        %dot_general3A_129 = tpu.matmul %get3A_120, %get3A_127, %dot_general3A_128 {dimension_numbers = #tpu.dot_dimension_numbers<[1], [1], [0], [0], [0, 0, 1, 0], [], []>, transpose_lhs_hint = false} : vector<1024x768xbf16>, vector<512x768xbf16>, vector<1024x512xf32> -> vector<1024x512xf32>
        %swap3A_130 = arith.constant 0 : index
        %swap3A_131 = arith.constant 1024 : index
        %swap3A_132 = vector.load %arg6[%swap3A_130, %swap3A_131] : memref<1024x2048xf32, #tpu.memory_space<vmem>>, vector<1024x512xf32>
        tpu.vector_store %arg6[%swap3A_130, %swap3A_131], %dot_general3A_129 {strides = array<i32>} : memref<1024x2048xf32, #tpu.memory_space<vmem>>, vector<1024x512xf32>,
        %jit3A_133 = arith.constant 2 : i32
        %eq3A_134 = arith.constant 0 : i32
        %eq3A_135 = arith.cmpi eq, %jit3A_133, %eq3A_134 : i32
        %jit3A_136 = arith.constant 1 : i32
        %select_n3A_137 = arith.select %eq3A_135, %jit3A_136, %jit3A_133 : i32
        %rem3A_138 = arith.remsi %arg0, %select_n3A_137 : i32
        %ne3A_139 = arith.constant 0 : i32
        %ne3A_140 = arith.cmpi ne, %rem3A_138, %ne3A_139 : i32
        %lt3A_141 = arith.constant 0 : i32
        %lt3A_142 = arith.cmpi slt, %rem3A_138, %lt3A_141 : i32
        %lt3A_143 = arith.constant 0 : i32
        %lt3A_144 = arith.cmpi slt, %select_n3A_137, %lt3A_143 : i32
        %ne3A_145 = arith.xori %lt3A_142, %lt3A_144 : i1
        %and3A_146 = arith.andi %ne3A_145, %ne3A_140 : i1
        %add3A_147 = arith.addi %rem3A_138, %select_n3A_137 : i32
        %select_n3A_148 = arith.select %and3A_146, %add3A_147, %rem3A_138 : i32
        %mul3A_149 = arith.constant 1024 : i32
        %mul3A_150 = arith.muli %select_n3A_148, %mul3A_149 : i32
        %get3A_151 = arith.index_cast %mul3A_150 : i32 to index
        %get3A_152 = arith.constant 0 : index
        %get3A_153 = vector.load %arg5[%get3A_151, %get3A_152] : memref<2048x768xbf16, #tpu.memory_space<vmem>>, vector<1024x768xbf16>
        %mul3A_154 = arith.constant 2048 : i32
        %mul3A_155 = arith.muli %arg1, %mul3A_154 : i32
        %add3A_156 = arith.constant 1536 : i32
        %add3A_157 = arith.addi %mul3A_155, %add3A_156 : i32
        %get3A_158 = arith.index_cast %add3A_157 : i32 to index
        %get3A_159 = arith.constant 0 : index
        %get3A_160 = vector.load %arg2[%get3A_158, %get3A_159] : memref<4096x768xbf16, #tpu.memory_space<vmem>>, vector<512x768xbf16>
        %dot_general3A_161 = arith.constant dense<0.000000e+00> : vector<1024x512xf32>
        %dot_general3A_162 = tpu.matmul %get3A_153, %get3A_160, %dot_general3A_161 {dimension_numbers = #tpu.dot_dimension_numbers<[1], [1], [0], [0], [0, 0, 1, 0], [], []>, transpose_lhs_hint = false} : vector<1024x768xbf16>, vector<512x768xbf16>, vector<1024x512xf32> -> vector<1024x512xf32>
        %swap3A_163 = arith.constant 0 : index
        %swap3A_164 = arith.constant 1536 : index
        %swap3A_165 = vector.load %arg6[%swap3A_163, %swap3A_164] : memref<1024x2048xf32, #tpu.memory_space<vmem>>, vector<1024x512xf32>
        tpu.vector_store %arg6[%swap3A_163, %swap3A_164], %dot_general3A_162 {strides = array<i32>} : memref<1024x2048xf32, #tpu.memory_space<vmem>>, vector<1024x512xf32>,
        %mul3A_166 = arith.constant 1024 : i32
        %mul3A_167 = arith.muli %arg0, %mul3A_166 : i32
        %add3A_168 = arith.constant 0 : i32
        %add3A_169 = arith.addi %add3A_168, %arg1 : i32
        %mul3A_170 = arith.constant 1024 : i32
        %mul3A_171 = arith.muli %arg0, %mul3A_170 : i32
        %add3A_172 = arith.constant 2 : i32
        %add3A_173 = arith.addi %add3A_172, %arg1 : i32
        %mul3A_174 = arith.constant 1024 : i32
        %mul3A_175 = arith.muli %arg0, %mul3A_174 : i32
        %add3A_176 = arith.constant 4 : i32
        %add3A_177 = arith.addi %add3A_176, %arg1 : i32
        %mul3A_178 = arith.constant 1024 : i32
        %mul3A_179 = arith.muli %arg0, %mul3A_178 : i32
        %add3A_180 = arith.constant 6 : i32
        %add3A_181 = arith.addi %add3A_180, %arg1 : i32
        %mul3A_182 = arith.constant 1024 : i32
        %mul3A_183 = arith.muli %arg0, %mul3A_182 : i32
        %add3A_184 = arith.constant 8 : i32
        %add3A_185 = arith.addi %add3A_184, %arg1 : i32
        %mul3A_186 = arith.constant 1024 : i32
        %mul3A_187 = arith.muli %arg0, %mul3A_186 : i32
        %add3A_188 = arith.constant 10 : i32
        %add3A_189 = arith.addi %add3A_188, %arg1 : i32
        %mul3A_190 = arith.constant 1024 : i32
        %mul3A_191 = arith.muli %arg0, %mul3A_190 : i32
        %add3A_192 = arith.constant 12 : i32
        %add3A_193 = arith.addi %add3A_192, %arg1 : i32
        %mul3A_194 = arith.constant 1024 : i32
        %mul3A_195 = arith.muli %arg0, %mul3A_194 : i32
        %add3A_196 = arith.constant 14 : i32
        %add3A_197 = arith.addi %add3A_196, %arg1 : i32
        %mul3A_198 = arith.constant 1024 : i32
        %mul3A_199 = arith.muli %arg0, %mul3A_198 : i32
        %add3A_200 = arith.constant 16 : i32
        %add3A_201 = arith.addi %add3A_200, %arg1 : i32
        %mul3A_202 = arith.constant 1024 : i32
        %mul3A_203 = arith.muli %arg0, %mul3A_202 : i32
        %add3A_204 = arith.constant 18 : i32
        %add3A_205 = arith.addi %add3A_204, %arg1 : i32
        %mul3A_206 = arith.constant 1024 : i32
        %mul3A_207 = arith.muli %arg0, %mul3A_206 : i32
        %add3A_208 = arith.constant 20 : i32
        %add3A_209 = arith.addi %add3A_208, %arg1 : i32
        %mul3A_210 = arith.constant 1024 : i32
        %mul3A_211 = arith.muli %arg0, %mul3A_210 : i32
        %add3A_212 = arith.constant 22 : i32
        %add3A_213 = arith.addi %add3A_212, %arg1 : i32
        %mul3A_214 = arith.constant 1024 : i32
        %mul3A_215 = arith.muli %arg0, %mul3A_214 : i32
        %add3A_216 = arith.constant 24 : i32
        %add3A_217 = arith.addi %add3A_216, %arg1 : i32
        %mul3A_218 = arith.constant 1024 : i32
        %mul3A_219 = arith.muli %arg0, %mul3A_218 : i32
        %add3A_220 = arith.constant 26 : i32
        %add3A_221 = arith.addi %add3A_220, %arg1 : i32
        %mul3A_222 = arith.constant 1024 : i32
        %mul3A_223 = arith.muli %arg0, %mul3A_222 : i32
        %add3A_224 = arith.constant 28 : i32
        %add3A_225 = arith.addi %add3A_224, %arg1 : i32
        %mul3A_226 = arith.constant 1024 : i32
        %mul3A_227 = arith.muli %arg0, %mul3A_226 : i32
        %add3A_228 = arith.constant 30 : i32
        %add3A_229 = arith.addi %add3A_228, %arg1 : i32
        %dma_start3A = arith.constant 0 : i32
        %dma_start3A_230 = tpu.memref_slice %arg4[%mul3A_167, %add3A_169, %dma_start3A] : memref<50257x32x128xf32, #tpu.memory_space<hbm>> -> memref<1024x1x128xf32, #tpu.memory_space<hbm>>
        %dma_start3A_231 = tpu.memref_squeeze %dma_start3A_230 : memref<1024x1x128xf32, #tpu.memory_space<hbm>> -> memref<1024x128xf32, #tpu.memory_space<hbm>>
        %dma_start3A_232 = arith.constant 0 : i32
        %dma_start3A_233 = arith.constant 0 : i32
        %dma_start3A_234 = tpu.memref_slice %arg6[%dma_start3A_232, %dma_start3A_233] : memref<1024x2048xf32, #tpu.memory_space<vmem>> -> memref<1024x128xf32, #tpu.memory_space<vmem>>
        tpu.enqueue_dma source(%dma_start3A_234 : memref<1024x128xf32, #tpu.memory_space<vmem>>) target(%dma_start3A_231 : memref<1024x128xf32, #tpu.memory_space<hbm>>) target_semaphore(%arg10 : memref<!tpu.dma_semaphore, #tpu.memory_space<semaphore_mem>>)
        %dma_start3A_235 = arith.constant 0 : i32
        %dma_start3A_236 = tpu.memref_slice %arg4[%mul3A_171, %add3A_173, %dma_start3A_235] : memref<50257x32x128xf32, #tpu.memory_space<hbm>> -> memref<1024x1x128xf32, #tpu.memory_space<hbm>>
        %dma_start3A_237 = tpu.memref_squeeze %dma_start3A_236 : memref<1024x1x128xf32, #tpu.memory_space<hbm>> -> memref<1024x128xf32, #tpu.memory_space<hbm>>
        %dma_start3A_238 = arith.constant 0 : i32
        %dma_start3A_239 = arith.constant 128 : i32
        %dma_start3A_240 = tpu.memref_slice %arg6[%dma_start3A_238, %dma_start3A_239] : memref<1024x2048xf32, #tpu.memory_space<vmem>> -> memref<1024x128xf32, #tpu.memory_space<vmem>>
        tpu.enqueue_dma source(%dma_start3A_240 : memref<1024x128xf32, #tpu.memory_space<vmem>>) target(%dma_start3A_237 : memref<1024x128xf32, #tpu.memory_space<hbm>>) target_semaphore(%arg10 : memref<!tpu.dma_semaphore, #tpu.memory_space<semaphore_mem>>)
        %dma_start3A_241 = arith.constant 0 : i32
        %dma_start3A_242 = tpu.memref_slice %arg4[%mul3A_175, %add3A_177, %dma_start3A_241] : memref<50257x32x128xf32, #tpu.memory_space<hbm>> -> memref<1024x1x128xf32, #tpu.memory_space<hbm>>
        %dma_start3A_243 = tpu.memref_squeeze %dma_start3A_242 : memref<1024x1x128xf32, #tpu.memory_space<hbm>> -> memref<1024x128xf32, #tpu.memory_space<hbm>>
        %dma_start3A_244 = arith.constant 0 : i32
        %dma_start3A_245 = arith.constant 256 : i32
        %dma_start3A_246 = tpu.memref_slice %arg6[%dma_start3A_244, %dma_start3A_245] : memref<1024x2048xf32, #tpu.memory_space<vmem>> -> memref<1024x128xf32, #tpu.memory_space<vmem>>
        tpu.enqueue_dma source(%dma_start3A_246 : memref<1024x128xf32, #tpu.memory_space<vmem>>) target(%dma_start3A_243 : memref<1024x128xf32, #tpu.memory_space<hbm>>) target_semaphore(%arg10 : memref<!tpu.dma_semaphore, #tpu.memory_space<semaphore_mem>>)
        %dma_start3A_247 = arith.constant 0 : i32
        %dma_start3A_248 = tpu.memref_slice %arg4[%mul3A_179, %add3A_181, %dma_start3A_247] : memref<50257x32x128xf32, #tpu.memory_space<hbm>> -> memref<1024x1x128xf32, #tpu.memory_space<hbm>>
        %dma_start3A_249 = tpu.memref_squeeze %dma_start3A_248 : memref<1024x1x128xf32, #tpu.memory_space<hbm>> -> memref<1024x128xf32, #tpu.memory_space<hbm>>
        %dma_start3A_250 = arith.constant 0 : i32
        %dma_start3A_251 = arith.constant 384 : i32
        %dma_start3A_252 = tpu.memref_slice %arg6[%dma_start3A_250, %dma_start3A_251] : memref<1024x2048xf32, #tpu.memory_space<vmem>> -> memref<1024x128xf32, #tpu.memory_space<vmem>>
        tpu.enqueue_dma source(%dma_start3A_252 : memref<1024x128xf32, #tpu.memory_space<vmem>>) target(%dma_start3A_249 : memref<1024x128xf32, #tpu.memory_space<hbm>>) target_semaphore(%arg10 : memref<!tpu.dma_semaphore, #tpu.memory_space<semaphore_mem>>)
        %dma_start3A_253 = arith.constant 0 : i32
        %dma_start3A_254 = tpu.memref_slice %arg4[%mul3A_183, %add3A_185, %dma_start3A_253] : memref<50257x32x128xf32, #tpu.memory_space<hbm>> -> memref<1024x1x128xf32, #tpu.memory_space<hbm>>
        %dma_start3A_255 = tpu.memref_squeeze %dma_start3A_254 : memref<1024x1x128xf32, #tpu.memory_space<hbm>> -> memref<1024x128xf32, #tpu.memory_space<hbm>>
        %dma_start3A_256 = arith.constant 0 : i32
        %dma_start3A_257 = arith.constant 512 : i32
        %dma_start3A_258 = tpu.memref_slice %arg6[%dma_start3A_256, %dma_start3A_257] : memref<1024x2048xf32, #tpu.memory_space<vmem>> -> memref<1024x128xf32, #tpu.memory_space<vmem>>
        tpu.enqueue_dma source(%dma_start3A_258 : memref<1024x128xf32, #tpu.memory_space<vmem>>) target(%dma_start3A_255 : memref<1024x128xf32, #tpu.memory_space<hbm>>) target_semaphore(%arg10 : memref<!tpu.dma_semaphore, #tpu.memory_space<semaphore_mem>>)
        %dma_start3A_259 = arith.constant 0 : i32
        %dma_start3A_260 = tpu.memref_slice %arg4[%mul3A_187, %add3A_189, %dma_start3A_259] : memref<50257x32x128xf32, #tpu.memory_space<hbm>> -> memref<1024x1x128xf32, #tpu.memory_space<hbm>>
        %dma_start3A_261 = tpu.memref_squeeze %dma_start3A_260 : memref<1024x1x128xf32, #tpu.memory_space<hbm>> -> memref<1024x128xf32, #tpu.memory_space<hbm>>
        %dma_start3A_262 = arith.constant 0 : i32
        %dma_start3A_263 = arith.constant 640 : i32
        %dma_start3A_264 = tpu.memref_slice %arg6[%dma_start3A_262, %dma_start3A_263] : memref<1024x2048xf32, #tpu.memory_space<vmem>> -> memref<1024x128xf32, #tpu.memory_space<vmem>>
        tpu.enqueue_dma source(%dma_start3A_264 : memref<1024x128xf32, #tpu.memory_space<vmem>>) target(%dma_start3A_261 : memref<1024x128xf32, #tpu.memory_space<hbm>>) target_semaphore(%arg10 : memref<!tpu.dma_semaphore, #tpu.memory_space<semaphore_mem>>)
        %dma_start3A_265 = arith.constant 0 : i32
        %dma_start3A_266 = tpu.memref_slice %arg4[%mul3A_191, %add3A_193, %dma_start3A_265] : memref<50257x32x128xf32, #tpu.memory_space<hbm>> -> memref<1024x1x128xf32, #tpu.memory_space<hbm>>
        %dma_start3A_267 = tpu.memref_squeeze %dma_start3A_266 : memref<1024x1x128xf32, #tpu.memory_space<hbm>> -> memref<1024x128xf32, #tpu.memory_space<hbm>>
        %dma_start3A_268 = arith.constant 0 : i32
        %dma_start3A_269 = arith.constant 768 : i32
        %dma_start3A_270 = tpu.memref_slice %arg6[%dma_start3A_268, %dma_start3A_269] : memref<1024x2048xf32, #tpu.memory_space<vmem>> -> memref<1024x128xf32, #tpu.memory_space<vmem>>
        tpu.enqueue_dma source(%dma_start3A_270 : memref<1024x128xf32, #tpu.memory_space<vmem>>) target(%dma_start3A_267 : memref<1024x128xf32, #tpu.memory_space<hbm>>) target_semaphore(%arg10 : memref<!tpu.dma_semaphore, #tpu.memory_space<semaphore_mem>>)
        %dma_start3A_271 = arith.constant 0 : i32
        %dma_start3A_272 = tpu.memref_slice %arg4[%mul3A_195, %add3A_197, %dma_start3A_271] : memref<50257x32x128xf32, #tpu.memory_space<hbm>> -> memref<1024x1x128xf32, #tpu.memory_space<hbm>>
        %dma_start3A_273 = tpu.memref_squeeze %dma_start3A_272 : memref<1024x1x128xf32, #tpu.memory_space<hbm>> -> memref<1024x128xf32, #tpu.memory_space<hbm>>
        %dma_start3A_274 = arith.constant 0 : i32
        %dma_start3A_275 = arith.constant 896 : i32
        %dma_start3A_276 = tpu.memref_slice %arg6[%dma_start3A_274, %dma_start3A_275] : memref<1024x2048xf32, #tpu.memory_space<vmem>> -> memref<1024x128xf32, #tpu.memory_space<vmem>>
        tpu.enqueue_dma source(%dma_start3A_276 : memref<1024x128xf32, #tpu.memory_space<vmem>>) target(%dma_start3A_273 : memref<1024x128xf32, #tpu.memory_space<hbm>>) target_semaphore(%arg10 : memref<!tpu.dma_semaphore, #tpu.memory_space<semaphore_mem>>)
        %dma_start3A_277 = arith.constant 0 : i32
        %dma_start3A_278 = tpu.memref_slice %arg4[%mul3A_199, %add3A_201, %dma_start3A_277] : memref<50257x32x128xf32, #tpu.memory_space<hbm>> -> memref<1024x1x128xf32, #tpu.memory_space<hbm>>
        %dma_start3A_279 = tpu.memref_squeeze %dma_start3A_278 : memref<1024x1x128xf32, #tpu.memory_space<hbm>> -> memref<1024x128xf32, #tpu.memory_space<hbm>>
        %dma_start3A_280 = arith.constant 0 : i32
        %dma_start3A_281 = arith.constant 1024 : i32
        %dma_start3A_282 = tpu.memref_slice %arg6[%dma_start3A_280, %dma_start3A_281] : memref<1024x2048xf32, #tpu.memory_space<vmem>> -> memref<1024x128xf32, #tpu.memory_space<vmem>>
        tpu.enqueue_dma source(%dma_start3A_282 : memref<1024x128xf32, #tpu.memory_space<vmem>>) target(%dma_start3A_279 : memref<1024x128xf32, #tpu.memory_space<hbm>>) target_semaphore(%arg10 : memref<!tpu.dma_semaphore, #tpu.memory_space<semaphore_mem>>)
        %dma_start3A_283 = arith.constant 0 : i32
        %dma_start3A_284 = tpu.memref_slice %arg4[%mul3A_203, %add3A_205, %dma_start3A_283] : memref<50257x32x128xf32, #tpu.memory_space<hbm>> -> memref<1024x1x128xf32, #tpu.memory_space<hbm>>
        %dma_start3A_285 = tpu.memref_squeeze %dma_start3A_284 : memref<1024x1x128xf32, #tpu.memory_space<hbm>> -> memref<1024x128xf32, #tpu.memory_space<hbm>>
        %dma_start3A_286 = arith.constant 0 : i32
        %dma_start3A_287 = arith.constant 1152 : i32
        %dma_start3A_288 = tpu.memref_slice %arg6[%dma_start3A_286, %dma_start3A_287] : memref<1024x2048xf32, #tpu.memory_space<vmem>> -> memref<1024x128xf32, #tpu.memory_space<vmem>>
        tpu.enqueue_dma source(%dma_start3A_288 : memref<1024x128xf32, #tpu.memory_space<vmem>>) target(%dma_start3A_285 : memref<1024x128xf32, #tpu.memory_space<hbm>>) target_semaphore(%arg10 : memref<!tpu.dma_semaphore, #tpu.memory_space<semaphore_mem>>)
        %dma_start3A_289 = arith.constant 0 : i32
        %dma_start3A_290 = tpu.memref_slice %arg4[%mul3A_207, %add3A_209, %dma_start3A_289] : memref<50257x32x128xf32, #tpu.memory_space<hbm>> -> memref<1024x1x128xf32, #tpu.memory_space<hbm>>
        %dma_start3A_291 = tpu.memref_squeeze %dma_start3A_290 : memref<1024x1x128xf32, #tpu.memory_space<hbm>> -> memref<1024x128xf32, #tpu.memory_space<hbm>>
        %dma_start3A_292 = arith.constant 0 : i32
        %dma_start3A_293 = arith.constant 1280 : i32
        %dma_start3A_294 = tpu.memref_slice %arg6[%dma_start3A_292, %dma_start3A_293] : memref<1024x2048xf32, #tpu.memory_space<vmem>> -> memref<1024x128xf32, #tpu.memory_space<vmem>>
        tpu.enqueue_dma source(%dma_start3A_294 : memref<1024x128xf32, #tpu.memory_space<vmem>>) target(%dma_start3A_291 : memref<1024x128xf32, #tpu.memory_space<hbm>>) target_semaphore(%arg10 : memref<!tpu.dma_semaphore, #tpu.memory_space<semaphore_mem>>)
        %dma_start3A_295 = arith.constant 0 : i32
        %dma_start3A_296 = tpu.memref_slice %arg4[%mul3A_211, %add3A_213, %dma_start3A_295] : memref<50257x32x128xf32, #tpu.memory_space<hbm>> -> memref<1024x1x128xf32, #tpu.memory_space<hbm>>
        %dma_start3A_297 = tpu.memref_squeeze %dma_start3A_296 : memref<1024x1x128xf32, #tpu.memory_space<hbm>> -> memref<1024x128xf32, #tpu.memory_space<hbm>>
        %dma_start3A_298 = arith.constant 0 : i32
        %dma_start3A_299 = arith.constant 1408 : i32
        %dma_start3A_300 = tpu.memref_slice %arg6[%dma_start3A_298, %dma_start3A_299] : memref<1024x2048xf32, #tpu.memory_space<vmem>> -> memref<1024x128xf32, #tpu.memory_space<vmem>>
        tpu.enqueue_dma source(%dma_start3A_300 : memref<1024x128xf32, #tpu.memory_space<vmem>>) target(%dma_start3A_297 : memref<1024x128xf32, #tpu.memory_space<hbm>>) target_semaphore(%arg10 : memref<!tpu.dma_semaphore, #tpu.memory_space<semaphore_mem>>)
        %dma_start3A_301 = arith.constant 0 : i32
        %dma_start3A_302 = tpu.memref_slice %arg4[%mul3A_215, %add3A_217, %dma_start3A_301] : memref<50257x32x128xf32, #tpu.memory_space<hbm>> -> memref<1024x1x128xf32, #tpu.memory_space<hbm>>
        %dma_start3A_303 = tpu.memref_squeeze %dma_start3A_302 : memref<1024x1x128xf32, #tpu.memory_space<hbm>> -> memref<1024x128xf32, #tpu.memory_space<hbm>>
        %dma_start3A_304 = arith.constant 0 : i32
        %dma_start3A_305 = arith.constant 1536 : i32
        %dma_start3A_306 = tpu.memref_slice %arg6[%dma_start3A_304, %dma_start3A_305] : memref<1024x2048xf32, #tpu.memory_space<vmem>> -> memref<1024x128xf32, #tpu.memory_space<vmem>>
        tpu.enqueue_dma source(%dma_start3A_306 : memref<1024x128xf32, #tpu.memory_space<vmem>>) target(%dma_start3A_303 : memref<1024x128xf32, #tpu.memory_space<hbm>>) target_semaphore(%arg10 : memref<!tpu.dma_semaphore, #tpu.memory_space<semaphore_mem>>)
        %dma_start3A_307 = arith.constant 0 : i32
        %dma_start3A_308 = tpu.memref_slice %arg4[%mul3A_219, %add3A_221, %dma_start3A_307] : memref<50257x32x128xf32, #tpu.memory_space<hbm>> -> memref<1024x1x128xf32, #tpu.memory_space<hbm>>
        %dma_start3A_309 = tpu.memref_squeeze %dma_start3A_308 : memref<1024x1x128xf32, #tpu.memory_space<hbm>> -> memref<1024x128xf32, #tpu.memory_space<hbm>>
        %dma_start3A_310 = arith.constant 0 : i32
        %dma_start3A_311 = arith.constant 1664 : i32
        %dma_start3A_312 = tpu.memref_slice %arg6[%dma_start3A_310, %dma_start3A_311] : memref<1024x2048xf32, #tpu.memory_space<vmem>> -> memref<1024x128xf32, #tpu.memory_space<vmem>>
        tpu.enqueue_dma source(%dma_start3A_312 : memref<1024x128xf32, #tpu.memory_space<vmem>>) target(%dma_start3A_309 : memref<1024x128xf32, #tpu.memory_space<hbm>>) target_semaphore(%arg10 : memref<!tpu.dma_semaphore, #tpu.memory_space<semaphore_mem>>)
        %dma_start3A_313 = arith.constant 0 : i32
        %dma_start3A_314 = tpu.memref_slice %arg4[%mul3A_223, %add3A_225, %dma_start3A_313] : memref<50257x32x128xf32, #tpu.memory_space<hbm>> -> memref<1024x1x128xf32, #tpu.memory_space<hbm>>
        %dma_start3A_315 = tpu.memref_squeeze %dma_start3A_314 : memref<1024x1x128xf32, #tpu.memory_space<hbm>> -> memref<1024x128xf32, #tpu.memory_space<hbm>>
        %dma_start3A_316 = arith.constant 0 : i32
        %dma_start3A_317 = arith.constant 1792 : i32
        %dma_start3A_318 = tpu.memref_slice %arg6[%dma_start3A_316, %dma_start3A_317] : memref<1024x2048xf32, #tpu.memory_space<vmem>> -> memref<1024x128xf32, #tpu.memory_space<vmem>>
        tpu.enqueue_dma source(%dma_start3A_318 : memref<1024x128xf32, #tpu.memory_space<vmem>>) target(%dma_start3A_315 : memref<1024x128xf32, #tpu.memory_space<hbm>>) target_semaphore(%arg10 : memref<!tpu.dma_semaphore, #tpu.memory_space<semaphore_mem>>)
        %dma_start3A_319 = arith.constant 0 : i32
        %dma_start3A_320 = tpu.memref_slice %arg4[%mul3A_227, %add3A_229, %dma_start3A_319] : memref<50257x32x128xf32, #tpu.memory_space<hbm>> -> memref<1024x1x128xf32, #tpu.memory_space<hbm>>
        %dma_start3A_321 = tpu.memref_squeeze %dma_start3A_320 : memref<1024x1x128xf32, #tpu.memory_space<hbm>> -> memref<1024x128xf32, #tpu.memory_space<hbm>>
        %dma_start3A_322 = arith.constant 0 : i32
        %dma_start3A_323 = arith.constant 1920 : i32
        %dma_start3A_324 = tpu.memref_slice %arg6[%dma_start3A_322, %dma_start3A_323] : memref<1024x2048xf32, #tpu.memory_space<vmem>> -> memref<1024x128xf32, #tpu.memory_space<vmem>>
        tpu.enqueue_dma source(%dma_start3A_324 : memref<1024x128xf32, #tpu.memory_space<vmem>>) target(%dma_start3A_321 : memref<1024x128xf32, #tpu.memory_space<hbm>>) target_semaphore(%arg10 : memref<!tpu.dma_semaphore, #tpu.memory_space<semaphore_mem>>)
      } else {
      }
      %eq3A_38 = arith.constant 49 : i32
      %eq3A_39 = arith.cmpi eq, %arg0, %eq3A_38 : i32
      %convert_element_type3A_40 = arith.extui %eq3A_39 : i1 to i32
      %cond3A_41 = arith.constant 0 : i32
      %cond3A_42 = arith.cmpi ne, %convert_element_type3A_40, %cond3A_41 : i32
      scf.if %cond3A_42 {
        %jit3A = arith.constant 2 : i32
        %eq3A_43 = arith.constant 0 : i32
        %eq3A_44 = arith.cmpi eq, %jit3A, %eq3A_43 : i32
        %jit3A_45 = arith.constant 1 : i32
        %select_n3A = arith.select %eq3A_44, %jit3A_45, %jit3A : i32
        %rem3A = arith.remsi %arg0, %select_n3A : i32
        %ne3A = arith.constant 0 : i32
        %ne3A_46 = arith.cmpi ne, %rem3A, %ne3A : i32
        %lt3A_47 = arith.constant 0 : i32
        %lt3A_48 = arith.cmpi slt, %rem3A, %lt3A_47 : i32
        %lt3A_49 = arith.constant 0 : i32
        %lt3A_50 = arith.cmpi slt, %select_n3A, %lt3A_49 : i32
        %ne3A_51 = arith.xori %lt3A_48, %lt3A_50 : i1
        %and3A_52 = arith.andi %ne3A_51, %ne3A_46 : i1
        %add3A = arith.addi %rem3A, %select_n3A : i32
        %select_n3A_53 = arith.select %and3A_52, %add3A, %rem3A : i32
        %mul3A = arith.constant 1024 : i32
        %mul3A_54 = arith.muli %select_n3A_53, %mul3A : i32
        %get3A = arith.index_cast %mul3A_54 : i32 to index
        %get3A_55 = arith.constant 0 : index
        %get3A_56 = vector.load %arg5[%get3A, %get3A_55] : memref<2048x768xbf16, #tpu.memory_space<vmem>>, vector<1024x768xbf16>
        %mul3A_57 = arith.constant 2048 : i32
        %mul3A_58 = arith.muli %arg1, %mul3A_57 : i32
        %add3A_59 = arith.constant 0 : i32
        %add3A_60 = arith.addi %mul3A_58, %add3A_59 : i32
        %get3A_61 = arith.index_cast %add3A_60 : i32 to index
        %get3A_62 = arith.constant 0 : index
        %get3A_63 = vector.load %arg2[%get3A_61, %get3A_62] : memref<4096x768xbf16, #tpu.memory_space<vmem>>, vector<512x768xbf16>
        %dot_general3A = arith.constant dense<0.000000e+00> : vector<1024x512xf32>
        %dot_general3A_64 = tpu.matmul %get3A_56, %get3A_63, %dot_general3A {dimension_numbers = #tpu.dot_dimension_numbers<[1], [1], [0], [0], [0, 0, 1, 0], [], []>, transpose_lhs_hint = false} : vector<1024x768xbf16>, vector<512x768xbf16>, vector<1024x512xf32> -> vector<1024x512xf32>
        %slice3A = vector.extract_strided_slice %dot_general3A_64 {offsets = [0, 0], sizes = [81, 512], strides = [1, 1]} : vector<1024x512xf32> to vector<81x512xf32>
        %swap3A = arith.constant 0 : index
        %swap3A_65 = arith.constant 0 : index
        %swap3A_66 = vector.load %arg8[%swap3A, %swap3A_65] : memref<81x2048xf32, #tpu.memory_space<vmem>>, vector<81x512xf32>
        tpu.vector_store %arg8[%swap3A, %swap3A_65], %slice3A {strides = array<i32>} : memref<81x2048xf32, #tpu.memory_space<vmem>>, vector<81x512xf32>,
        %jit3A_67 = arith.constant 2 : i32
        %eq3A_68 = arith.constant 0 : i32
        %eq3A_69 = arith.cmpi eq, %jit3A_67, %eq3A_68 : i32
        %jit3A_70 = arith.constant 1 : i32
        %select_n3A_71 = arith.select %eq3A_69, %jit3A_70, %jit3A_67 : i32
        %rem3A_72 = arith.remsi %arg0, %select_n3A_71 : i32
        %ne3A_73 = arith.constant 0 : i32
        %ne3A_74 = arith.cmpi ne, %rem3A_72, %ne3A_73 : i32
        %lt3A_75 = arith.constant 0 : i32
        %lt3A_76 = arith.cmpi slt, %rem3A_72, %lt3A_75 : i32
        %lt3A_77 = arith.constant 0 : i32
        %lt3A_78 = arith.cmpi slt, %select_n3A_71, %lt3A_77 : i32
        %ne3A_79 = arith.xori %lt3A_76, %lt3A_78 : i1
        %and3A_80 = arith.andi %ne3A_79, %ne3A_74 : i1
        %add3A_81 = arith.addi %rem3A_72, %select_n3A_71 : i32
        %select_n3A_82 = arith.select %and3A_80, %add3A_81, %rem3A_72 : i32
        %mul3A_83 = arith.constant 1024 : i32
        %mul3A_84 = arith.muli %select_n3A_82, %mul3A_83 : i32
        %get3A_85 = arith.index_cast %mul3A_84 : i32 to index
        %get3A_86 = arith.constant 0 : index
        %get3A_87 = vector.load %arg5[%get3A_85, %get3A_86] : memref<2048x768xbf16, #tpu.memory_space<vmem>>, vector<1024x768xbf16>
        %mul3A_88 = arith.constant 2048 : i32
        %mul3A_89 = arith.muli %arg1, %mul3A_88 : i32
        %add3A_90 = arith.constant 512 : i32
        %add3A_91 = arith.addi %mul3A_89, %add3A_90 : i32
        %get3A_92 = arith.index_cast %add3A_91 : i32 to index
        %get3A_93 = arith.constant 0 : index
        %get3A_94 = vector.load %arg2[%get3A_92, %get3A_93] : memref<4096x768xbf16, #tpu.memory_space<vmem>>, vector<512x768xbf16>
        %dot_general3A_95 = arith.constant dense<0.000000e+00> : vector<1024x512xf32>
        %dot_general3A_96 = tpu.matmul %get3A_87, %get3A_94, %dot_general3A_95 {dimension_numbers = #tpu.dot_dimension_numbers<[1], [1], [0], [0], [0, 0, 1, 0], [], []>, transpose_lhs_hint = false} : vector<1024x768xbf16>, vector<512x768xbf16>, vector<1024x512xf32> -> vector<1024x512xf32>
        %slice3A_97 = vector.extract_strided_slice %dot_general3A_96 {offsets = [0, 0], sizes = [81, 512], strides = [1, 1]} : vector<1024x512xf32> to vector<81x512xf32>
        %swap3A_98 = arith.constant 0 : index
        %swap3A_99 = arith.constant 512 : index
        %swap3A_100 = vector.load %arg8[%swap3A_98, %swap3A_99] : memref<81x2048xf32, #tpu.memory_space<vmem>>, vector<81x512xf32>
        tpu.vector_store %arg8[%swap3A_98, %swap3A_99], %slice3A_97 {strides = array<i32>} : memref<81x2048xf32, #tpu.memory_space<vmem>>, vector<81x512xf32>,
        %jit3A_101 = arith.constant 2 : i32
        %eq3A_102 = arith.constant 0 : i32
        %eq3A_103 = arith.cmpi eq, %jit3A_101, %eq3A_102 : i32
        %jit3A_104 = arith.constant 1 : i32
        %select_n3A_105 = arith.select %eq3A_103, %jit3A_104, %jit3A_101 : i32
        %rem3A_106 = arith.remsi %arg0, %select_n3A_105 : i32
        %ne3A_107 = arith.constant 0 : i32
        %ne3A_108 = arith.cmpi ne, %rem3A_106, %ne3A_107 : i32
        %lt3A_109 = arith.constant 0 : i32
        %lt3A_110 = arith.cmpi slt, %rem3A_106, %lt3A_109 : i32
        %lt3A_111 = arith.constant 0 : i32
        %lt3A_112 = arith.cmpi slt, %select_n3A_105, %lt3A_111 : i32
        %ne3A_113 = arith.xori %lt3A_110, %lt3A_112 : i1
        %and3A_114 = arith.andi %ne3A_113, %ne3A_108 : i1
        %add3A_115 = arith.addi %rem3A_106, %select_n3A_105 : i32
        %select_n3A_116 = arith.select %and3A_114, %add3A_115, %rem3A_106 : i32
        %mul3A_117 = arith.constant 1024 : i32
        %mul3A_118 = arith.muli %select_n3A_116, %mul3A_117 : i32
        %get3A_119 = arith.index_cast %mul3A_118 : i32 to index
        %get3A_120 = arith.constant 0 : index
        %get3A_121 = vector.load %arg5[%get3A_119, %get3A_120] : memref<2048x768xbf16, #tpu.memory_space<vmem>>, vector<1024x768xbf16>
        %mul3A_122 = arith.constant 2048 : i32
        %mul3A_123 = arith.muli %arg1, %mul3A_122 : i32
        %add3A_124 = arith.constant 1024 : i32
        %add3A_125 = arith.addi %mul3A_123, %add3A_124 : i32
        %get3A_126 = arith.index_cast %add3A_125 : i32 to index
        %get3A_127 = arith.constant 0 : index
        %get3A_128 = vector.load %arg2[%get3A_126, %get3A_127] : memref<4096x768xbf16, #tpu.memory_space<vmem>>, vector<512x768xbf16>
        %dot_general3A_129 = arith.constant dense<0.000000e+00> : vector<1024x512xf32>
        %dot_general3A_130 = tpu.matmul %get3A_121, %get3A_128, %dot_general3A_129 {dimension_numbers = #tpu.dot_dimension_numbers<[1], [1], [0], [0], [0, 0, 1, 0], [], []>, transpose_lhs_hint = false} : vector<1024x768xbf16>, vector<512x768xbf16>, vector<1024x512xf32> -> vector<1024x512xf32>
        %slice3A_131 = vector.extract_strided_slice %dot_general3A_130 {offsets = [0, 0], sizes = [81, 512], strides = [1, 1]} : vector<1024x512xf32> to vector<81x512xf32>
        %swap3A_132 = arith.constant 0 : index
        %swap3A_133 = arith.constant 1024 : index
        %swap3A_134 = vector.load %arg8[%swap3A_132, %swap3A_133] : memref<81x2048xf32, #tpu.memory_space<vmem>>, vector<81x512xf32>
        tpu.vector_store %arg8[%swap3A_132, %swap3A_133], %slice3A_131 {strides = array<i32>} : memref<81x2048xf32, #tpu.memory_space<vmem>>, vector<81x512xf32>,
        %jit3A_135 = arith.constant 2 : i32
        %eq3A_136 = arith.constant 0 : i32
        %eq3A_137 = arith.cmpi eq, %jit3A_135, %eq3A_136 : i32
        %jit3A_138 = arith.constant 1 : i32
        %select_n3A_139 = arith.select %eq3A_137, %jit3A_138, %jit3A_135 : i32
        %rem3A_140 = arith.remsi %arg0, %select_n3A_139 : i32
        %ne3A_141 = arith.constant 0 : i32
        %ne3A_142 = arith.cmpi ne, %rem3A_140, %ne3A_141 : i32
        %lt3A_143 = arith.constant 0 : i32
        %lt3A_144 = arith.cmpi slt, %rem3A_140, %lt3A_143 : i32
        %lt3A_145 = arith.constant 0 : i32
        %lt3A_146 = arith.cmpi slt, %select_n3A_139, %lt3A_145 : i32
        %ne3A_147 = arith.xori %lt3A_144, %lt3A_146 : i1
        %and3A_148 = arith.andi %ne3A_147, %ne3A_142 : i1
        %add3A_149 = arith.addi %rem3A_140, %select_n3A_139 : i32
        %select_n3A_150 = arith.select %and3A_148, %add3A_149, %rem3A_140 : i32
        %mul3A_151 = arith.constant 1024 : i32
        %mul3A_152 = arith.muli %select_n3A_150, %mul3A_151 : i32
        %get3A_153 = arith.index_cast %mul3A_152 : i32 to index
        %get3A_154 = arith.constant 0 : index
        %get3A_155 = vector.load %arg5[%get3A_153, %get3A_154] : memref<2048x768xbf16, #tpu.memory_space<vmem>>, vector<1024x768xbf16>
        %mul3A_156 = arith.constant 2048 : i32
        %mul3A_157 = arith.muli %arg1, %mul3A_156 : i32
        %add3A_158 = arith.constant 1536 : i32
        %add3A_159 = arith.addi %mul3A_157, %add3A_158 : i32
        %get3A_160 = arith.index_cast %add3A_159 : i32 to index
        %get3A_161 = arith.constant 0 : index
        %get3A_162 = vector.load %arg2[%get3A_160, %get3A_161] : memref<4096x768xbf16, #tpu.memory_space<vmem>>, vector<512x768xbf16>
        %dot_general3A_163 = arith.constant dense<0.000000e+00> : vector<1024x512xf32>
        %dot_general3A_164 = tpu.matmul %get3A_155, %get3A_162, %dot_general3A_163 {dimension_numbers = #tpu.dot_dimension_numbers<[1], [1], [0], [0], [0, 0, 1, 0], [], []>, transpose_lhs_hint = false} : vector<1024x768xbf16>, vector<512x768xbf16>, vector<1024x512xf32> -> vector<1024x512xf32>
        %slice3A_165 = vector.extract_strided_slice %dot_general3A_164 {offsets = [0, 0], sizes = [81, 512], strides = [1, 1]} : vector<1024x512xf32> to vector<81x512xf32>
        %swap3A_166 = arith.constant 0 : index
        %swap3A_167 = arith.constant 1536 : index
        %swap3A_168 = vector.load %arg8[%swap3A_166, %swap3A_167] : memref<81x2048xf32, #tpu.memory_space<vmem>>, vector<81x512xf32>
        tpu.vector_store %arg8[%swap3A_166, %swap3A_167], %slice3A_165 {strides = array<i32>} : memref<81x2048xf32, #tpu.memory_space<vmem>>, vector<81x512xf32>,
        %mul3A_169 = arith.constant 1024 : i32
        %mul3A_170 = arith.muli %arg0, %mul3A_169 : i32
        %add3A_171 = arith.constant 0 : i32
        %add3A_172 = arith.addi %add3A_171, %arg1 : i32
        %mul3A_173 = arith.constant 1024 : i32
        %mul3A_174 = arith.muli %arg0, %mul3A_173 : i32
        %add3A_175 = arith.constant 2 : i32
        %add3A_176 = arith.addi %add3A_175, %arg1 : i32
        %mul3A_177 = arith.constant 1024 : i32
        %mul3A_178 = arith.muli %arg0, %mul3A_177 : i32
        %add3A_179 = arith.constant 4 : i32
        %add3A_180 = arith.addi %add3A_179, %arg1 : i32
        %mul3A_181 = arith.constant 1024 : i32
        %mul3A_182 = arith.muli %arg0, %mul3A_181 : i32
        %add3A_183 = arith.constant 6 : i32
        %add3A_184 = arith.addi %add3A_183, %arg1 : i32
        %mul3A_185 = arith.constant 1024 : i32
        %mul3A_186 = arith.muli %arg0, %mul3A_185 : i32
        %add3A_187 = arith.constant 8 : i32
        %add3A_188 = arith.addi %add3A_187, %arg1 : i32
        %mul3A_189 = arith.constant 1024 : i32
        %mul3A_190 = arith.muli %arg0, %mul3A_189 : i32
        %add3A_191 = arith.constant 10 : i32
        %add3A_192 = arith.addi %add3A_191, %arg1 : i32
        %mul3A_193 = arith.constant 1024 : i32
        %mul3A_194 = arith.muli %arg0, %mul3A_193 : i32
        %add3A_195 = arith.constant 12 : i32
        %add3A_196 = arith.addi %add3A_195, %arg1 : i32
        %mul3A_197 = arith.constant 1024 : i32
        %mul3A_198 = arith.muli %arg0, %mul3A_197 : i32
        %add3A_199 = arith.constant 14 : i32
        %add3A_200 = arith.addi %add3A_199, %arg1 : i32
        %mul3A_201 = arith.constant 1024 : i32
        %mul3A_202 = arith.muli %arg0, %mul3A_201 : i32
        %add3A_203 = arith.constant 16 : i32
        %add3A_204 = arith.addi %add3A_203, %arg1 : i32
        %mul3A_205 = arith.constant 1024 : i32
        %mul3A_206 = arith.muli %arg0, %mul3A_205 : i32
        %add3A_207 = arith.constant 18 : i32
        %add3A_208 = arith.addi %add3A_207, %arg1 : i32
        %mul3A_209 = arith.constant 1024 : i32
        %mul3A_210 = arith.muli %arg0, %mul3A_209 : i32
        %add3A_211 = arith.constant 20 : i32
        %add3A_212 = arith.addi %add3A_211, %arg1 : i32
        %mul3A_213 = arith.constant 1024 : i32
        %mul3A_214 = arith.muli %arg0, %mul3A_213 : i32
        %add3A_215 = arith.constant 22 : i32
        %add3A_216 = arith.addi %add3A_215, %arg1 : i32
        %mul3A_217 = arith.constant 1024 : i32
        %mul3A_218 = arith.muli %arg0, %mul3A_217 : i32
        %add3A_219 = arith.constant 24 : i32
        %add3A_220 = arith.addi %add3A_219, %arg1 : i32
        %mul3A_221 = arith.constant 1024 : i32
        %mul3A_222 = arith.muli %arg0, %mul3A_221 : i32
        %add3A_223 = arith.constant 26 : i32
        %add3A_224 = arith.addi %add3A_223, %arg1 : i32
        %mul3A_225 = arith.constant 1024 : i32
        %mul3A_226 = arith.muli %arg0, %mul3A_225 : i32
        %add3A_227 = arith.constant 28 : i32
        %add3A_228 = arith.addi %add3A_227, %arg1 : i32
        %mul3A_229 = arith.constant 1024 : i32
        %mul3A_230 = arith.muli %arg0, %mul3A_229 : i32
        %add3A_231 = arith.constant 30 : i32
        %add3A_232 = arith.addi %add3A_231, %arg1 : i32
        %dma_start3A = arith.constant 0 : i32
        %dma_start3A_233 = tpu.memref_slice %arg4[%mul3A_170, %add3A_172, %dma_start3A] : memref<50257x32x128xf32, #tpu.memory_space<hbm>> -> memref<81x1x128xf32, #tpu.memory_space<hbm>>
        %dma_start3A_234 = tpu.memref_squeeze %dma_start3A_233 : memref<81x1x128xf32, #tpu.memory_space<hbm>> -> memref<81x128xf32, #tpu.memory_space<hbm>>
        %dma_start3A_235 = arith.constant 0 : i32
        %dma_start3A_236 = arith.constant 0 : i32
        %dma_start3A_237 = tpu.memref_slice %arg8[%dma_start3A_235, %dma_start3A_236] : memref<81x2048xf32, #tpu.memory_space<vmem>> -> memref<81x128xf32, #tpu.memory_space<vmem>>
        tpu.enqueue_dma source(%dma_start3A_237 : memref<81x128xf32, #tpu.memory_space<vmem>>) target(%dma_start3A_234 : memref<81x128xf32, #tpu.memory_space<hbm>>) target_semaphore(%arg10 : memref<!tpu.dma_semaphore, #tpu.memory_space<semaphore_mem>>)
        %dma_start3A_238 = arith.constant 0 : i32
        %dma_start3A_239 = tpu.memref_slice %arg4[%mul3A_174, %add3A_176, %dma_start3A_238] : memref<50257x32x128xf32, #tpu.memory_space<hbm>> -> memref<81x1x128xf32, #tpu.memory_space<hbm>>
        %dma_start3A_240 = tpu.memref_squeeze %dma_start3A_239 : memref<81x1x128xf32, #tpu.memory_space<hbm>> -> memref<81x128xf32, #tpu.memory_space<hbm>>
        %dma_start3A_241 = arith.constant 0 : i32
        %dma_start3A_242 = arith.constant 128 : i32
        %dma_start3A_243 = tpu.memref_slice %arg8[%dma_start3A_241, %dma_start3A_242] : memref<81x2048xf32, #tpu.memory_space<vmem>> -> memref<81x128xf32, #tpu.memory_space<vmem>>
        tpu.enqueue_dma source(%dma_start3A_243 : memref<81x128xf32, #tpu.memory_space<vmem>>) target(%dma_start3A_240 : memref<81x128xf32, #tpu.memory_space<hbm>>) target_semaphore(%arg10 : memref<!tpu.dma_semaphore, #tpu.memory_space<semaphore_mem>>)
        %dma_start3A_244 = arith.constant 0 : i32
        %dma_start3A_245 = tpu.memref_slice %arg4[%mul3A_178, %add3A_180, %dma_start3A_244] : memref<50257x32x128xf32, #tpu.memory_space<hbm>> -> memref<81x1x128xf32, #tpu.memory_space<hbm>>
        %dma_start3A_246 = tpu.memref_squeeze %dma_start3A_245 : memref<81x1x128xf32, #tpu.memory_space<hbm>> -> memref<81x128xf32, #tpu.memory_space<hbm>>
        %dma_start3A_247 = arith.constant 0 : i32
        %dma_start3A_248 = arith.constant 256 : i32
        %dma_start3A_249 = tpu.memref_slice %arg8[%dma_start3A_247, %dma_start3A_248] : memref<81x2048xf32, #tpu.memory_space<vmem>> -> memref<81x128xf32, #tpu.memory_space<vmem>>
        tpu.enqueue_dma source(%dma_start3A_249 : memref<81x128xf32, #tpu.memory_space<vmem>>) target(%dma_start3A_246 : memref<81x128xf32, #tpu.memory_space<hbm>>) target_semaphore(%arg10 : memref<!tpu.dma_semaphore, #tpu.memory_space<semaphore_mem>>)
        %dma_start3A_250 = arith.constant 0 : i32
        %dma_start3A_251 = tpu.memref_slice %arg4[%mul3A_182, %add3A_184, %dma_start3A_250] : memref<50257x32x128xf32, #tpu.memory_space<hbm>> -> memref<81x1x128xf32, #tpu.memory_space<hbm>>
        %dma_start3A_252 = tpu.memref_squeeze %dma_start3A_251 : memref<81x1x128xf32, #tpu.memory_space<hbm>> -> memref<81x128xf32, #tpu.memory_space<hbm>>
        %dma_start3A_253 = arith.constant 0 : i32
        %dma_start3A_254 = arith.constant 384 : i32
        %dma_start3A_255 = tpu.memref_slice %arg8[%dma_start3A_253, %dma_start3A_254] : memref<81x2048xf32, #tpu.memory_space<vmem>> -> memref<81x128xf32, #tpu.memory_space<vmem>>
        tpu.enqueue_dma source(%dma_start3A_255 : memref<81x128xf32, #tpu.memory_space<vmem>>) target(%dma_start3A_252 : memref<81x128xf32, #tpu.memory_space<hbm>>) target_semaphore(%arg10 : memref<!tpu.dma_semaphore, #tpu.memory_space<semaphore_mem>>)
        %dma_start3A_256 = arith.constant 0 : i32
        %dma_start3A_257 = tpu.memref_slice %arg4[%mul3A_186, %add3A_188, %dma_start3A_256] : memref<50257x32x128xf32, #tpu.memory_space<hbm>> -> memref<81x1x128xf32, #tpu.memory_space<hbm>>
        %dma_start3A_258 = tpu.memref_squeeze %dma_start3A_257 : memref<81x1x128xf32, #tpu.memory_space<hbm>> -> memref<81x128xf32, #tpu.memory_space<hbm>>
        %dma_start3A_259 = arith.constant 0 : i32
        %dma_start3A_260 = arith.constant 512 : i32
        %dma_start3A_261 = tpu.memref_slice %arg8[%dma_start3A_259, %dma_start3A_260] : memref<81x2048xf32, #tpu.memory_space<vmem>> -> memref<81x128xf32, #tpu.memory_space<vmem>>
        tpu.enqueue_dma source(%dma_start3A_261 : memref<81x128xf32, #tpu.memory_space<vmem>>) target(%dma_start3A_258 : memref<81x128xf32, #tpu.memory_space<hbm>>) target_semaphore(%arg10 : memref<!tpu.dma_semaphore, #tpu.memory_space<semaphore_mem>>)
        %dma_start3A_262 = arith.constant 0 : i32
        %dma_start3A_263 = tpu.memref_slice %arg4[%mul3A_190, %add3A_192, %dma_start3A_262] : memref<50257x32x128xf32, #tpu.memory_space<hbm>> -> memref<81x1x128xf32, #tpu.memory_space<hbm>>
        %dma_start3A_264 = tpu.memref_squeeze %dma_start3A_263 : memref<81x1x128xf32, #tpu.memory_space<hbm>> -> memref<81x128xf32, #tpu.memory_space<hbm>>
        %dma_start3A_265 = arith.constant 0 : i32
        %dma_start3A_266 = arith.constant 640 : i32
        %dma_start3A_267 = tpu.memref_slice %arg8[%dma_start3A_265, %dma_start3A_266] : memref<81x2048xf32, #tpu.memory_space<vmem>> -> memref<81x128xf32, #tpu.memory_space<vmem>>
        tpu.enqueue_dma source(%dma_start3A_267 : memref<81x128xf32, #tpu.memory_space<vmem>>) target(%dma_start3A_264 : memref<81x128xf32, #tpu.memory_space<hbm>>) target_semaphore(%arg10 : memref<!tpu.dma_semaphore, #tpu.memory_space<semaphore_mem>>)
        %dma_start3A_268 = arith.constant 0 : i32
        %dma_start3A_269 = tpu.memref_slice %arg4[%mul3A_194, %add3A_196, %dma_start3A_268] : memref<50257x32x128xf32, #tpu.memory_space<hbm>> -> memref<81x1x128xf32, #tpu.memory_space<hbm>>
        %dma_start3A_270 = tpu.memref_squeeze %dma_start3A_269 : memref<81x1x128xf32, #tpu.memory_space<hbm>> -> memref<81x128xf32, #tpu.memory_space<hbm>>
        %dma_start3A_271 = arith.constant 0 : i32
        %dma_start3A_272 = arith.constant 768 : i32
        %dma_start3A_273 = tpu.memref_slice %arg8[%dma_start3A_271, %dma_start3A_272] : memref<81x2048xf32, #tpu.memory_space<vmem>> -> memref<81x128xf32, #tpu.memory_space<vmem>>
        tpu.enqueue_dma source(%dma_start3A_273 : memref<81x128xf32, #tpu.memory_space<vmem>>) target(%dma_start3A_270 : memref<81x128xf32, #tpu.memory_space<hbm>>) target_semaphore(%arg10 : memref<!tpu.dma_semaphore, #tpu.memory_space<semaphore_mem>>)
        %dma_start3A_274 = arith.constant 0 : i32
        %dma_start3A_275 = tpu.memref_slice %arg4[%mul3A_198, %add3A_200, %dma_start3A_274] : memref<50257x32x128xf32, #tpu.memory_space<hbm>> -> memref<81x1x128xf32, #tpu.memory_space<hbm>>
        %dma_start3A_276 = tpu.memref_squeeze %dma_start3A_275 : memref<81x1x128xf32, #tpu.memory_space<hbm>> -> memref<81x128xf32, #tpu.memory_space<hbm>>
        %dma_start3A_277 = arith.constant 0 : i32
        %dma_start3A_278 = arith.constant 896 : i32
        %dma_start3A_279 = tpu.memref_slice %arg8[%dma_start3A_277, %dma_start3A_278] : memref<81x2048xf32, #tpu.memory_space<vmem>> -> memref<81x128xf32, #tpu.memory_space<vmem>>
        tpu.enqueue_dma source(%dma_start3A_279 : memref<81x128xf32, #tpu.memory_space<vmem>>) target(%dma_start3A_276 : memref<81x128xf32, #tpu.memory_space<hbm>>) target_semaphore(%arg10 : memref<!tpu.dma_semaphore, #tpu.memory_space<semaphore_mem>>)
        %dma_start3A_280 = arith.constant 0 : i32
        %dma_start3A_281 = tpu.memref_slice %arg4[%mul3A_202, %add3A_204, %dma_start3A_280] : memref<50257x32x128xf32, #tpu.memory_space<hbm>> -> memref<81x1x128xf32, #tpu.memory_space<hbm>>
        %dma_start3A_282 = tpu.memref_squeeze %dma_start3A_281 : memref<81x1x128xf32, #tpu.memory_space<hbm>> -> memref<81x128xf32, #tpu.memory_space<hbm>>
        %dma_start3A_283 = arith.constant 0 : i32
        %dma_start3A_284 = arith.constant 1024 : i32
        %dma_start3A_285 = tpu.memref_slice %arg8[%dma_start3A_283, %dma_start3A_284] : memref<81x2048xf32, #tpu.memory_space<vmem>> -> memref<81x128xf32, #tpu.memory_space<vmem>>
        tpu.enqueue_dma source(%dma_start3A_285 : memref<81x128xf32, #tpu.memory_space<vmem>>) target(%dma_start3A_282 : memref<81x128xf32, #tpu.memory_space<hbm>>) target_semaphore(%arg10 : memref<!tpu.dma_semaphore, #tpu.memory_space<semaphore_mem>>)
        %dma_start3A_286 = arith.constant 0 : i32
        %dma_start3A_287 = tpu.memref_slice %arg4[%mul3A_206, %add3A_208, %dma_start3A_286] : memref<50257x32x128xf32, #tpu.memory_space<hbm>> -> memref<81x1x128xf32, #tpu.memory_space<hbm>>
        %dma_start3A_288 = tpu.memref_squeeze %dma_start3A_287 : memref<81x1x128xf32, #tpu.memory_space<hbm>> -> memref<81x128xf32, #tpu.memory_space<hbm>>
        %dma_start3A_289 = arith.constant 0 : i32
        %dma_start3A_290 = arith.constant 1152 : i32
        %dma_start3A_291 = tpu.memref_slice %arg8[%dma_start3A_289, %dma_start3A_290] : memref<81x2048xf32, #tpu.memory_space<vmem>> -> memref<81x128xf32, #tpu.memory_space<vmem>>
        tpu.enqueue_dma source(%dma_start3A_291 : memref<81x128xf32, #tpu.memory_space<vmem>>) target(%dma_start3A_288 : memref<81x128xf32, #tpu.memory_space<hbm>>) target_semaphore(%arg10 : memref<!tpu.dma_semaphore, #tpu.memory_space<semaphore_mem>>)
        %dma_start3A_292 = arith.constant 0 : i32
        %dma_start3A_293 = tpu.memref_slice %arg4[%mul3A_210, %add3A_212, %dma_start3A_292] : memref<50257x32x128xf32, #tpu.memory_space<hbm>> -> memref<81x1x128xf32, #tpu.memory_space<hbm>>
        %dma_start3A_294 = tpu.memref_squeeze %dma_start3A_293 : memref<81x1x128xf32, #tpu.memory_space<hbm>> -> memref<81x128xf32, #tpu.memory_space<hbm>>
        %dma_start3A_295 = arith.constant 0 : i32
        %dma_start3A_296 = arith.constant 1280 : i32
        %dma_start3A_297 = tpu.memref_slice %arg8[%dma_start3A_295, %dma_start3A_296] : memref<81x2048xf32, #tpu.memory_space<vmem>> -> memref<81x128xf32, #tpu.memory_space<vmem>>
        tpu.enqueue_dma source(%dma_start3A_297 : memref<81x128xf32, #tpu.memory_space<vmem>>) target(%dma_start3A_294 : memref<81x128xf32, #tpu.memory_space<hbm>>) target_semaphore(%arg10 : memref<!tpu.dma_semaphore, #tpu.memory_space<semaphore_mem>>)
        %dma_start3A_298 = arith.constant 0 : i32
        %dma_start3A_299 = tpu.memref_slice %arg4[%mul3A_214, %add3A_216, %dma_start3A_298] : memref<50257x32x128xf32, #tpu.memory_space<hbm>> -> memref<81x1x128xf32, #tpu.memory_space<hbm>>
        %dma_start3A_300 = tpu.memref_squeeze %dma_start3A_299 : memref<81x1x128xf32, #tpu.memory_space<hbm>> -> memref<81x128xf32, #tpu.memory_space<hbm>>
        %dma_start3A_301 = arith.constant 0 : i32
        %dma_start3A_302 = arith.constant 1408 : i32
        %dma_start3A_303 = tpu.memref_slice %arg8[%dma_start3A_301, %dma_start3A_302] : memref<81x2048xf32, #tpu.memory_space<vmem>> -> memref<81x128xf32, #tpu.memory_space<vmem>>
        tpu.enqueue_dma source(%dma_start3A_303 : memref<81x128xf32, #tpu.memory_space<vmem>>) target(%dma_start3A_300 : memref<81x128xf32, #tpu.memory_space<hbm>>) target_semaphore(%arg10 : memref<!tpu.dma_semaphore, #tpu.memory_space<semaphore_mem>>)
        %dma_start3A_304 = arith.constant 0 : i32
        %dma_start3A_305 = tpu.memref_slice %arg4[%mul3A_218, %add3A_220, %dma_start3A_304] : memref<50257x32x128xf32, #tpu.memory_space<hbm>> -> memref<81x1x128xf32, #tpu.memory_space<hbm>>
        %dma_start3A_306 = tpu.memref_squeeze %dma_start3A_305 : memref<81x1x128xf32, #tpu.memory_space<hbm>> -> memref<81x128xf32, #tpu.memory_space<hbm>>
        %dma_start3A_307 = arith.constant 0 : i32
        %dma_start3A_308 = arith.constant 1536 : i32
        %dma_start3A_309 = tpu.memref_slice %arg8[%dma_start3A_307, %dma_start3A_308] : memref<81x2048xf32, #tpu.memory_space<vmem>> -> memref<81x128xf32, #tpu.memory_space<vmem>>
        tpu.enqueue_dma source(%dma_start3A_309 : memref<81x128xf32, #tpu.memory_space<vmem>>) target(%dma_start3A_306 : memref<81x128xf32, #tpu.memory_space<hbm>>) target_semaphore(%arg10 : memref<!tpu.dma_semaphore, #tpu.memory_space<semaphore_mem>>)
        %dma_start3A_310 = arith.constant 0 : i32
        %dma_start3A_311 = tpu.memref_slice %arg4[%mul3A_222, %add3A_224, %dma_start3A_310] : memref<50257x32x128xf32, #tpu.memory_space<hbm>> -> memref<81x1x128xf32, #tpu.memory_space<hbm>>
        %dma_start3A_312 = tpu.memref_squeeze %dma_start3A_311 : memref<81x1x128xf32, #tpu.memory_space<hbm>> -> memref<81x128xf32, #tpu.memory_space<hbm>>
        %dma_start3A_313 = arith.constant 0 : i32
        %dma_start3A_314 = arith.constant 1664 : i32
        %dma_start3A_315 = tpu.memref_slice %arg8[%dma_start3A_313, %dma_start3A_314] : memref<81x2048xf32, #tpu.memory_space<vmem>> -> memref<81x128xf32, #tpu.memory_space<vmem>>
        tpu.enqueue_dma source(%dma_start3A_315 : memref<81x128xf32, #tpu.memory_space<vmem>>) target(%dma_start3A_312 : memref<81x128xf32, #tpu.memory_space<hbm>>) target_semaphore(%arg10 : memref<!tpu.dma_semaphore, #tpu.memory_space<semaphore_mem>>)
        %dma_start3A_316 = arith.constant 0 : i32
        %dma_start3A_317 = tpu.memref_slice %arg4[%mul3A_226, %add3A_228, %dma_start3A_316] : memref<50257x32x128xf32, #tpu.memory_space<hbm>> -> memref<81x1x128xf32, #tpu.memory_space<hbm>>
        %dma_start3A_318 = tpu.memref_squeeze %dma_start3A_317 : memref<81x1x128xf32, #tpu.memory_space<hbm>> -> memref<81x128xf32, #tpu.memory_space<hbm>>
        %dma_start3A_319 = arith.constant 0 : i32
        %dma_start3A_320 = arith.constant 1792 : i32
        %dma_start3A_321 = tpu.memref_slice %arg8[%dma_start3A_319, %dma_start3A_320] : memref<81x2048xf32, #tpu.memory_space<vmem>> -> memref<81x128xf32, #tpu.memory_space<vmem>>
        tpu.enqueue_dma source(%dma_start3A_321 : memref<81x128xf32, #tpu.memory_space<vmem>>) target(%dma_start3A_318 : memref<81x128xf32, #tpu.memory_space<hbm>>) target_semaphore(%arg10 : memref<!tpu.dma_semaphore, #tpu.memory_space<semaphore_mem>>)
        %dma_start3A_322 = arith.constant 0 : i32
        %dma_start3A_323 = tpu.memref_slice %arg4[%mul3A_230, %add3A_232, %dma_start3A_322] : memref<50257x32x128xf32, #tpu.memory_space<hbm>> -> memref<81x1x128xf32, #tpu.memory_space<hbm>>
        %dma_start3A_324 = tpu.memref_squeeze %dma_start3A_323 : memref<81x1x128xf32, #tpu.memory_space<hbm>> -> memref<81x128xf32, #tpu.memory_space<hbm>>
        %dma_start3A_325 = arith.constant 0 : i32
        %dma_start3A_326 = arith.constant 1920 : i32
        %dma_start3A_327 = tpu.memref_slice %arg8[%dma_start3A_325, %dma_start3A_326] : memref<81x2048xf32, #tpu.memory_space<vmem>> -> memref<81x128xf32, #tpu.memory_space<vmem>>
        tpu.enqueue_dma source(%dma_start3A_327 : memref<81x128xf32, #tpu.memory_space<vmem>>) target(%dma_start3A_324 : memref<81x128xf32, #tpu.memory_space<hbm>>) target_semaphore(%arg10 : memref<!tpu.dma_semaphore, #tpu.memory_space<semaphore_mem>>)
      } else {
      }
    } else {
    }
    %eq3A_16 = arith.constant 1 : i32
    %eq3A_17 = arith.cmpi eq, %arg1, %eq3A_16 : i32
    %convert_element_type3A_18 = arith.extui %eq3A_17 : i1 to i32
    %cond3A_19 = arith.constant 0 : i32
    %cond3A_20 = arith.cmpi ne, %convert_element_type3A_18, %cond3A_19 : i32
    scf.if %cond3A_20 {
      %ge3A = arith.constant 1 : i32
      %ge3A_29 = arith.cmpi sge, %arg0, %ge3A : i32
      %convert_element_type3A_30 = arith.extui %ge3A_29 : i1 to i32
      %cond3A_31 = arith.constant 0 : i32
      %cond3A_32 = arith.cmpi ne, %convert_element_type3A_30, %cond3A_31 : i32
      scf.if %cond3A_32 {
        %mul3A = arith.constant 1024 : i32
        %mul3A_43 = arith.muli %arg0, %mul3A : i32
        %add3A = arith.constant 0 : i32
        %add3A_44 = arith.addi %add3A, %arg1 : i32
        %mul3A_45 = arith.constant 1024 : i32
        %mul3A_46 = arith.muli %arg0, %mul3A_45 : i32
        %add3A_47 = arith.constant 2 : i32
        %add3A_48 = arith.addi %add3A_47, %arg1 : i32
        %mul3A_49 = arith.constant 1024 : i32
        %mul3A_50 = arith.muli %arg0, %mul3A_49 : i32
        %add3A_51 = arith.constant 4 : i32
        %add3A_52 = arith.addi %add3A_51, %arg1 : i32
        %mul3A_53 = arith.constant 1024 : i32
        %mul3A_54 = arith.muli %arg0, %mul3A_53 : i32
        %add3A_55 = arith.constant 6 : i32
        %add3A_56 = arith.addi %add3A_55, %arg1 : i32
        %mul3A_57 = arith.constant 1024 : i32
        %mul3A_58 = arith.muli %arg0, %mul3A_57 : i32
        %add3A_59 = arith.constant 8 : i32
        %add3A_60 = arith.addi %add3A_59, %arg1 : i32
        %mul3A_61 = arith.constant 1024 : i32
        %mul3A_62 = arith.muli %arg0, %mul3A_61 : i32
        %add3A_63 = arith.constant 10 : i32
        %add3A_64 = arith.addi %add3A_63, %arg1 : i32
        %mul3A_65 = arith.constant 1024 : i32
        %mul3A_66 = arith.muli %arg0, %mul3A_65 : i32
        %add3A_67 = arith.constant 12 : i32
        %add3A_68 = arith.addi %add3A_67, %arg1 : i32
        %mul3A_69 = arith.constant 1024 : i32
        %mul3A_70 = arith.muli %arg0, %mul3A_69 : i32
        %add3A_71 = arith.constant 14 : i32
        %add3A_72 = arith.addi %add3A_71, %arg1 : i32
        %mul3A_73 = arith.constant 1024 : i32
        %mul3A_74 = arith.muli %arg0, %mul3A_73 : i32
        %add3A_75 = arith.constant 16 : i32
        %add3A_76 = arith.addi %add3A_75, %arg1 : i32
        %mul3A_77 = arith.constant 1024 : i32
        %mul3A_78 = arith.muli %arg0, %mul3A_77 : i32
        %add3A_79 = arith.constant 18 : i32
        %add3A_80 = arith.addi %add3A_79, %arg1 : i32
        %mul3A_81 = arith.constant 1024 : i32
        %mul3A_82 = arith.muli %arg0, %mul3A_81 : i32
        %add3A_83 = arith.constant 20 : i32
        %add3A_84 = arith.addi %add3A_83, %arg1 : i32
        %mul3A_85 = arith.constant 1024 : i32
        %mul3A_86 = arith.muli %arg0, %mul3A_85 : i32
        %add3A_87 = arith.constant 22 : i32
        %add3A_88 = arith.addi %add3A_87, %arg1 : i32
        %mul3A_89 = arith.constant 1024 : i32
        %mul3A_90 = arith.muli %arg0, %mul3A_89 : i32
        %add3A_91 = arith.constant 24 : i32
        %add3A_92 = arith.addi %add3A_91, %arg1 : i32
        %mul3A_93 = arith.constant 1024 : i32
        %mul3A_94 = arith.muli %arg0, %mul3A_93 : i32
        %add3A_95 = arith.constant 26 : i32
        %add3A_96 = arith.addi %add3A_95, %arg1 : i32
        %mul3A_97 = arith.constant 1024 : i32
        %mul3A_98 = arith.muli %arg0, %mul3A_97 : i32
        %add3A_99 = arith.constant 28 : i32
        %add3A_100 = arith.addi %add3A_99, %arg1 : i32
        %mul3A_101 = arith.constant 1024 : i32
        %mul3A_102 = arith.muli %arg0, %mul3A_101 : i32
        %add3A_103 = arith.constant 30 : i32
        %add3A_104 = arith.addi %add3A_103, %arg1 : i32
        %dma_wait3A = arith.constant 0 : i32
        %dma_wait3A_105 = tpu.memref_slice %arg4[%mul3A_43, %add3A_44, %dma_wait3A] : memref<50257x32x128xf32, #tpu.memory_space<hbm>> -> memref<1024x1x128xf32, #tpu.memory_space<hbm>>
        %dma_wait3A_106 = tpu.memref_squeeze %dma_wait3A_105 : memref<1024x1x128xf32, #tpu.memory_space<hbm>> -> memref<1024x128xf32, #tpu.memory_space<hbm>>
        %dma_wait3A_107 = arith.constant 0 : i32
        %dma_wait3A_108 = arith.constant 0 : i32
        %dma_wait3A_109 = tpu.memref_slice %arg7[%dma_wait3A_107, %dma_wait3A_108] : memref<1024x2048xf32, #tpu.memory_space<vmem>> -> memref<1024x128xf32, #tpu.memory_space<vmem>>
        tpu.wait_dma2 semaphore(%arg11 : memref<!tpu.dma_semaphore, #tpu.memory_space<semaphore_mem>>) src(%dma_wait3A_109 : memref<1024x128xf32, #tpu.memory_space<vmem>>) dst(%dma_wait3A_106 : memref<1024x128xf32, #tpu.memory_space<hbm>>)
        %dma_wait3A_110 = arith.constant 0 : i32
        %dma_wait3A_111 = tpu.memref_slice %arg4[%mul3A_46, %add3A_48, %dma_wait3A_110] : memref<50257x32x128xf32, #tpu.memory_space<hbm>> -> memref<1024x1x128xf32, #tpu.memory_space<hbm>>
        %dma_wait3A_112 = tpu.memref_squeeze %dma_wait3A_111 : memref<1024x1x128xf32, #tpu.memory_space<hbm>> -> memref<1024x128xf32, #tpu.memory_space<hbm>>
        %dma_wait3A_113 = arith.constant 0 : i32
        %dma_wait3A_114 = arith.constant 128 : i32
        %dma_wait3A_115 = tpu.memref_slice %arg7[%dma_wait3A_113, %dma_wait3A_114] : memref<1024x2048xf32, #tpu.memory_space<vmem>> -> memref<1024x128xf32, #tpu.memory_space<vmem>>
        tpu.wait_dma2 semaphore(%arg11 : memref<!tpu.dma_semaphore, #tpu.memory_space<semaphore_mem>>) src(%dma_wait3A_115 : memref<1024x128xf32, #tpu.memory_space<vmem>>) dst(%dma_wait3A_112 : memref<1024x128xf32, #tpu.memory_space<hbm>>)
        %dma_wait3A_116 = arith.constant 0 : i32
        %dma_wait3A_117 = tpu.memref_slice %arg4[%mul3A_50, %add3A_52, %dma_wait3A_116] : memref<50257x32x128xf32, #tpu.memory_space<hbm>> -> memref<1024x1x128xf32, #tpu.memory_space<hbm>>
        %dma_wait3A_118 = tpu.memref_squeeze %dma_wait3A_117 : memref<1024x1x128xf32, #tpu.memory_space<hbm>> -> memref<1024x128xf32, #tpu.memory_space<hbm>>
        %dma_wait3A_119 = arith.constant 0 : i32
        %dma_wait3A_120 = arith.constant 256 : i32
        %dma_wait3A_121 = tpu.memref_slice %arg7[%dma_wait3A_119, %dma_wait3A_120] : memref<1024x2048xf32, #tpu.memory_space<vmem>> -> memref<1024x128xf32, #tpu.memory_space<vmem>>
        tpu.wait_dma2 semaphore(%arg11 : memref<!tpu.dma_semaphore, #tpu.memory_space<semaphore_mem>>) src(%dma_wait3A_121 : memref<1024x128xf32, #tpu.memory_space<vmem>>) dst(%dma_wait3A_118 : memref<1024x128xf32, #tpu.memory_space<hbm>>)
        %dma_wait3A_122 = arith.constant 0 : i32
        %dma_wait3A_123 = tpu.memref_slice %arg4[%mul3A_54, %add3A_56, %dma_wait3A_122] : memref<50257x32x128xf32, #tpu.memory_space<hbm>> -> memref<1024x1x128xf32, #tpu.memory_space<hbm>>
        %dma_wait3A_124 = tpu.memref_squeeze %dma_wait3A_123 : memref<1024x1x128xf32, #tpu.memory_space<hbm>> -> memref<1024x128xf32, #tpu.memory_space<hbm>>
        %dma_wait3A_125 = arith.constant 0 : i32
        %dma_wait3A_126 = arith.constant 384 : i32
        %dma_wait3A_127 = tpu.memref_slice %arg7[%dma_wait3A_125, %dma_wait3A_126] : memref<1024x2048xf32, #tpu.memory_space<vmem>> -> memref<1024x128xf32, #tpu.memory_space<vmem>>
        tpu.wait_dma2 semaphore(%arg11 : memref<!tpu.dma_semaphore, #tpu.memory_space<semaphore_mem>>) src(%dma_wait3A_127 : memref<1024x128xf32, #tpu.memory_space<vmem>>) dst(%dma_wait3A_124 : memref<1024x128xf32, #tpu.memory_space<hbm>>)
        %dma_wait3A_128 = arith.constant 0 : i32
        %dma_wait3A_129 = tpu.memref_slice %arg4[%mul3A_58, %add3A_60, %dma_wait3A_128] : memref<50257x32x128xf32, #tpu.memory_space<hbm>> -> memref<1024x1x128xf32, #tpu.memory_space<hbm>>
        %dma_wait3A_130 = tpu.memref_squeeze %dma_wait3A_129 : memref<1024x1x128xf32, #tpu.memory_space<hbm>> -> memref<1024x128xf32, #tpu.memory_space<hbm>>
        %dma_wait3A_131 = arith.constant 0 : i32
        %dma_wait3A_132 = arith.constant 512 : i32
        %dma_wait3A_133 = tpu.memref_slice %arg7[%dma_wait3A_131, %dma_wait3A_132] : memref<1024x2048xf32, #tpu.memory_space<vmem>> -> memref<1024x128xf32, #tpu.memory_space<vmem>>
        tpu.wait_dma2 semaphore(%arg11 : memref<!tpu.dma_semaphore, #tpu.memory_space<semaphore_mem>>) src(%dma_wait3A_133 : memref<1024x128xf32, #tpu.memory_space<vmem>>) dst(%dma_wait3A_130 : memref<1024x128xf32, #tpu.memory_space<hbm>>)
        %dma_wait3A_134 = arith.constant 0 : i32
        %dma_wait3A_135 = tpu.memref_slice %arg4[%mul3A_62, %add3A_64, %dma_wait3A_134] : memref<50257x32x128xf32, #tpu.memory_space<hbm>> -> memref<1024x1x128xf32, #tpu.memory_space<hbm>>
        %dma_wait3A_136 = tpu.memref_squeeze %dma_wait3A_135 : memref<1024x1x128xf32, #tpu.memory_space<hbm>> -> memref<1024x128xf32, #tpu.memory_space<hbm>>
        %dma_wait3A_137 = arith.constant 0 : i32
        %dma_wait3A_138 = arith.constant 640 : i32
        %dma_wait3A_139 = tpu.memref_slice %arg7[%dma_wait3A_137, %dma_wait3A_138] : memref<1024x2048xf32, #tpu.memory_space<vmem>> -> memref<1024x128xf32, #tpu.memory_space<vmem>>
        tpu.wait_dma2 semaphore(%arg11 : memref<!tpu.dma_semaphore, #tpu.memory_space<semaphore_mem>>) src(%dma_wait3A_139 : memref<1024x128xf32, #tpu.memory_space<vmem>>) dst(%dma_wait3A_136 : memref<1024x128xf32, #tpu.memory_space<hbm>>)
        %dma_wait3A_140 = arith.constant 0 : i32
        %dma_wait3A_141 = tpu.memref_slice %arg4[%mul3A_66, %add3A_68, %dma_wait3A_140] : memref<50257x32x128xf32, #tpu.memory_space<hbm>> -> memref<1024x1x128xf32, #tpu.memory_space<hbm>>
        %dma_wait3A_142 = tpu.memref_squeeze %dma_wait3A_141 : memref<1024x1x128xf32, #tpu.memory_space<hbm>> -> memref<1024x128xf32, #tpu.memory_space<hbm>>
        %dma_wait3A_143 = arith.constant 0 : i32
        %dma_wait3A_144 = arith.constant 768 : i32
        %dma_wait3A_145 = tpu.memref_slice %arg7[%dma_wait3A_143, %dma_wait3A_144] : memref<1024x2048xf32, #tpu.memory_space<vmem>> -> memref<1024x128xf32, #tpu.memory_space<vmem>>
        tpu.wait_dma2 semaphore(%arg11 : memref<!tpu.dma_semaphore, #tpu.memory_space<semaphore_mem>>) src(%dma_wait3A_145 : memref<1024x128xf32, #tpu.memory_space<vmem>>) dst(%dma_wait3A_142 : memref<1024x128xf32, #tpu.memory_space<hbm>>)
        %dma_wait3A_146 = arith.constant 0 : i32
        %dma_wait3A_147 = tpu.memref_slice %arg4[%mul3A_70, %add3A_72, %dma_wait3A_146] : memref<50257x32x128xf32, #tpu.memory_space<hbm>> -> memref<1024x1x128xf32, #tpu.memory_space<hbm>>
        %dma_wait3A_148 = tpu.memref_squeeze %dma_wait3A_147 : memref<1024x1x128xf32, #tpu.memory_space<hbm>> -> memref<1024x128xf32, #tpu.memory_space<hbm>>
        %dma_wait3A_149 = arith.constant 0 : i32
        %dma_wait3A_150 = arith.constant 896 : i32
        %dma_wait3A_151 = tpu.memref_slice %arg7[%dma_wait3A_149, %dma_wait3A_150] : memref<1024x2048xf32, #tpu.memory_space<vmem>> -> memref<1024x128xf32, #tpu.memory_space<vmem>>
        tpu.wait_dma2 semaphore(%arg11 : memref<!tpu.dma_semaphore, #tpu.memory_space<semaphore_mem>>) src(%dma_wait3A_151 : memref<1024x128xf32, #tpu.memory_space<vmem>>) dst(%dma_wait3A_148 : memref<1024x128xf32, #tpu.memory_space<hbm>>)
        %dma_wait3A_152 = arith.constant 0 : i32
        %dma_wait3A_153 = tpu.memref_slice %arg4[%mul3A_74, %add3A_76, %dma_wait3A_152] : memref<50257x32x128xf32, #tpu.memory_space<hbm>> -> memref<1024x1x128xf32, #tpu.memory_space<hbm>>
        %dma_wait3A_154 = tpu.memref_squeeze %dma_wait3A_153 : memref<1024x1x128xf32, #tpu.memory_space<hbm>> -> memref<1024x128xf32, #tpu.memory_space<hbm>>
        %dma_wait3A_155 = arith.constant 0 : i32
        %dma_wait3A_156 = arith.constant 1024 : i32
        %dma_wait3A_157 = tpu.memref_slice %arg7[%dma_wait3A_155, %dma_wait3A_156] : memref<1024x2048xf32, #tpu.memory_space<vmem>> -> memref<1024x128xf32, #tpu.memory_space<vmem>>
        tpu.wait_dma2 semaphore(%arg11 : memref<!tpu.dma_semaphore, #tpu.memory_space<semaphore_mem>>) src(%dma_wait3A_157 : memref<1024x128xf32, #tpu.memory_space<vmem>>) dst(%dma_wait3A_154 : memref<1024x128xf32, #tpu.memory_space<hbm>>)
        %dma_wait3A_158 = arith.constant 0 : i32
        %dma_wait3A_159 = tpu.memref_slice %arg4[%mul3A_78, %add3A_80, %dma_wait3A_158] : memref<50257x32x128xf32, #tpu.memory_space<hbm>> -> memref<1024x1x128xf32, #tpu.memory_space<hbm>>
        %dma_wait3A_160 = tpu.memref_squeeze %dma_wait3A_159 : memref<1024x1x128xf32, #tpu.memory_space<hbm>> -> memref<1024x128xf32, #tpu.memory_space<hbm>>
        %dma_wait3A_161 = arith.constant 0 : i32
        %dma_wait3A_162 = arith.constant 1152 : i32
        %dma_wait3A_163 = tpu.memref_slice %arg7[%dma_wait3A_161, %dma_wait3A_162] : memref<1024x2048xf32, #tpu.memory_space<vmem>> -> memref<1024x128xf32, #tpu.memory_space<vmem>>
        tpu.wait_dma2 semaphore(%arg11 : memref<!tpu.dma_semaphore, #tpu.memory_space<semaphore_mem>>) src(%dma_wait3A_163 : memref<1024x128xf32, #tpu.memory_space<vmem>>) dst(%dma_wait3A_160 : memref<1024x128xf32, #tpu.memory_space<hbm>>)
        %dma_wait3A_164 = arith.constant 0 : i32
        %dma_wait3A_165 = tpu.memref_slice %arg4[%mul3A_82, %add3A_84, %dma_wait3A_164] : memref<50257x32x128xf32, #tpu.memory_space<hbm>> -> memref<1024x1x128xf32, #tpu.memory_space<hbm>>
        %dma_wait3A_166 = tpu.memref_squeeze %dma_wait3A_165 : memref<1024x1x128xf32, #tpu.memory_space<hbm>> -> memref<1024x128xf32, #tpu.memory_space<hbm>>
        %dma_wait3A_167 = arith.constant 0 : i32
        %dma_wait3A_168 = arith.constant 1280 : i32
        %dma_wait3A_169 = tpu.memref_slice %arg7[%dma_wait3A_167, %dma_wait3A_168] : memref<1024x2048xf32, #tpu.memory_space<vmem>> -> memref<1024x128xf32, #tpu.memory_space<vmem>>
        tpu.wait_dma2 semaphore(%arg11 : memref<!tpu.dma_semaphore, #tpu.memory_space<semaphore_mem>>) src(%dma_wait3A_169 : memref<1024x128xf32, #tpu.memory_space<vmem>>) dst(%dma_wait3A_166 : memref<1024x128xf32, #tpu.memory_space<hbm>>)
        %dma_wait3A_170 = arith.constant 0 : i32
        %dma_wait3A_171 = tpu.memref_slice %arg4[%mul3A_86, %add3A_88, %dma_wait3A_170] : memref<50257x32x128xf32, #tpu.memory_space<hbm>> -> memref<1024x1x128xf32, #tpu.memory_space<hbm>>
        %dma_wait3A_172 = tpu.memref_squeeze %dma_wait3A_171 : memref<1024x1x128xf32, #tpu.memory_space<hbm>> -> memref<1024x128xf32, #tpu.memory_space<hbm>>
        %dma_wait3A_173 = arith.constant 0 : i32
        %dma_wait3A_174 = arith.constant 1408 : i32
        %dma_wait3A_175 = tpu.memref_slice %arg7[%dma_wait3A_173, %dma_wait3A_174] : memref<1024x2048xf32, #tpu.memory_space<vmem>> -> memref<1024x128xf32, #tpu.memory_space<vmem>>
        tpu.wait_dma2 semaphore(%arg11 : memref<!tpu.dma_semaphore, #tpu.memory_space<semaphore_mem>>) src(%dma_wait3A_175 : memref<1024x128xf32, #tpu.memory_space<vmem>>) dst(%dma_wait3A_172 : memref<1024x128xf32, #tpu.memory_space<hbm>>)
        %dma_wait3A_176 = arith.constant 0 : i32
        %dma_wait3A_177 = tpu.memref_slice %arg4[%mul3A_90, %add3A_92, %dma_wait3A_176] : memref<50257x32x128xf32, #tpu.memory_space<hbm>> -> memref<1024x1x128xf32, #tpu.memory_space<hbm>>
        %dma_wait3A_178 = tpu.memref_squeeze %dma_wait3A_177 : memref<1024x1x128xf32, #tpu.memory_space<hbm>> -> memref<1024x128xf32, #tpu.memory_space<hbm>>
        %dma_wait3A_179 = arith.constant 0 : i32
        %dma_wait3A_180 = arith.constant 1536 : i32
        %dma_wait3A_181 = tpu.memref_slice %arg7[%dma_wait3A_179, %dma_wait3A_180] : memref<1024x2048xf32, #tpu.memory_space<vmem>> -> memref<1024x128xf32, #tpu.memory_space<vmem>>
        tpu.wait_dma2 semaphore(%arg11 : memref<!tpu.dma_semaphore, #tpu.memory_space<semaphore_mem>>) src(%dma_wait3A_181 : memref<1024x128xf32, #tpu.memory_space<vmem>>) dst(%dma_wait3A_178 : memref<1024x128xf32, #tpu.memory_space<hbm>>)
        %dma_wait3A_182 = arith.constant 0 : i32
        %dma_wait3A_183 = tpu.memref_slice %arg4[%mul3A_94, %add3A_96, %dma_wait3A_182] : memref<50257x32x128xf32, #tpu.memory_space<hbm>> -> memref<1024x1x128xf32, #tpu.memory_space<hbm>>
        %dma_wait3A_184 = tpu.memref_squeeze %dma_wait3A_183 : memref<1024x1x128xf32, #tpu.memory_space<hbm>> -> memref<1024x128xf32, #tpu.memory_space<hbm>>
        %dma_wait3A_185 = arith.constant 0 : i32
        %dma_wait3A_186 = arith.constant 1664 : i32
        %dma_wait3A_187 = tpu.memref_slice %arg7[%dma_wait3A_185, %dma_wait3A_186] : memref<1024x2048xf32, #tpu.memory_space<vmem>> -> memref<1024x128xf32, #tpu.memory_space<vmem>>
        tpu.wait_dma2 semaphore(%arg11 : memref<!tpu.dma_semaphore, #tpu.memory_space<semaphore_mem>>) src(%dma_wait3A_187 : memref<1024x128xf32, #tpu.memory_space<vmem>>) dst(%dma_wait3A_184 : memref<1024x128xf32, #tpu.memory_space<hbm>>)
        %dma_wait3A_188 = arith.constant 0 : i32
        %dma_wait3A_189 = tpu.memref_slice %arg4[%mul3A_98, %add3A_100, %dma_wait3A_188] : memref<50257x32x128xf32, #tpu.memory_space<hbm>> -> memref<1024x1x128xf32, #tpu.memory_space<hbm>>
        %dma_wait3A_190 = tpu.memref_squeeze %dma_wait3A_189 : memref<1024x1x128xf32, #tpu.memory_space<hbm>> -> memref<1024x128xf32, #tpu.memory_space<hbm>>
        %dma_wait3A_191 = arith.constant 0 : i32
        %dma_wait3A_192 = arith.constant 1792 : i32
        %dma_wait3A_193 = tpu.memref_slice %arg7[%dma_wait3A_191, %dma_wait3A_192] : memref<1024x2048xf32, #tpu.memory_space<vmem>> -> memref<1024x128xf32, #tpu.memory_space<vmem>>
        tpu.wait_dma2 semaphore(%arg11 : memref<!tpu.dma_semaphore, #tpu.memory_space<semaphore_mem>>) src(%dma_wait3A_193 : memref<1024x128xf32, #tpu.memory_space<vmem>>) dst(%dma_wait3A_190 : memref<1024x128xf32, #tpu.memory_space<hbm>>)
        %dma_wait3A_194 = arith.constant 0 : i32
        %dma_wait3A_195 = tpu.memref_slice %arg4[%mul3A_102, %add3A_104, %dma_wait3A_194] : memref<50257x32x128xf32, #tpu.memory_space<hbm>> -> memref<1024x1x128xf32, #tpu.memory_space<hbm>>
        %dma_wait3A_196 = tpu.memref_squeeze %dma_wait3A_195 : memref<1024x1x128xf32, #tpu.memory_space<hbm>> -> memref<1024x128xf32, #tpu.memory_space<hbm>>
        %dma_wait3A_197 = arith.constant 0 : i32
        %dma_wait3A_198 = arith.constant 1920 : i32
        %dma_wait3A_199 = tpu.memref_slice %arg7[%dma_wait3A_197, %dma_wait3A_198] : memref<1024x2048xf32, #tpu.memory_space<vmem>> -> memref<1024x128xf32, #tpu.memory_space<vmem>>
        tpu.wait_dma2 semaphore(%arg11 : memref<!tpu.dma_semaphore, #tpu.memory_space<semaphore_mem>>) src(%dma_wait3A_199 : memref<1024x128xf32, #tpu.memory_space<vmem>>) dst(%dma_wait3A_196 : memref<1024x128xf32, #tpu.memory_space<hbm>>)
      } else {
      }
      %lt3A_33 = arith.constant 49 : i32
      %lt3A_34 = arith.cmpi slt, %arg0, %lt3A_33 : i32
      %convert_element_type3A_35 = arith.extui %lt3A_34 : i1 to i32
      %cond3A_36 = arith.constant 0 : i32
      %cond3A_37 = arith.cmpi ne, %convert_element_type3A_35, %cond3A_36 : i32
      scf.if %cond3A_37 {
        %jit3A = arith.constant 2 : i32
        %eq3A_43 = arith.constant 0 : i32
        %eq3A_44 = arith.cmpi eq, %jit3A, %eq3A_43 : i32
        %jit3A_45 = arith.constant 1 : i32
        %select_n3A = arith.select %eq3A_44, %jit3A_45, %jit3A : i32
        %rem3A = arith.remsi %arg0, %select_n3A : i32
        %ne3A = arith.constant 0 : i32
        %ne3A_46 = arith.cmpi ne, %rem3A, %ne3A : i32
        %lt3A_47 = arith.constant 0 : i32
        %lt3A_48 = arith.cmpi slt, %rem3A, %lt3A_47 : i32
        %lt3A_49 = arith.constant 0 : i32
        %lt3A_50 = arith.cmpi slt, %select_n3A, %lt3A_49 : i32
        %ne3A_51 = arith.xori %lt3A_48, %lt3A_50 : i1
        %and3A_52 = arith.andi %ne3A_51, %ne3A_46 : i1
        %add3A = arith.addi %rem3A, %select_n3A : i32
        %select_n3A_53 = arith.select %and3A_52, %add3A, %rem3A : i32
        %mul3A = arith.constant 1024 : i32
        %mul3A_54 = arith.muli %select_n3A_53, %mul3A : i32
        %get3A = arith.index_cast %mul3A_54 : i32 to index
        %get3A_55 = arith.constant 0 : index
        %get3A_56 = vector.load %arg5[%get3A, %get3A_55] : memref<2048x768xbf16, #tpu.memory_space<vmem>>, vector<1024x768xbf16>
        %mul3A_57 = arith.constant 2048 : i32
        %mul3A_58 = arith.muli %arg1, %mul3A_57 : i32
        %add3A_59 = arith.constant 0 : i32
        %add3A_60 = arith.addi %mul3A_58, %add3A_59 : i32
        %get3A_61 = arith.index_cast %add3A_60 : i32 to index
        %get3A_62 = arith.constant 0 : index
        %get3A_63 = vector.load %arg2[%get3A_61, %get3A_62] : memref<4096x768xbf16, #tpu.memory_space<vmem>>, vector<512x768xbf16>
        %dot_general3A = arith.constant dense<0.000000e+00> : vector<1024x512xf32>
        %dot_general3A_64 = tpu.matmul %get3A_56, %get3A_63, %dot_general3A {dimension_numbers = #tpu.dot_dimension_numbers<[1], [1], [0], [0], [0, 0, 1, 0], [], []>, transpose_lhs_hint = false} : vector<1024x768xbf16>, vector<512x768xbf16>, vector<1024x512xf32> -> vector<1024x512xf32>
        %swap3A = arith.constant 0 : index
        %swap3A_65 = arith.constant 0 : index
        %swap3A_66 = vector.load %arg7[%swap3A, %swap3A_65] : memref<1024x2048xf32, #tpu.memory_space<vmem>>, vector<1024x512xf32>
        tpu.vector_store %arg7[%swap3A, %swap3A_65], %dot_general3A_64 {strides = array<i32>} : memref<1024x2048xf32, #tpu.memory_space<vmem>>, vector<1024x512xf32>,
        %jit3A_67 = arith.constant 2 : i32
        %eq3A_68 = arith.constant 0 : i32
        %eq3A_69 = arith.cmpi eq, %jit3A_67, %eq3A_68 : i32
        %jit3A_70 = arith.constant 1 : i32
        %select_n3A_71 = arith.select %eq3A_69, %jit3A_70, %jit3A_67 : i32
        %rem3A_72 = arith.remsi %arg0, %select_n3A_71 : i32
        %ne3A_73 = arith.constant 0 : i32
        %ne3A_74 = arith.cmpi ne, %rem3A_72, %ne3A_73 : i32
        %lt3A_75 = arith.constant 0 : i32
        %lt3A_76 = arith.cmpi slt, %rem3A_72, %lt3A_75 : i32
        %lt3A_77 = arith.constant 0 : i32
        %lt3A_78 = arith.cmpi slt, %select_n3A_71, %lt3A_77 : i32
        %ne3A_79 = arith.xori %lt3A_76, %lt3A_78 : i1
        %and3A_80 = arith.andi %ne3A_79, %ne3A_74 : i1
        %add3A_81 = arith.addi %rem3A_72, %select_n3A_71 : i32
        %select_n3A_82 = arith.select %and3A_80, %add3A_81, %rem3A_72 : i32
        %mul3A_83 = arith.constant 1024 : i32
        %mul3A_84 = arith.muli %select_n3A_82, %mul3A_83 : i32
        %get3A_85 = arith.index_cast %mul3A_84 : i32 to index
        %get3A_86 = arith.constant 0 : index
        %get3A_87 = vector.load %arg5[%get3A_85, %get3A_86] : memref<2048x768xbf16, #tpu.memory_space<vmem>>, vector<1024x768xbf16>
        %mul3A_88 = arith.constant 2048 : i32
        %mul3A_89 = arith.muli %arg1, %mul3A_88 : i32
        %add3A_90 = arith.constant 512 : i32
        %add3A_91 = arith.addi %mul3A_89, %add3A_90 : i32
        %get3A_92 = arith.index_cast %add3A_91 : i32 to index
        %get3A_93 = arith.constant 0 : index
        %get3A_94 = vector.load %arg2[%get3A_92, %get3A_93] : memref<4096x768xbf16, #tpu.memory_space<vmem>>, vector<512x768xbf16>
        %dot_general3A_95 = arith.constant dense<0.000000e+00> : vector<1024x512xf32>
        %dot_general3A_96 = tpu.matmul %get3A_87, %get3A_94, %dot_general3A_95 {dimension_numbers = #tpu.dot_dimension_numbers<[1], [1], [0], [0], [0, 0, 1, 0], [], []>, transpose_lhs_hint = false} : vector<1024x768xbf16>, vector<512x768xbf16>, vector<1024x512xf32> -> vector<1024x512xf32>
        %swap3A_97 = arith.constant 0 : index
        %swap3A_98 = arith.constant 512 : index
        %swap3A_99 = vector.load %arg7[%swap3A_97, %swap3A_98] : memref<1024x2048xf32, #tpu.memory_space<vmem>>, vector<1024x512xf32>
        tpu.vector_store %arg7[%swap3A_97, %swap3A_98], %dot_general3A_96 {strides = array<i32>} : memref<1024x2048xf32, #tpu.memory_space<vmem>>, vector<1024x512xf32>,
        %jit3A_100 = arith.constant 2 : i32
        %eq3A_101 = arith.constant 0 : i32
        %eq3A_102 = arith.cmpi eq, %jit3A_100, %eq3A_101 : i32
        %jit3A_103 = arith.constant 1 : i32
        %select_n3A_104 = arith.select %eq3A_102, %jit3A_103, %jit3A_100 : i32
        %rem3A_105 = arith.remsi %arg0, %select_n3A_104 : i32
        %ne3A_106 = arith.constant 0 : i32
        %ne3A_107 = arith.cmpi ne, %rem3A_105, %ne3A_106 : i32
        %lt3A_108 = arith.constant 0 : i32
        %lt3A_109 = arith.cmpi slt, %rem3A_105, %lt3A_108 : i32
        %lt3A_110 = arith.constant 0 : i32
        %lt3A_111 = arith.cmpi slt, %select_n3A_104, %lt3A_110 : i32
        %ne3A_112 = arith.xori %lt3A_109, %lt3A_111 : i1
        %and3A_113 = arith.andi %ne3A_112, %ne3A_107 : i1
        %add3A_114 = arith.addi %rem3A_105, %select_n3A_104 : i32
        %select_n3A_115 = arith.select %and3A_113, %add3A_114, %rem3A_105 : i32
        %mul3A_116 = arith.constant 1024 : i32
        %mul3A_117 = arith.muli %select_n3A_115, %mul3A_116 : i32
        %get3A_118 = arith.index_cast %mul3A_117 : i32 to index
        %get3A_119 = arith.constant 0 : index
        %get3A_120 = vector.load %arg5[%get3A_118, %get3A_119] : memref<2048x768xbf16, #tpu.memory_space<vmem>>, vector<1024x768xbf16>
        %mul3A_121 = arith.constant 2048 : i32
        %mul3A_122 = arith.muli %arg1, %mul3A_121 : i32
        %add3A_123 = arith.constant 1024 : i32
        %add3A_124 = arith.addi %mul3A_122, %add3A_123 : i32
        %get3A_125 = arith.index_cast %add3A_124 : i32 to index
        %get3A_126 = arith.constant 0 : index
        %get3A_127 = vector.load %arg2[%get3A_125, %get3A_126] : memref<4096x768xbf16, #tpu.memory_space<vmem>>, vector<512x768xbf16>
        %dot_general3A_128 = arith.constant dense<0.000000e+00> : vector<1024x512xf32>
        %dot_general3A_129 = tpu.matmul %get3A_120, %get3A_127, %dot_general3A_128 {dimension_numbers = #tpu.dot_dimension_numbers<[1], [1], [0], [0], [0, 0, 1, 0], [], []>, transpose_lhs_hint = false} : vector<1024x768xbf16>, vector<512x768xbf16>, vector<1024x512xf32> -> vector<1024x512xf32>
        %swap3A_130 = arith.constant 0 : index
        %swap3A_131 = arith.constant 1024 : index
        %swap3A_132 = vector.load %arg7[%swap3A_130, %swap3A_131] : memref<1024x2048xf32, #tpu.memory_space<vmem>>, vector<1024x512xf32>
        tpu.vector_store %arg7[%swap3A_130, %swap3A_131], %dot_general3A_129 {strides = array<i32>} : memref<1024x2048xf32, #tpu.memory_space<vmem>>, vector<1024x512xf32>,
        %jit3A_133 = arith.constant 2 : i32
        %eq3A_134 = arith.constant 0 : i32
        %eq3A_135 = arith.cmpi eq, %jit3A_133, %eq3A_134 : i32
        %jit3A_136 = arith.constant 1 : i32
        %select_n3A_137 = arith.select %eq3A_135, %jit3A_136, %jit3A_133 : i32
        %rem3A_138 = arith.remsi %arg0, %select_n3A_137 : i32
        %ne3A_139 = arith.constant 0 : i32
        %ne3A_140 = arith.cmpi ne, %rem3A_138, %ne3A_139 : i32
        %lt3A_141 = arith.constant 0 : i32
        %lt3A_142 = arith.cmpi slt, %rem3A_138, %lt3A_141 : i32
        %lt3A_143 = arith.constant 0 : i32
        %lt3A_144 = arith.cmpi slt, %select_n3A_137, %lt3A_143 : i32
        %ne3A_145 = arith.xori %lt3A_142, %lt3A_144 : i1
        %and3A_146 = arith.andi %ne3A_145, %ne3A_140 : i1
        %add3A_147 = arith.addi %rem3A_138, %select_n3A_137 : i32
        %select_n3A_148 = arith.select %and3A_146, %add3A_147, %rem3A_138 : i32
        %mul3A_149 = arith.constant 1024 : i32
        %mul3A_150 = arith.muli %select_n3A_148, %mul3A_149 : i32
        %get3A_151 = arith.index_cast %mul3A_150 : i32 to index
        %get3A_152 = arith.constant 0 : index
        %get3A_153 = vector.load %arg5[%get3A_151, %get3A_152] : memref<2048x768xbf16, #tpu.memory_space<vmem>>, vector<1024x768xbf16>
        %mul3A_154 = arith.constant 2048 : i32
        %mul3A_155 = arith.muli %arg1, %mul3A_154 : i32
        %add3A_156 = arith.constant 1536 : i32
        %add3A_157 = arith.addi %mul3A_155, %add3A_156 : i32
        %get3A_158 = arith.index_cast %add3A_157 : i32 to index
        %get3A_159 = arith.constant 0 : index
        %get3A_160 = vector.load %arg2[%get3A_158, %get3A_159] : memref<4096x768xbf16, #tpu.memory_space<vmem>>, vector<512x768xbf16>
        %dot_general3A_161 = arith.constant dense<0.000000e+00> : vector<1024x512xf32>
        %dot_general3A_162 = tpu.matmul %get3A_153, %get3A_160, %dot_general3A_161 {dimension_numbers = #tpu.dot_dimension_numbers<[1], [1], [0], [0], [0, 0, 1, 0], [], []>, transpose_lhs_hint = false} : vector<1024x768xbf16>, vector<512x768xbf16>, vector<1024x512xf32> -> vector<1024x512xf32>
        %swap3A_163 = arith.constant 0 : index
        %swap3A_164 = arith.constant 1536 : index
        %swap3A_165 = vector.load %arg7[%swap3A_163, %swap3A_164] : memref<1024x2048xf32, #tpu.memory_space<vmem>>, vector<1024x512xf32>
        tpu.vector_store %arg7[%swap3A_163, %swap3A_164], %dot_general3A_162 {strides = array<i32>} : memref<1024x2048xf32, #tpu.memory_space<vmem>>, vector<1024x512xf32>,
        %mul3A_166 = arith.constant 1024 : i32
        %mul3A_167 = arith.muli %arg0, %mul3A_166 : i32
        %add3A_168 = arith.constant 0 : i32
        %add3A_169 = arith.addi %add3A_168, %arg1 : i32
        %mul3A_170 = arith.constant 1024 : i32
        %mul3A_171 = arith.muli %arg0, %mul3A_170 : i32
        %add3A_172 = arith.constant 2 : i32
        %add3A_173 = arith.addi %add3A_172, %arg1 : i32
        %mul3A_174 = arith.constant 1024 : i32
        %mul3A_175 = arith.muli %arg0, %mul3A_174 : i32
        %add3A_176 = arith.constant 4 : i32
        %add3A_177 = arith.addi %add3A_176, %arg1 : i32
        %mul3A_178 = arith.constant 1024 : i32
        %mul3A_179 = arith.muli %arg0, %mul3A_178 : i32
        %add3A_180 = arith.constant 6 : i32
        %add3A_181 = arith.addi %add3A_180, %arg1 : i32
        %mul3A_182 = arith.constant 1024 : i32
        %mul3A_183 = arith.muli %arg0, %mul3A_182 : i32
        %add3A_184 = arith.constant 8 : i32
        %add3A_185 = arith.addi %add3A_184, %arg1 : i32
        %mul3A_186 = arith.constant 1024 : i32
        %mul3A_187 = arith.muli %arg0, %mul3A_186 : i32
        %add3A_188 = arith.constant 10 : i32
        %add3A_189 = arith.addi %add3A_188, %arg1 : i32
        %mul3A_190 = arith.constant 1024 : i32
        %mul3A_191 = arith.muli %arg0, %mul3A_190 : i32
        %add3A_192 = arith.constant 12 : i32
        %add3A_193 = arith.addi %add3A_192, %arg1 : i32
        %mul3A_194 = arith.constant 1024 : i32
        %mul3A_195 = arith.muli %arg0, %mul3A_194 : i32
        %add3A_196 = arith.constant 14 : i32
        %add3A_197 = arith.addi %add3A_196, %arg1 : i32
        %mul3A_198 = arith.constant 1024 : i32
        %mul3A_199 = arith.muli %arg0, %mul3A_198 : i32
        %add3A_200 = arith.constant 16 : i32
        %add3A_201 = arith.addi %add3A_200, %arg1 : i32
        %mul3A_202 = arith.constant 1024 : i32
        %mul3A_203 = arith.muli %arg0, %mul3A_202 : i32
        %add3A_204 = arith.constant 18 : i32
        %add3A_205 = arith.addi %add3A_204, %arg1 : i32
        %mul3A_206 = arith.constant 1024 : i32
        %mul3A_207 = arith.muli %arg0, %mul3A_206 : i32
        %add3A_208 = arith.constant 20 : i32
        %add3A_209 = arith.addi %add3A_208, %arg1 : i32
        %mul3A_210 = arith.constant 1024 : i32
        %mul3A_211 = arith.muli %arg0, %mul3A_210 : i32
        %add3A_212 = arith.constant 22 : i32
        %add3A_213 = arith.addi %add3A_212, %arg1 : i32
        %mul3A_214 = arith.constant 1024 : i32
        %mul3A_215 = arith.muli %arg0, %mul3A_214 : i32
        %add3A_216 = arith.constant 24 : i32
        %add3A_217 = arith.addi %add3A_216, %arg1 : i32
        %mul3A_218 = arith.constant 1024 : i32
        %mul3A_219 = arith.muli %arg0, %mul3A_218 : i32
        %add3A_220 = arith.constant 26 : i32
        %add3A_221 = arith.addi %add3A_220, %arg1 : i32
        %mul3A_222 = arith.constant 1024 : i32
        %mul3A_223 = arith.muli %arg0, %mul3A_222 : i32
        %add3A_224 = arith.constant 28 : i32
        %add3A_225 = arith.addi %add3A_224, %arg1 : i32
        %mul3A_226 = arith.constant 1024 : i32
        %mul3A_227 = arith.muli %arg0, %mul3A_226 : i32
        %add3A_228 = arith.constant 30 : i32
        %add3A_229 = arith.addi %add3A_228, %arg1 : i32
        %dma_start3A = arith.constant 0 : i32
        %dma_start3A_230 = tpu.memref_slice %arg4[%mul3A_167, %add3A_169, %dma_start3A] : memref<50257x32x128xf32, #tpu.memory_space<hbm>> -> memref<1024x1x128xf32, #tpu.memory_space<hbm>>
        %dma_start3A_231 = tpu.memref_squeeze %dma_start3A_230 : memref<1024x1x128xf32, #tpu.memory_space<hbm>> -> memref<1024x128xf32, #tpu.memory_space<hbm>>
        %dma_start3A_232 = arith.constant 0 : i32
        %dma_start3A_233 = arith.constant 0 : i32
        %dma_start3A_234 = tpu.memref_slice %arg7[%dma_start3A_232, %dma_start3A_233] : memref<1024x2048xf32, #tpu.memory_space<vmem>> -> memref<1024x128xf32, #tpu.memory_space<vmem>>
        tpu.enqueue_dma source(%dma_start3A_234 : memref<1024x128xf32, #tpu.memory_space<vmem>>) target(%dma_start3A_231 : memref<1024x128xf32, #tpu.memory_space<hbm>>) target_semaphore(%arg11 : memref<!tpu.dma_semaphore, #tpu.memory_space<semaphore_mem>>)
        %dma_start3A_235 = arith.constant 0 : i32
        %dma_start3A_236 = tpu.memref_slice %arg4[%mul3A_171, %add3A_173, %dma_start3A_235] : memref<50257x32x128xf32, #tpu.memory_space<hbm>> -> memref<1024x1x128xf32, #tpu.memory_space<hbm>>
        %dma_start3A_237 = tpu.memref_squeeze %dma_start3A_236 : memref<1024x1x128xf32, #tpu.memory_space<hbm>> -> memref<1024x128xf32, #tpu.memory_space<hbm>>
        %dma_start3A_238 = arith.constant 0 : i32
        %dma_start3A_239 = arith.constant 128 : i32
        %dma_start3A_240 = tpu.memref_slice %arg7[%dma_start3A_238, %dma_start3A_239] : memref<1024x2048xf32, #tpu.memory_space<vmem>> -> memref<1024x128xf32, #tpu.memory_space<vmem>>
        tpu.enqueue_dma source(%dma_start3A_240 : memref<1024x128xf32, #tpu.memory_space<vmem>>) target(%dma_start3A_237 : memref<1024x128xf32, #tpu.memory_space<hbm>>) target_semaphore(%arg11 : memref<!tpu.dma_semaphore, #tpu.memory_space<semaphore_mem>>)
        %dma_start3A_241 = arith.constant 0 : i32
        %dma_start3A_242 = tpu.memref_slice %arg4[%mul3A_175, %add3A_177, %dma_start3A_241] : memref<50257x32x128xf32, #tpu.memory_space<hbm>> -> memref<1024x1x128xf32, #tpu.memory_space<hbm>>
        %dma_start3A_243 = tpu.memref_squeeze %dma_start3A_242 : memref<1024x1x128xf32, #tpu.memory_space<hbm>> -> memref<1024x128xf32, #tpu.memory_space<hbm>>
        %dma_start3A_244 = arith.constant 0 : i32
        %dma_start3A_245 = arith.constant 256 : i32
        %dma_start3A_246 = tpu.memref_slice %arg7[%dma_start3A_244, %dma_start3A_245] : memref<1024x2048xf32, #tpu.memory_space<vmem>> -> memref<1024x128xf32, #tpu.memory_space<vmem>>
        tpu.enqueue_dma source(%dma_start3A_246 : memref<1024x128xf32, #tpu.memory_space<vmem>>) target(%dma_start3A_243 : memref<1024x128xf32, #tpu.memory_space<hbm>>) target_semaphore(%arg11 : memref<!tpu.dma_semaphore, #tpu.memory_space<semaphore_mem>>)
        %dma_start3A_247 = arith.constant 0 : i32
        %dma_start3A_248 = tpu.memref_slice %arg4[%mul3A_179, %add3A_181, %dma_start3A_247] : memref<50257x32x128xf32, #tpu.memory_space<hbm>> -> memref<1024x1x128xf32, #tpu.memory_space<hbm>>
        %dma_start3A_249 = tpu.memref_squeeze %dma_start3A_248 : memref<1024x1x128xf32, #tpu.memory_space<hbm>> -> memref<1024x128xf32, #tpu.memory_space<hbm>>
        %dma_start3A_250 = arith.constant 0 : i32
        %dma_start3A_251 = arith.constant 384 : i32
        %dma_start3A_252 = tpu.memref_slice %arg7[%dma_start3A_250, %dma_start3A_251] : memref<1024x2048xf32, #tpu.memory_space<vmem>> -> memref<1024x128xf32, #tpu.memory_space<vmem>>
        tpu.enqueue_dma source(%dma_start3A_252 : memref<1024x128xf32, #tpu.memory_space<vmem>>) target(%dma_start3A_249 : memref<1024x128xf32, #tpu.memory_space<hbm>>) target_semaphore(%arg11 : memref<!tpu.dma_semaphore, #tpu.memory_space<semaphore_mem>>)
        %dma_start3A_253 = arith.constant 0 : i32
        %dma_start3A_254 = tpu.memref_slice %arg4[%mul3A_183, %add3A_185, %dma_start3A_253] : memref<50257x32x128xf32, #tpu.memory_space<hbm>> -> memref<1024x1x128xf32, #tpu.memory_space<hbm>>
        %dma_start3A_255 = tpu.memref_squeeze %dma_start3A_254 : memref<1024x1x128xf32, #tpu.memory_space<hbm>> -> memref<1024x128xf32, #tpu.memory_space<hbm>>
        %dma_start3A_256 = arith.constant 0 : i32
        %dma_start3A_257 = arith.constant 512 : i32
        %dma_start3A_258 = tpu.memref_slice %arg7[%dma_start3A_256, %dma_start3A_257] : memref<1024x2048xf32, #tpu.memory_space<vmem>> -> memref<1024x128xf32, #tpu.memory_space<vmem>>
        tpu.enqueue_dma source(%dma_start3A_258 : memref<1024x128xf32, #tpu.memory_space<vmem>>) target(%dma_start3A_255 : memref<1024x128xf32, #tpu.memory_space<hbm>>) target_semaphore(%arg11 : memref<!tpu.dma_semaphore, #tpu.memory_space<semaphore_mem>>)
        %dma_start3A_259 = arith.constant 0 : i32
        %dma_start3A_260 = tpu.memref_slice %arg4[%mul3A_187, %add3A_189, %dma_start3A_259] : memref<50257x32x128xf32, #tpu.memory_space<hbm>> -> memref<1024x1x128xf32, #tpu.memory_space<hbm>>
        %dma_start3A_261 = tpu.memref_squeeze %dma_start3A_260 : memref<1024x1x128xf32, #tpu.memory_space<hbm>> -> memref<1024x128xf32, #tpu.memory_space<hbm>>
        %dma_start3A_262 = arith.constant 0 : i32
        %dma_start3A_263 = arith.constant 640 : i32
        %dma_start3A_264 = tpu.memref_slice %arg7[%dma_start3A_262, %dma_start3A_263] : memref<1024x2048xf32, #tpu.memory_space<vmem>> -> memref<1024x128xf32, #tpu.memory_space<vmem>>
        tpu.enqueue_dma source(%dma_start3A_264 : memref<1024x128xf32, #tpu.memory_space<vmem>>) target(%dma_start3A_261 : memref<1024x128xf32, #tpu.memory_space<hbm>>) target_semaphore(%arg11 : memref<!tpu.dma_semaphore, #tpu.memory_space<semaphore_mem>>)
        %dma_start3A_265 = arith.constant 0 : i32
        %dma_start3A_266 = tpu.memref_slice %arg4[%mul3A_191, %add3A_193, %dma_start3A_265] : memref<50257x32x128xf32, #tpu.memory_space<hbm>> -> memref<1024x1x128xf32, #tpu.memory_space<hbm>>
        %dma_start3A_267 = tpu.memref_squeeze %dma_start3A_266 : memref<1024x1x128xf32, #tpu.memory_space<hbm>> -> memref<1024x128xf32, #tpu.memory_space<hbm>>
        %dma_start3A_268 = arith.constant 0 : i32
        %dma_start3A_269 = arith.constant 768 : i32
        %dma_start3A_270 = tpu.memref_slice %arg7[%dma_start3A_268, %dma_start3A_269] : memref<1024x2048xf32, #tpu.memory_space<vmem>> -> memref<1024x128xf32, #tpu.memory_space<vmem>>
        tpu.enqueue_dma source(%dma_start3A_270 : memref<1024x128xf32, #tpu.memory_space<vmem>>) target(%dma_start3A_267 : memref<1024x128xf32, #tpu.memory_space<hbm>>) target_semaphore(%arg11 : memref<!tpu.dma_semaphore, #tpu.memory_space<semaphore_mem>>)
        %dma_start3A_271 = arith.constant 0 : i32
        %dma_start3A_272 = tpu.memref_slice %arg4[%mul3A_195, %add3A_197, %dma_start3A_271] : memref<50257x32x128xf32, #tpu.memory_space<hbm>> -> memref<1024x1x128xf32, #tpu.memory_space<hbm>>
        %dma_start3A_273 = tpu.memref_squeeze %dma_start3A_272 : memref<1024x1x128xf32, #tpu.memory_space<hbm>> -> memref<1024x128xf32, #tpu.memory_space<hbm>>
        %dma_start3A_274 = arith.constant 0 : i32
        %dma_start3A_275 = arith.constant 896 : i32
        %dma_start3A_276 = tpu.memref_slice %arg7[%dma_start3A_274, %dma_start3A_275] : memref<1024x2048xf32, #tpu.memory_space<vmem>> -> memref<1024x128xf32, #tpu.memory_space<vmem>>
        tpu.enqueue_dma source(%dma_start3A_276 : memref<1024x128xf32, #tpu.memory_space<vmem>>) target(%dma_start3A_273 : memref<1024x128xf32, #tpu.memory_space<hbm>>) target_semaphore(%arg11 : memref<!tpu.dma_semaphore, #tpu.memory_space<semaphore_mem>>)
        %dma_start3A_277 = arith.constant 0 : i32
        %dma_start3A_278 = tpu.memref_slice %arg4[%mul3A_199, %add3A_201, %dma_start3A_277] : memref<50257x32x128xf32, #tpu.memory_space<hbm>> -> memref<1024x1x128xf32, #tpu.memory_space<hbm>>
        %dma_start3A_279 = tpu.memref_squeeze %dma_start3A_278 : memref<1024x1x128xf32, #tpu.memory_space<hbm>> -> memref<1024x128xf32, #tpu.memory_space<hbm>>
        %dma_start3A_280 = arith.constant 0 : i32
        %dma_start3A_281 = arith.constant 1024 : i32
        %dma_start3A_282 = tpu.memref_slice %arg7[%dma_start3A_280, %dma_start3A_281] : memref<1024x2048xf32, #tpu.memory_space<vmem>> -> memref<1024x128xf32, #tpu.memory_space<vmem>>
        tpu.enqueue_dma source(%dma_start3A_282 : memref<1024x128xf32, #tpu.memory_space<vmem>>) target(%dma_start3A_279 : memref<1024x128xf32, #tpu.memory_space<hbm>>) target_semaphore(%arg11 : memref<!tpu.dma_semaphore, #tpu.memory_space<semaphore_mem>>)
        %dma_start3A_283 = arith.constant 0 : i32
        %dma_start3A_284 = tpu.memref_slice %arg4[%mul3A_203, %add3A_205, %dma_start3A_283] : memref<50257x32x128xf32, #tpu.memory_space<hbm>> -> memref<1024x1x128xf32, #tpu.memory_space<hbm>>
        %dma_start3A_285 = tpu.memref_squeeze %dma_start3A_284 : memref<1024x1x128xf32, #tpu.memory_space<hbm>> -> memref<1024x128xf32, #tpu.memory_space<hbm>>
        %dma_start3A_286 = arith.constant 0 : i32
        %dma_start3A_287 = arith.constant 1152 : i32
        %dma_start3A_288 = tpu.memref_slice %arg7[%dma_start3A_286, %dma_start3A_287] : memref<1024x2048xf32, #tpu.memory_space<vmem>> -> memref<1024x128xf32, #tpu.memory_space<vmem>>
        tpu.enqueue_dma source(%dma_start3A_288 : memref<1024x128xf32, #tpu.memory_space<vmem>>) target(%dma_start3A_285 : memref<1024x128xf32, #tpu.memory_space<hbm>>) target_semaphore(%arg11 : memref<!tpu.dma_semaphore, #tpu.memory_space<semaphore_mem>>)
        %dma_start3A_289 = arith.constant 0 : i32
        %dma_start3A_290 = tpu.memref_slice %arg4[%mul3A_207, %add3A_209, %dma_start3A_289] : memref<50257x32x128xf32, #tpu.memory_space<hbm>> -> memref<1024x1x128xf32, #tpu.memory_space<hbm>>
        %dma_start3A_291 = tpu.memref_squeeze %dma_start3A_290 : memref<1024x1x128xf32, #tpu.memory_space<hbm>> -> memref<1024x128xf32, #tpu.memory_space<hbm>>
        %dma_start3A_292 = arith.constant 0 : i32
        %dma_start3A_293 = arith.constant 1280 : i32
        %dma_start3A_294 = tpu.memref_slice %arg7[%dma_start3A_292, %dma_start3A_293] : memref<1024x2048xf32, #tpu.memory_space<vmem>> -> memref<1024x128xf32, #tpu.memory_space<vmem>>
        tpu.enqueue_dma source(%dma_start3A_294 : memref<1024x128xf32, #tpu.memory_space<vmem>>) target(%dma_start3A_291 : memref<1024x128xf32, #tpu.memory_space<hbm>>) target_semaphore(%arg11 : memref<!tpu.dma_semaphore, #tpu.memory_space<semaphore_mem>>)
        %dma_start3A_295 = arith.constant 0 : i32
        %dma_start3A_296 = tpu.memref_slice %arg4[%mul3A_211, %add3A_213, %dma_start3A_295] : memref<50257x32x128xf32, #tpu.memory_space<hbm>> -> memref<1024x1x128xf32, #tpu.memory_space<hbm>>
        %dma_start3A_297 = tpu.memref_squeeze %dma_start3A_296 : memref<1024x1x128xf32, #tpu.memory_space<hbm>> -> memref<1024x128xf32, #tpu.memory_space<hbm>>
        %dma_start3A_298 = arith.constant 0 : i32
        %dma_start3A_299 = arith.constant 1408 : i32
        %dma_start3A_300 = tpu.memref_slice %arg7[%dma_start3A_298, %dma_start3A_299] : memref<1024x2048xf32, #tpu.memory_space<vmem>> -> memref<1024x128xf32, #tpu.memory_space<vmem>>
        tpu.enqueue_dma source(%dma_start3A_300 : memref<1024x128xf32, #tpu.memory_space<vmem>>) target(%dma_start3A_297 : memref<1024x128xf32, #tpu.memory_space<hbm>>) target_semaphore(%arg11 : memref<!tpu.dma_semaphore, #tpu.memory_space<semaphore_mem>>)
        %dma_start3A_301 = arith.constant 0 : i32
        %dma_start3A_302 = tpu.memref_slice %arg4[%mul3A_215, %add3A_217, %dma_start3A_301] : memref<50257x32x128xf32, #tpu.memory_space<hbm>> -> memref<1024x1x128xf32, #tpu.memory_space<hbm>>
        %dma_start3A_303 = tpu.memref_squeeze %dma_start3A_302 : memref<1024x1x128xf32, #tpu.memory_space<hbm>> -> memref<1024x128xf32, #tpu.memory_space<hbm>>
        %dma_start3A_304 = arith.constant 0 : i32
        %dma_start3A_305 = arith.constant 1536 : i32
        %dma_start3A_306 = tpu.memref_slice %arg7[%dma_start3A_304, %dma_start3A_305] : memref<1024x2048xf32, #tpu.memory_space<vmem>> -> memref<1024x128xf32, #tpu.memory_space<vmem>>
        tpu.enqueue_dma source(%dma_start3A_306 : memref<1024x128xf32, #tpu.memory_space<vmem>>) target(%dma_start3A_303 : memref<1024x128xf32, #tpu.memory_space<hbm>>) target_semaphore(%arg11 : memref<!tpu.dma_semaphore, #tpu.memory_space<semaphore_mem>>)
        %dma_start3A_307 = arith.constant 0 : i32
        %dma_start3A_308 = tpu.memref_slice %arg4[%mul3A_219, %add3A_221, %dma_start3A_307] : memref<50257x32x128xf32, #tpu.memory_space<hbm>> -> memref<1024x1x128xf32, #tpu.memory_space<hbm>>
        %dma_start3A_309 = tpu.memref_squeeze %dma_start3A_308 : memref<1024x1x128xf32, #tpu.memory_space<hbm>> -> memref<1024x128xf32, #tpu.memory_space<hbm>>
        %dma_start3A_310 = arith.constant 0 : i32
        %dma_start3A_311 = arith.constant 1664 : i32
        %dma_start3A_312 = tpu.memref_slice %arg7[%dma_start3A_310, %dma_start3A_311] : memref<1024x2048xf32, #tpu.memory_space<vmem>> -> memref<1024x128xf32, #tpu.memory_space<vmem>>
        tpu.enqueue_dma source(%dma_start3A_312 : memref<1024x128xf32, #tpu.memory_space<vmem>>) target(%dma_start3A_309 : memref<1024x128xf32, #tpu.memory_space<hbm>>) target_semaphore(%arg11 : memref<!tpu.dma_semaphore, #tpu.memory_space<semaphore_mem>>)
        %dma_start3A_313 = arith.constant 0 : i32
        %dma_start3A_314 = tpu.memref_slice %arg4[%mul3A_223, %add3A_225, %dma_start3A_313] : memref<50257x32x128xf32, #tpu.memory_space<hbm>> -> memref<1024x1x128xf32, #tpu.memory_space<hbm>>
        %dma_start3A_315 = tpu.memref_squeeze %dma_start3A_314 : memref<1024x1x128xf32, #tpu.memory_space<hbm>> -> memref<1024x128xf32, #tpu.memory_space<hbm>>
        %dma_start3A_316 = arith.constant 0 : i32
        %dma_start3A_317 = arith.constant 1792 : i32
        %dma_start3A_318 = tpu.memref_slice %arg7[%dma_start3A_316, %dma_start3A_317] : memref<1024x2048xf32, #tpu.memory_space<vmem>> -> memref<1024x128xf32, #tpu.memory_space<vmem>>
        tpu.enqueue_dma source(%dma_start3A_318 : memref<1024x128xf32, #tpu.memory_space<vmem>>) target(%dma_start3A_315 : memref<1024x128xf32, #tpu.memory_space<hbm>>) target_semaphore(%arg11 : memref<!tpu.dma_semaphore, #tpu.memory_space<semaphore_mem>>)
        %dma_start3A_319 = arith.constant 0 : i32
        %dma_start3A_320 = tpu.memref_slice %arg4[%mul3A_227, %add3A_229, %dma_start3A_319] : memref<50257x32x128xf32, #tpu.memory_space<hbm>> -> memref<1024x1x128xf32, #tpu.memory_space<hbm>>
        %dma_start3A_321 = tpu.memref_squeeze %dma_start3A_320 : memref<1024x1x128xf32, #tpu.memory_space<hbm>> -> memref<1024x128xf32, #tpu.memory_space<hbm>>
        %dma_start3A_322 = arith.constant 0 : i32
        %dma_start3A_323 = arith.constant 1920 : i32
        %dma_start3A_324 = tpu.memref_slice %arg7[%dma_start3A_322, %dma_start3A_323] : memref<1024x2048xf32, #tpu.memory_space<vmem>> -> memref<1024x128xf32, #tpu.memory_space<vmem>>
        tpu.enqueue_dma source(%dma_start3A_324 : memref<1024x128xf32, #tpu.memory_space<vmem>>) target(%dma_start3A_321 : memref<1024x128xf32, #tpu.memory_space<hbm>>) target_semaphore(%arg11 : memref<!tpu.dma_semaphore, #tpu.memory_space<semaphore_mem>>)
      } else {
      }
      %eq3A_38 = arith.constant 49 : i32
      %eq3A_39 = arith.cmpi eq, %arg0, %eq3A_38 : i32
      %convert_element_type3A_40 = arith.extui %eq3A_39 : i1 to i32
      %cond3A_41 = arith.constant 0 : i32
      %cond3A_42 = arith.cmpi ne, %convert_element_type3A_40, %cond3A_41 : i32
      scf.if %cond3A_42 {
        %jit3A = arith.constant 2 : i32
        %eq3A_43 = arith.constant 0 : i32
        %eq3A_44 = arith.cmpi eq, %jit3A, %eq3A_43 : i32
        %jit3A_45 = arith.constant 1 : i32
        %select_n3A = arith.select %eq3A_44, %jit3A_45, %jit3A : i32
        %rem3A = arith.remsi %arg0, %select_n3A : i32
        %ne3A = arith.constant 0 : i32
        %ne3A_46 = arith.cmpi ne, %rem3A, %ne3A : i32
        %lt3A_47 = arith.constant 0 : i32
        %lt3A_48 = arith.cmpi slt, %rem3A, %lt3A_47 : i32
        %lt3A_49 = arith.constant 0 : i32
        %lt3A_50 = arith.cmpi slt, %select_n3A, %lt3A_49 : i32
        %ne3A_51 = arith.xori %lt3A_48, %lt3A_50 : i1
        %and3A_52 = arith.andi %ne3A_51, %ne3A_46 : i1
        %add3A = arith.addi %rem3A, %select_n3A : i32
        %select_n3A_53 = arith.select %and3A_52, %add3A, %rem3A : i32
        %mul3A = arith.constant 1024 : i32
        %mul3A_54 = arith.muli %select_n3A_53, %mul3A : i32
        %get3A = arith.index_cast %mul3A_54 : i32 to index
        %get3A_55 = arith.constant 0 : index
        %get3A_56 = vector.load %arg5[%get3A, %get3A_55] : memref<2048x768xbf16, #tpu.memory_space<vmem>>, vector<1024x768xbf16>
        %mul3A_57 = arith.constant 2048 : i32
        %mul3A_58 = arith.muli %arg1, %mul3A_57 : i32
        %add3A_59 = arith.constant 0 : i32
        %add3A_60 = arith.addi %mul3A_58, %add3A_59 : i32
        %get3A_61 = arith.index_cast %add3A_60 : i32 to index
        %get3A_62 = arith.constant 0 : index
        %get3A_63 = vector.load %arg2[%get3A_61, %get3A_62] : memref<4096x768xbf16, #tpu.memory_space<vmem>>, vector<512x768xbf16>
        %dot_general3A = arith.constant dense<0.000000e+00> : vector<1024x512xf32>
        %dot_general3A_64 = tpu.matmul %get3A_56, %get3A_63, %dot_general3A {dimension_numbers = #tpu.dot_dimension_numbers<[1], [1], [0], [0], [0, 0, 1, 0], [], []>, transpose_lhs_hint = false} : vector<1024x768xbf16>, vector<512x768xbf16>, vector<1024x512xf32> -> vector<1024x512xf32>
        %slice3A = vector.extract_strided_slice %dot_general3A_64 {offsets = [0, 0], sizes = [81, 512], strides = [1, 1]} : vector<1024x512xf32> to vector<81x512xf32>
        %swap3A = arith.constant 0 : index
        %swap3A_65 = arith.constant 0 : index
        %swap3A_66 = vector.load %arg9[%swap3A, %swap3A_65] : memref<81x2048xf32, #tpu.memory_space<vmem>>, vector<81x512xf32>
        tpu.vector_store %arg9[%swap3A, %swap3A_65], %slice3A {strides = array<i32>} : memref<81x2048xf32, #tpu.memory_space<vmem>>, vector<81x512xf32>,
        %jit3A_67 = arith.constant 2 : i32
        %eq3A_68 = arith.constant 0 : i32
        %eq3A_69 = arith.cmpi eq, %jit3A_67, %eq3A_68 : i32
        %jit3A_70 = arith.constant 1 : i32
        %select_n3A_71 = arith.select %eq3A_69, %jit3A_70, %jit3A_67 : i32
        %rem3A_72 = arith.remsi %arg0, %select_n3A_71 : i32
        %ne3A_73 = arith.constant 0 : i32
        %ne3A_74 = arith.cmpi ne, %rem3A_72, %ne3A_73 : i32
        %lt3A_75 = arith.constant 0 : i32
        %lt3A_76 = arith.cmpi slt, %rem3A_72, %lt3A_75 : i32
        %lt3A_77 = arith.constant 0 : i32
        %lt3A_78 = arith.cmpi slt, %select_n3A_71, %lt3A_77 : i32
        %ne3A_79 = arith.xori %lt3A_76, %lt3A_78 : i1
        %and3A_80 = arith.andi %ne3A_79, %ne3A_74 : i1
        %add3A_81 = arith.addi %rem3A_72, %select_n3A_71 : i32
        %select_n3A_82 = arith.select %and3A_80, %add3A_81, %rem3A_72 : i32
        %mul3A_83 = arith.constant 1024 : i32
        %mul3A_84 = arith.muli %select_n3A_82, %mul3A_83 : i32
        %get3A_85 = arith.index_cast %mul3A_84 : i32 to index
        %get3A_86 = arith.constant 0 : index
        %get3A_87 = vector.load %arg5[%get3A_85, %get3A_86] : memref<2048x768xbf16, #tpu.memory_space<vmem>>, vector<1024x768xbf16>
        %mul3A_88 = arith.constant 2048 : i32
        %mul3A_89 = arith.muli %arg1, %mul3A_88 : i32
        %add3A_90 = arith.constant 512 : i32
        %add3A_91 = arith.addi %mul3A_89, %add3A_90 : i32
        %get3A_92 = arith.index_cast %add3A_91 : i32 to index
        %get3A_93 = arith.constant 0 : index
        %get3A_94 = vector.load %arg2[%get3A_92, %get3A_93] : memref<4096x768xbf16, #tpu.memory_space<vmem>>, vector<512x768xbf16>
        %dot_general3A_95 = arith.constant dense<0.000000e+00> : vector<1024x512xf32>
        %dot_general3A_96 = tpu.matmul %get3A_87, %get3A_94, %dot_general3A_95 {dimension_numbers = #tpu.dot_dimension_numbers<[1], [1], [0], [0], [0, 0, 1, 0], [], []>, transpose_lhs_hint = false} : vector<1024x768xbf16>, vector<512x768xbf16>, vector<1024x512xf32> -> vector<1024x512xf32>
        %slice3A_97 = vector.extract_strided_slice %dot_general3A_96 {offsets = [0, 0], sizes = [81, 512], strides = [1, 1]} : vector<1024x512xf32> to vector<81x512xf32>
        %swap3A_98 = arith.constant 0 : index
        %swap3A_99 = arith.constant 512 : index
        %swap3A_100 = vector.load %arg9[%swap3A_98, %swap3A_99] : memref<81x2048xf32, #tpu.memory_space<vmem>>, vector<81x512xf32>
        tpu.vector_store %arg9[%swap3A_98, %swap3A_99], %slice3A_97 {strides = array<i32>} : memref<81x2048xf32, #tpu.memory_space<vmem>>, vector<81x512xf32>,
        %jit3A_101 = arith.constant 2 : i32
        %eq3A_102 = arith.constant 0 : i32
        %eq3A_103 = arith.cmpi eq, %jit3A_101, %eq3A_102 : i32
        %jit3A_104 = arith.constant 1 : i32
        %select_n3A_105 = arith.select %eq3A_103, %jit3A_104, %jit3A_101 : i32
        %rem3A_106 = arith.remsi %arg0, %select_n3A_105 : i32
        %ne3A_107 = arith.constant 0 : i32
        %ne3A_108 = arith.cmpi ne, %rem3A_106, %ne3A_107 : i32
        %lt3A_109 = arith.constant 0 : i32
        %lt3A_110 = arith.cmpi slt, %rem3A_106, %lt3A_109 : i32
        %lt3A_111 = arith.constant 0 : i32
        %lt3A_112 = arith.cmpi slt, %select_n3A_105, %lt3A_111 : i32
        %ne3A_113 = arith.xori %lt3A_110, %lt3A_112 : i1
        %and3A_114 = arith.andi %ne3A_113, %ne3A_108 : i1
        %add3A_115 = arith.addi %rem3A_106, %select_n3A_105 : i32
        %select_n3A_116 = arith.select %and3A_114, %add3A_115, %rem3A_106 : i32
        %mul3A_117 = arith.constant 1024 : i32
        %mul3A_118 = arith.muli %select_n3A_116, %mul3A_117 : i32
        %get3A_119 = arith.index_cast %mul3A_118 : i32 to index
        %get3A_120 = arith.constant 0 : index
        %get3A_121 = vector.load %arg5[%get3A_119, %get3A_120] : memref<2048x768xbf16, #tpu.memory_space<vmem>>, vector<1024x768xbf16>
        %mul3A_122 = arith.constant 2048 : i32
        %mul3A_123 = arith.muli %arg1, %mul3A_122 : i32
        %add3A_124 = arith.constant 1024 : i32
        %add3A_125 = arith.addi %mul3A_123, %add3A_124 : i32
        %get3A_126 = arith.index_cast %add3A_125 : i32 to index
        %get3A_127 = arith.constant 0 : index
        %get3A_128 = vector.load %arg2[%get3A_126, %get3A_127] : memref<4096x768xbf16, #tpu.memory_space<vmem>>, vector<512x768xbf16>
        %dot_general3A_129 = arith.constant dense<0.000000e+00> : vector<1024x512xf32>
        %dot_general3A_130 = tpu.matmul %get3A_121, %get3A_128, %dot_general3A_129 {dimension_numbers = #tpu.dot_dimension_numbers<[1], [1], [0], [0], [0, 0, 1, 0], [], []>, transpose_lhs_hint = false} : vector<1024x768xbf16>, vector<512x768xbf16>, vector<1024x512xf32> -> vector<1024x512xf32>
        %slice3A_131 = vector.extract_strided_slice %dot_general3A_130 {offsets = [0, 0], sizes = [81, 512], strides = [1, 1]} : vector<1024x512xf32> to vector<81x512xf32>
        %swap3A_132 = arith.constant 0 : index
        %swap3A_133 = arith.constant 1024 : index
        %swap3A_134 = vector.load %arg9[%swap3A_132, %swap3A_133] : memref<81x2048xf32, #tpu.memory_space<vmem>>, vector<81x512xf32>
        tpu.vector_store %arg9[%swap3A_132, %swap3A_133], %slice3A_131 {strides = array<i32>} : memref<81x2048xf32, #tpu.memory_space<vmem>>, vector<81x512xf32>,
        %jit3A_135 = arith.constant 2 : i32
        %eq3A_136 = arith.constant 0 : i32
        %eq3A_137 = arith.cmpi eq, %jit3A_135, %eq3A_136 : i32
        %jit3A_138 = arith.constant 1 : i32
        %select_n3A_139 = arith.select %eq3A_137, %jit3A_138, %jit3A_135 : i32
        %rem3A_140 = arith.remsi %arg0, %select_n3A_139 : i32
        %ne3A_141 = arith.constant 0 : i32
        %ne3A_142 = arith.cmpi ne, %rem3A_140, %ne3A_141 : i32
        %lt3A_143 = arith.constant 0 : i32
        %lt3A_144 = arith.cmpi slt, %rem3A_140, %lt3A_143 : i32
        %lt3A_145 = arith.constant 0 : i32
        %lt3A_146 = arith.cmpi slt, %select_n3A_139, %lt3A_145 : i32
        %ne3A_147 = arith.xori %lt3A_144, %lt3A_146 : i1
        %and3A_148 = arith.andi %ne3A_147, %ne3A_142 : i1
        %add3A_149 = arith.addi %rem3A_140, %select_n3A_139 : i32
        %select_n3A_150 = arith.select %and3A_148, %add3A_149, %rem3A_140 : i32
        %mul3A_151 = arith.constant 1024 : i32
        %mul3A_152 = arith.muli %select_n3A_150, %mul3A_151 : i32
        %get3A_153 = arith.index_cast %mul3A_152 : i32 to index
        %get3A_154 = arith.constant 0 : index
        %get3A_155 = vector.load %arg5[%get3A_153, %get3A_154] : memref<2048x768xbf16, #tpu.memory_space<vmem>>, vector<1024x768xbf16>
        %mul3A_156 = arith.constant 2048 : i32
        %mul3A_157 = arith.muli %arg1, %mul3A_156 : i32
        %add3A_158 = arith.constant 1536 : i32
        %add3A_159 = arith.addi %mul3A_157, %add3A_158 : i32
        %get3A_160 = arith.index_cast %add3A_159 : i32 to index
        %get3A_161 = arith.constant 0 : index
        %get3A_162 = vector.load %arg2[%get3A_160, %get3A_161] : memref<4096x768xbf16, #tpu.memory_space<vmem>>, vector<512x768xbf16>
        %dot_general3A_163 = arith.constant dense<0.000000e+00> : vector<1024x512xf32>
        %dot_general3A_164 = tpu.matmul %get3A_155, %get3A_162, %dot_general3A_163 {dimension_numbers = #tpu.dot_dimension_numbers<[1], [1], [0], [0], [0, 0, 1, 0], [], []>, transpose_lhs_hint = false} : vector<1024x768xbf16>, vector<512x768xbf16>, vector<1024x512xf32> -> vector<1024x512xf32>
        %slice3A_165 = vector.extract_strided_slice %dot_general3A_164 {offsets = [0, 0], sizes = [81, 512], strides = [1, 1]} : vector<1024x512xf32> to vector<81x512xf32>
        %swap3A_166 = arith.constant 0 : index
        %swap3A_167 = arith.constant 1536 : index
        %swap3A_168 = vector.load %arg9[%swap3A_166, %swap3A_167] : memref<81x2048xf32, #tpu.memory_space<vmem>>, vector<81x512xf32>
        tpu.vector_store %arg9[%swap3A_166, %swap3A_167], %slice3A_165 {strides = array<i32>} : memref<81x2048xf32, #tpu.memory_space<vmem>>, vector<81x512xf32>,
        %mul3A_169 = arith.constant 1024 : i32
        %mul3A_170 = arith.muli %arg0, %mul3A_169 : i32
        %add3A_171 = arith.constant 0 : i32
        %add3A_172 = arith.addi %add3A_171, %arg1 : i32
        %mul3A_173 = arith.constant 1024 : i32
        %mul3A_174 = arith.muli %arg0, %mul3A_173 : i32
        %add3A_175 = arith.constant 2 : i32
        %add3A_176 = arith.addi %add3A_175, %arg1 : i32
        %mul3A_177 = arith.constant 1024 : i32
        %mul3A_178 = arith.muli %arg0, %mul3A_177 : i32
        %add3A_179 = arith.constant 4 : i32
        %add3A_180 = arith.addi %add3A_179, %arg1 : i32
        %mul3A_181 = arith.constant 1024 : i32
        %mul3A_182 = arith.muli %arg0, %mul3A_181 : i32
        %add3A_183 = arith.constant 6 : i32
        %add3A_184 = arith.addi %add3A_183, %arg1 : i32
        %mul3A_185 = arith.constant 1024 : i32
        %mul3A_186 = arith.muli %arg0, %mul3A_185 : i32
        %add3A_187 = arith.constant 8 : i32
        %add3A_188 = arith.addi %add3A_187, %arg1 : i32
        %mul3A_189 = arith.constant 1024 : i32
        %mul3A_190 = arith.muli %arg0, %mul3A_189 : i32
        %add3A_191 = arith.constant 10 : i32
        %add3A_192 = arith.addi %add3A_191, %arg1 : i32
        %mul3A_193 = arith.constant 1024 : i32
        %mul3A_194 = arith.muli %arg0, %mul3A_193 : i32
        %add3A_195 = arith.constant 12 : i32
        %add3A_196 = arith.addi %add3A_195, %arg1 : i32
        %mul3A_197 = arith.constant 1024 : i32
        %mul3A_198 = arith.muli %arg0, %mul3A_197 : i32
        %add3A_199 = arith.constant 14 : i32
        %add3A_200 = arith.addi %add3A_199, %arg1 : i32
        %mul3A_201 = arith.constant 1024 : i32
        %mul3A_202 = arith.muli %arg0, %mul3A_201 : i32
        %add3A_203 = arith.constant 16 : i32
        %add3A_204 = arith.addi %add3A_203, %arg1 : i32
        %mul3A_205 = arith.constant 1024 : i32
        %mul3A_206 = arith.muli %arg0, %mul3A_205 : i32
        %add3A_207 = arith.constant 18 : i32
        %add3A_208 = arith.addi %add3A_207, %arg1 : i32
        %mul3A_209 = arith.constant 1024 : i32
        %mul3A_210 = arith.muli %arg0, %mul3A_209 : i32
        %add3A_211 = arith.constant 20 : i32
        %add3A_212 = arith.addi %add3A_211, %arg1 : i32
        %mul3A_213 = arith.constant 1024 : i32
        %mul3A_214 = arith.muli %arg0, %mul3A_213 : i32
        %add3A_215 = arith.constant 22 : i32
        %add3A_216 = arith.addi %add3A_215, %arg1 : i32
        %mul3A_217 = arith.constant 1024 : i32
        %mul3A_218 = arith.muli %arg0, %mul3A_217 : i32
        %add3A_219 = arith.constant 24 : i32
        %add3A_220 = arith.addi %add3A_219, %arg1 : i32
        %mul3A_221 = arith.constant 1024 : i32
        %mul3A_222 = arith.muli %arg0, %mul3A_221 : i32
        %add3A_223 = arith.constant 26 : i32
        %add3A_224 = arith.addi %add3A_223, %arg1 : i32
        %mul3A_225 = arith.constant 1024 : i32
        %mul3A_226 = arith.muli %arg0, %mul3A_225 : i32
        %add3A_227 = arith.constant 28 : i32
        %add3A_228 = arith.addi %add3A_227, %arg1 : i32
        %mul3A_229 = arith.constant 1024 : i32
        %mul3A_230 = arith.muli %arg0, %mul3A_229 : i32
        %add3A_231 = arith.constant 30 : i32
        %add3A_232 = arith.addi %add3A_231, %arg1 : i32
        %dma_start3A = arith.constant 0 : i32
        %dma_start3A_233 = tpu.memref_slice %arg4[%mul3A_170, %add3A_172, %dma_start3A] : memref<50257x32x128xf32, #tpu.memory_space<hbm>> -> memref<81x1x128xf32, #tpu.memory_space<hbm>>
        %dma_start3A_234 = tpu.memref_squeeze %dma_start3A_233 : memref<81x1x128xf32, #tpu.memory_space<hbm>> -> memref<81x128xf32, #tpu.memory_space<hbm>>
        %dma_start3A_235 = arith.constant 0 : i32
        %dma_start3A_236 = arith.constant 0 : i32
        %dma_start3A_237 = tpu.memref_slice %arg9[%dma_start3A_235, %dma_start3A_236] : memref<81x2048xf32, #tpu.memory_space<vmem>> -> memref<81x128xf32, #tpu.memory_space<vmem>>
        tpu.enqueue_dma source(%dma_start3A_237 : memref<81x128xf32, #tpu.memory_space<vmem>>) target(%dma_start3A_234 : memref<81x128xf32, #tpu.memory_space<hbm>>) target_semaphore(%arg11 : memref<!tpu.dma_semaphore, #tpu.memory_space<semaphore_mem>>)
        %dma_start3A_238 = arith.constant 0 : i32
        %dma_start3A_239 = tpu.memref_slice %arg4[%mul3A_174, %add3A_176, %dma_start3A_238] : memref<50257x32x128xf32, #tpu.memory_space<hbm>> -> memref<81x1x128xf32, #tpu.memory_space<hbm>>
        %dma_start3A_240 = tpu.memref_squeeze %dma_start3A_239 : memref<81x1x128xf32, #tpu.memory_space<hbm>> -> memref<81x128xf32, #tpu.memory_space<hbm>>
        %dma_start3A_241 = arith.constant 0 : i32
        %dma_start3A_242 = arith.constant 128 : i32
        %dma_start3A_243 = tpu.memref_slice %arg9[%dma_start3A_241, %dma_start3A_242] : memref<81x2048xf32, #tpu.memory_space<vmem>> -> memref<81x128xf32, #tpu.memory_space<vmem>>
        tpu.enqueue_dma source(%dma_start3A_243 : memref<81x128xf32, #tpu.memory_space<vmem>>) target(%dma_start3A_240 : memref<81x128xf32, #tpu.memory_space<hbm>>) target_semaphore(%arg11 : memref<!tpu.dma_semaphore, #tpu.memory_space<semaphore_mem>>)
        %dma_start3A_244 = arith.constant 0 : i32
        %dma_start3A_245 = tpu.memref_slice %arg4[%mul3A_178, %add3A_180, %dma_start3A_244] : memref<50257x32x128xf32, #tpu.memory_space<hbm>> -> memref<81x1x128xf32, #tpu.memory_space<hbm>>
        %dma_start3A_246 = tpu.memref_squeeze %dma_start3A_245 : memref<81x1x128xf32, #tpu.memory_space<hbm>> -> memref<81x128xf32, #tpu.memory_space<hbm>>
        %dma_start3A_247 = arith.constant 0 : i32
        %dma_start3A_248 = arith.constant 256 : i32
        %dma_start3A_249 = tpu.memref_slice %arg9[%dma_start3A_247, %dma_start3A_248] : memref<81x2048xf32, #tpu.memory_space<vmem>> -> memref<81x128xf32, #tpu.memory_space<vmem>>
        tpu.enqueue_dma source(%dma_start3A_249 : memref<81x128xf32, #tpu.memory_space<vmem>>) target(%dma_start3A_246 : memref<81x128xf32, #tpu.memory_space<hbm>>) target_semaphore(%arg11 : memref<!tpu.dma_semaphore, #tpu.memory_space<semaphore_mem>>)
        %dma_start3A_250 = arith.constant 0 : i32
        %dma_start3A_251 = tpu.memref_slice %arg4[%mul3A_182, %add3A_184, %dma_start3A_250] : memref<50257x32x128xf32, #tpu.memory_space<hbm>> -> memref<81x1x128xf32, #tpu.memory_space<hbm>>
        %dma_start3A_252 = tpu.memref_squeeze %dma_start3A_251 : memref<81x1x128xf32, #tpu.memory_space<hbm>> -> memref<81x128xf32, #tpu.memory_space<hbm>>
        %dma_start3A_253 = arith.constant 0 : i32
        %dma_start3A_254 = arith.constant 384 : i32
        %dma_start3A_255 = tpu.memref_slice %arg9[%dma_start3A_253, %dma_start3A_254] : memref<81x2048xf32, #tpu.memory_space<vmem>> -> memref<81x128xf32, #tpu.memory_space<vmem>>
        tpu.enqueue_dma source(%dma_start3A_255 : memref<81x128xf32, #tpu.memory_space<vmem>>) target(%dma_start3A_252 : memref<81x128xf32, #tpu.memory_space<hbm>>) target_semaphore(%arg11 : memref<!tpu.dma_semaphore, #tpu.memory_space<semaphore_mem>>)
        %dma_start3A_256 = arith.constant 0 : i32
        %dma_start3A_257 = tpu.memref_slice %arg4[%mul3A_186, %add3A_188, %dma_start3A_256] : memref<50257x32x128xf32, #tpu.memory_space<hbm>> -> memref<81x1x128xf32, #tpu.memory_space<hbm>>
        %dma_start3A_258 = tpu.memref_squeeze %dma_start3A_257 : memref<81x1x128xf32, #tpu.memory_space<hbm>> -> memref<81x128xf32, #tpu.memory_space<hbm>>
        %dma_start3A_259 = arith.constant 0 : i32
        %dma_start3A_260 = arith.constant 512 : i32
        %dma_start3A_261 = tpu.memref_slice %arg9[%dma_start3A_259, %dma_start3A_260] : memref<81x2048xf32, #tpu.memory_space<vmem>> -> memref<81x128xf32, #tpu.memory_space<vmem>>
        tpu.enqueue_dma source(%dma_start3A_261 : memref<81x128xf32, #tpu.memory_space<vmem>>) target(%dma_start3A_258 : memref<81x128xf32, #tpu.memory_space<hbm>>) target_semaphore(%arg11 : memref<!tpu.dma_semaphore, #tpu.memory_space<semaphore_mem>>)
        %dma_start3A_262 = arith.constant 0 : i32
        %dma_start3A_263 = tpu.memref_slice %arg4[%mul3A_190, %add3A_192, %dma_start3A_262] : memref<50257x32x128xf32, #tpu.memory_space<hbm>> -> memref<81x1x128xf32, #tpu.memory_space<hbm>>
        %dma_start3A_264 = tpu.memref_squeeze %dma_start3A_263 : memref<81x1x128xf32, #tpu.memory_space<hbm>> -> memref<81x128xf32, #tpu.memory_space<hbm>>
        %dma_start3A_265 = arith.constant 0 : i32
        %dma_start3A_266 = arith.constant 640 : i32
        %dma_start3A_267 = tpu.memref_slice %arg9[%dma_start3A_265, %dma_start3A_266] : memref<81x2048xf32, #tpu.memory_space<vmem>> -> memref<81x128xf32, #tpu.memory_space<vmem>>
        tpu.enqueue_dma source(%dma_start3A_267 : memref<81x128xf32, #tpu.memory_space<vmem>>) target(%dma_start3A_264 : memref<81x128xf32, #tpu.memory_space<hbm>>) target_semaphore(%arg11 : memref<!tpu.dma_semaphore, #tpu.memory_space<semaphore_mem>>)
        %dma_start3A_268 = arith.constant 0 : i32
        %dma_start3A_269 = tpu.memref_slice %arg4[%mul3A_194, %add3A_196, %dma_start3A_268] : memref<50257x32x128xf32, #tpu.memory_space<hbm>> -> memref<81x1x128xf32, #tpu.memory_space<hbm>>
        %dma_start3A_270 = tpu.memref_squeeze %dma_start3A_269 : memref<81x1x128xf32, #tpu.memory_space<hbm>> -> memref<81x128xf32, #tpu.memory_space<hbm>>
        %dma_start3A_271 = arith.constant 0 : i32
        %dma_start3A_272 = arith.constant 768 : i32
        %dma_start3A_273 = tpu.memref_slice %arg9[%dma_start3A_271, %dma_start3A_272] : memref<81x2048xf32, #tpu.memory_space<vmem>> -> memref<81x128xf32, #tpu.memory_space<vmem>>
        tpu.enqueue_dma source(%dma_start3A_273 : memref<81x128xf32, #tpu.memory_space<vmem>>) target(%dma_start3A_270 : memref<81x128xf32, #tpu.memory_space<hbm>>) target_semaphore(%arg11 : memref<!tpu.dma_semaphore, #tpu.memory_space<semaphore_mem>>)
        %dma_start3A_274 = arith.constant 0 : i32
        %dma_start3A_275 = tpu.memref_slice %arg4[%mul3A_198, %add3A_200, %dma_start3A_274] : memref<50257x32x128xf32, #tpu.memory_space<hbm>> -> memref<81x1x128xf32, #tpu.memory_space<hbm>>
        %dma_start3A_276 = tpu.memref_squeeze %dma_start3A_275 : memref<81x1x128xf32, #tpu.memory_space<hbm>> -> memref<81x128xf32, #tpu.memory_space<hbm>>
        %dma_start3A_277 = arith.constant 0 : i32
        %dma_start3A_278 = arith.constant 896 : i32
        %dma_start3A_279 = tpu.memref_slice %arg9[%dma_start3A_277, %dma_start3A_278] : memref<81x2048xf32, #tpu.memory_space<vmem>> -> memref<81x128xf32, #tpu.memory_space<vmem>>
        tpu.enqueue_dma source(%dma_start3A_279 : memref<81x128xf32, #tpu.memory_space<vmem>>) target(%dma_start3A_276 : memref<81x128xf32, #tpu.memory_space<hbm>>) target_semaphore(%arg11 : memref<!tpu.dma_semaphore, #tpu.memory_space<semaphore_mem>>)
        %dma_start3A_280 = arith.constant 0 : i32
        %dma_start3A_281 = tpu.memref_slice %arg4[%mul3A_202, %add3A_204, %dma_start3A_280] : memref<50257x32x128xf32, #tpu.memory_space<hbm>> -> memref<81x1x128xf32, #tpu.memory_space<hbm>>
        %dma_start3A_282 = tpu.memref_squeeze %dma_start3A_281 : memref<81x1x128xf32, #tpu.memory_space<hbm>> -> memref<81x128xf32, #tpu.memory_space<hbm>>
        %dma_start3A_283 = arith.constant 0 : i32
        %dma_start3A_284 = arith.constant 1024 : i32
        %dma_start3A_285 = tpu.memref_slice %arg9[%dma_start3A_283, %dma_start3A_284] : memref<81x2048xf32, #tpu.memory_space<vmem>> -> memref<81x128xf32, #tpu.memory_space<vmem>>
        tpu.enqueue_dma source(%dma_start3A_285 : memref<81x128xf32, #tpu.memory_space<vmem>>) target(%dma_start3A_282 : memref<81x128xf32, #tpu.memory_space<hbm>>) target_semaphore(%arg11 : memref<!tpu.dma_semaphore, #tpu.memory_space<semaphore_mem>>)
        %dma_start3A_286 = arith.constant 0 : i32
        %dma_start3A_287 = tpu.memref_slice %arg4[%mul3A_206, %add3A_208, %dma_start3A_286] : memref<50257x32x128xf32, #tpu.memory_space<hbm>> -> memref<81x1x128xf32, #tpu.memory_space<hbm>>
        %dma_start3A_288 = tpu.memref_squeeze %dma_start3A_287 : memref<81x1x128xf32, #tpu.memory_space<hbm>> -> memref<81x128xf32, #tpu.memory_space<hbm>>
        %dma_start3A_289 = arith.constant 0 : i32
        %dma_start3A_290 = arith.constant 1152 : i32
        %dma_start3A_291 = tpu.memref_slice %arg9[%dma_start3A_289, %dma_start3A_290] : memref<81x2048xf32, #tpu.memory_space<vmem>> -> memref<81x128xf32, #tpu.memory_space<vmem>>
        tpu.enqueue_dma source(%dma_start3A_291 : memref<81x128xf32, #tpu.memory_space<vmem>>) target(%dma_start3A_288 : memref<81x128xf32, #tpu.memory_space<hbm>>) target_semaphore(%arg11 : memref<!tpu.dma_semaphore, #tpu.memory_space<semaphore_mem>>)
        %dma_start3A_292 = arith.constant 0 : i32
        %dma_start3A_293 = tpu.memref_slice %arg4[%mul3A_210, %add3A_212, %dma_start3A_292] : memref<50257x32x128xf32, #tpu.memory_space<hbm>> -> memref<81x1x128xf32, #tpu.memory_space<hbm>>
        %dma_start3A_294 = tpu.memref_squeeze %dma_start3A_293 : memref<81x1x128xf32, #tpu.memory_space<hbm>> -> memref<81x128xf32, #tpu.memory_space<hbm>>
        %dma_start3A_295 = arith.constant 0 : i32
        %dma_start3A_296 = arith.constant 1280 : i32
        %dma_start3A_297 = tpu.memref_slice %arg9[%dma_start3A_295, %dma_start3A_296] : memref<81x2048xf32, #tpu.memory_space<vmem>> -> memref<81x128xf32, #tpu.memory_space<vmem>>
        tpu.enqueue_dma source(%dma_start3A_297 : memref<81x128xf32, #tpu.memory_space<vmem>>) target(%dma_start3A_294 : memref<81x128xf32, #tpu.memory_space<hbm>>) target_semaphore(%arg11 : memref<!tpu.dma_semaphore, #tpu.memory_space<semaphore_mem>>)
        %dma_start3A_298 = arith.constant 0 : i32
        %dma_start3A_299 = tpu.memref_slice %arg4[%mul3A_214, %add3A_216, %dma_start3A_298] : memref<50257x32x128xf32, #tpu.memory_space<hbm>> -> memref<81x1x128xf32, #tpu.memory_space<hbm>>
        %dma_start3A_300 = tpu.memref_squeeze %dma_start3A_299 : memref<81x1x128xf32, #tpu.memory_space<hbm>> -> memref<81x128xf32, #tpu.memory_space<hbm>>
        %dma_start3A_301 = arith.constant 0 : i32
        %dma_start3A_302 = arith.constant 1408 : i32
        %dma_start3A_303 = tpu.memref_slice %arg9[%dma_start3A_301, %dma_start3A_302] : memref<81x2048xf32, #tpu.memory_space<vmem>> -> memref<81x128xf32, #tpu.memory_space<vmem>>
        tpu.enqueue_dma source(%dma_start3A_303 : memref<81x128xf32, #tpu.memory_space<vmem>>) target(%dma_start3A_300 : memref<81x128xf32, #tpu.memory_space<hbm>>) target_semaphore(%arg11 : memref<!tpu.dma_semaphore, #tpu.memory_space<semaphore_mem>>)
        %dma_start3A_304 = arith.constant 0 : i32
        %dma_start3A_305 = tpu.memref_slice %arg4[%mul3A_218, %add3A_220, %dma_start3A_304] : memref<50257x32x128xf32, #tpu.memory_space<hbm>> -> memref<81x1x128xf32, #tpu.memory_space<hbm>>
        %dma_start3A_306 = tpu.memref_squeeze %dma_start3A_305 : memref<81x1x128xf32, #tpu.memory_space<hbm>> -> memref<81x128xf32, #tpu.memory_space<hbm>>
        %dma_start3A_307 = arith.constant 0 : i32
        %dma_start3A_308 = arith.constant 1536 : i32
        %dma_start3A_309 = tpu.memref_slice %arg9[%dma_start3A_307, %dma_start3A_308] : memref<81x2048xf32, #tpu.memory_space<vmem>> -> memref<81x128xf32, #tpu.memory_space<vmem>>
        tpu.enqueue_dma source(%dma_start3A_309 : memref<81x128xf32, #tpu.memory_space<vmem>>) target(%dma_start3A_306 : memref<81x128xf32, #tpu.memory_space<hbm>>) target_semaphore(%arg11 : memref<!tpu.dma_semaphore, #tpu.memory_space<semaphore_mem>>)
        %dma_start3A_310 = arith.constant 0 : i32
        %dma_start3A_311 = tpu.memref_slice %arg4[%mul3A_222, %add3A_224, %dma_start3A_310] : memref<50257x32x128xf32, #tpu.memory_space<hbm>> -> memref<81x1x128xf32, #tpu.memory_space<hbm>>
        %dma_start3A_312 = tpu.memref_squeeze %dma_start3A_311 : memref<81x1x128xf32, #tpu.memory_space<hbm>> -> memref<81x128xf32, #tpu.memory_space<hbm>>
        %dma_start3A_313 = arith.constant 0 : i32
        %dma_start3A_314 = arith.constant 1664 : i32
        %dma_start3A_315 = tpu.memref_slice %arg9[%dma_start3A_313, %dma_start3A_314] : memref<81x2048xf32, #tpu.memory_space<vmem>> -> memref<81x128xf32, #tpu.memory_space<vmem>>
        tpu.enqueue_dma source(%dma_start3A_315 : memref<81x128xf32, #tpu.memory_space<vmem>>) target(%dma_start3A_312 : memref<81x128xf32, #tpu.memory_space<hbm>>) target_semaphore(%arg11 : memref<!tpu.dma_semaphore, #tpu.memory_space<semaphore_mem>>)
        %dma_start3A_316 = arith.constant 0 : i32
        %dma_start3A_317 = tpu.memref_slice %arg4[%mul3A_226, %add3A_228, %dma_start3A_316] : memref<50257x32x128xf32, #tpu.memory_space<hbm>> -> memref<81x1x128xf32, #tpu.memory_space<hbm>>
        %dma_start3A_318 = tpu.memref_squeeze %dma_start3A_317 : memref<81x1x128xf32, #tpu.memory_space<hbm>> -> memref<81x128xf32, #tpu.memory_space<hbm>>
        %dma_start3A_319 = arith.constant 0 : i32
        %dma_start3A_320 = arith.constant 1792 : i32
        %dma_start3A_321 = tpu.memref_slice %arg9[%dma_start3A_319, %dma_start3A_320] : memref<81x2048xf32, #tpu.memory_space<vmem>> -> memref<81x128xf32, #tpu.memory_space<vmem>>
        tpu.enqueue_dma source(%dma_start3A_321 : memref<81x128xf32, #tpu.memory_space<vmem>>) target(%dma_start3A_318 : memref<81x128xf32, #tpu.memory_space<hbm>>) target_semaphore(%arg11 : memref<!tpu.dma_semaphore, #tpu.memory_space<semaphore_mem>>)
        %dma_start3A_322 = arith.constant 0 : i32
        %dma_start3A_323 = tpu.memref_slice %arg4[%mul3A_230, %add3A_232, %dma_start3A_322] : memref<50257x32x128xf32, #tpu.memory_space<hbm>> -> memref<81x1x128xf32, #tpu.memory_space<hbm>>
        %dma_start3A_324 = tpu.memref_squeeze %dma_start3A_323 : memref<81x1x128xf32, #tpu.memory_space<hbm>> -> memref<81x128xf32, #tpu.memory_space<hbm>>
        %dma_start3A_325 = arith.constant 0 : i32
        %dma_start3A_326 = arith.constant 1920 : i32
        %dma_start3A_327 = tpu.memref_slice %arg9[%dma_start3A_325, %dma_start3A_326] : memref<81x2048xf32, #tpu.memory_space<vmem>> -> memref<81x128xf32, #tpu.memory_space<vmem>>
        tpu.enqueue_dma source(%dma_start3A_327 : memref<81x128xf32, #tpu.memory_space<vmem>>) target(%dma_start3A_324 : memref<81x128xf32, #tpu.memory_space<hbm>>) target_semaphore(%arg11 : memref<!tpu.dma_semaphore, #tpu.memory_space<semaphore_mem>>)
      } else {
      }
    } else {
    }
    %eq3A_21 = arith.constant 49 : i32
    %eq3A_22 = arith.cmpi eq, %arg0, %eq3A_21 : i32
    %eq3A_23 = arith.constant 1 : i32
    %eq3A_24 = arith.cmpi eq, %arg1, %eq3A_23 : i32
    %and3A_25 = arith.andi %eq3A_22, %eq3A_24 : i1
    %convert_element_type3A_26 = arith.extui %and3A_25 : i1 to i32
    %cond3A_27 = arith.constant 0 : i32
    %cond3A_28 = arith.cmpi ne, %convert_element_type3A_26, %cond3A_27 : i32
    scf.if %cond3A_28 {
      %mul3A = arith.constant 1024 : i32
      %mul3A_29 = arith.muli %arg0, %mul3A : i32
      %add3A = arith.constant 0 : i32
      %add3A_30 = arith.addi %add3A, %arg1 : i32
      %mul3A_31 = arith.constant 1024 : i32
      %mul3A_32 = arith.muli %arg0, %mul3A_31 : i32
      %add3A_33 = arith.constant 2 : i32
      %add3A_34 = arith.addi %add3A_33, %arg1 : i32
      %mul3A_35 = arith.constant 1024 : i32
      %mul3A_36 = arith.muli %arg0, %mul3A_35 : i32
      %add3A_37 = arith.constant 4 : i32
      %add3A_38 = arith.addi %add3A_37, %arg1 : i32
      %mul3A_39 = arith.constant 1024 : i32
      %mul3A_40 = arith.muli %arg0, %mul3A_39 : i32
      %add3A_41 = arith.constant 6 : i32
      %add3A_42 = arith.addi %add3A_41, %arg1 : i32
      %mul3A_43 = arith.constant 1024 : i32
      %mul3A_44 = arith.muli %arg0, %mul3A_43 : i32
      %add3A_45 = arith.constant 8 : i32
      %add3A_46 = arith.addi %add3A_45, %arg1 : i32
      %mul3A_47 = arith.constant 1024 : i32
      %mul3A_48 = arith.muli %arg0, %mul3A_47 : i32
      %add3A_49 = arith.constant 10 : i32
      %add3A_50 = arith.addi %add3A_49, %arg1 : i32
      %mul3A_51 = arith.constant 1024 : i32
      %mul3A_52 = arith.muli %arg0, %mul3A_51 : i32
      %add3A_53 = arith.constant 12 : i32
      %add3A_54 = arith.addi %add3A_53, %arg1 : i32
      %mul3A_55 = arith.constant 1024 : i32
      %mul3A_56 = arith.muli %arg0, %mul3A_55 : i32
      %add3A_57 = arith.constant 14 : i32
      %add3A_58 = arith.addi %add3A_57, %arg1 : i32
      %mul3A_59 = arith.constant 1024 : i32
      %mul3A_60 = arith.muli %arg0, %mul3A_59 : i32
      %add3A_61 = arith.constant 16 : i32
      %add3A_62 = arith.addi %add3A_61, %arg1 : i32
      %mul3A_63 = arith.constant 1024 : i32
      %mul3A_64 = arith.muli %arg0, %mul3A_63 : i32
      %add3A_65 = arith.constant 18 : i32
      %add3A_66 = arith.addi %add3A_65, %arg1 : i32
      %mul3A_67 = arith.constant 1024 : i32
      %mul3A_68 = arith.muli %arg0, %mul3A_67 : i32
      %add3A_69 = arith.constant 20 : i32
      %add3A_70 = arith.addi %add3A_69, %arg1 : i32
      %mul3A_71 = arith.constant 1024 : i32
      %mul3A_72 = arith.muli %arg0, %mul3A_71 : i32
      %add3A_73 = arith.constant 22 : i32
      %add3A_74 = arith.addi %add3A_73, %arg1 : i32
      %mul3A_75 = arith.constant 1024 : i32
      %mul3A_76 = arith.muli %arg0, %mul3A_75 : i32
      %add3A_77 = arith.constant 24 : i32
      %add3A_78 = arith.addi %add3A_77, %arg1 : i32
      %mul3A_79 = arith.constant 1024 : i32
      %mul3A_80 = arith.muli %arg0, %mul3A_79 : i32
      %add3A_81 = arith.constant 26 : i32
      %add3A_82 = arith.addi %add3A_81, %arg1 : i32
      %mul3A_83 = arith.constant 1024 : i32
      %mul3A_84 = arith.muli %arg0, %mul3A_83 : i32
      %add3A_85 = arith.constant 28 : i32
      %add3A_86 = arith.addi %add3A_85, %arg1 : i32
      %mul3A_87 = arith.constant 1024 : i32
      %mul3A_88 = arith.muli %arg0, %mul3A_87 : i32
      %add3A_89 = arith.constant 30 : i32
      %add3A_90 = arith.addi %add3A_89, %arg1 : i32
      %dma_wait3A = arith.constant 0 : i32
      %dma_wait3A_91 = tpu.memref_slice %arg4[%mul3A_29, %add3A_30, %dma_wait3A] : memref<50257x32x128xf32, #tpu.memory_space<hbm>> -> memref<81x1x128xf32, #tpu.memory_space<hbm>>
      %dma_wait3A_92 = tpu.memref_squeeze %dma_wait3A_91 : memref<81x1x128xf32, #tpu.memory_space<hbm>> -> memref<81x128xf32, #tpu.memory_space<hbm>>
      %dma_wait3A_93 = arith.constant 0 : i32
      %dma_wait3A_94 = arith.constant 0 : i32
      %dma_wait3A_95 = tpu.memref_slice %arg8[%dma_wait3A_93, %dma_wait3A_94] : memref<81x2048xf32, #tpu.memory_space<vmem>> -> memref<81x128xf32, #tpu.memory_space<vmem>>
      tpu.wait_dma2 semaphore(%arg10 : memref<!tpu.dma_semaphore, #tpu.memory_space<semaphore_mem>>) src(%dma_wait3A_95 : memref<81x128xf32, #tpu.memory_space<vmem>>) dst(%dma_wait3A_92 : memref<81x128xf32, #tpu.memory_space<hbm>>)
      %dma_wait3A_96 = arith.constant 0 : i32
      %dma_wait3A_97 = tpu.memref_slice %arg4[%mul3A_32, %add3A_34, %dma_wait3A_96] : memref<50257x32x128xf32, #tpu.memory_space<hbm>> -> memref<81x1x128xf32, #tpu.memory_space<hbm>>
      %dma_wait3A_98 = tpu.memref_squeeze %dma_wait3A_97 : memref<81x1x128xf32, #tpu.memory_space<hbm>> -> memref<81x128xf32, #tpu.memory_space<hbm>>
      %dma_wait3A_99 = arith.constant 0 : i32
      %dma_wait3A_100 = arith.constant 128 : i32
      %dma_wait3A_101 = tpu.memref_slice %arg8[%dma_wait3A_99, %dma_wait3A_100] : memref<81x2048xf32, #tpu.memory_space<vmem>> -> memref<81x128xf32, #tpu.memory_space<vmem>>
      tpu.wait_dma2 semaphore(%arg10 : memref<!tpu.dma_semaphore, #tpu.memory_space<semaphore_mem>>) src(%dma_wait3A_101 : memref<81x128xf32, #tpu.memory_space<vmem>>) dst(%dma_wait3A_98 : memref<81x128xf32, #tpu.memory_space<hbm>>)
      %dma_wait3A_102 = arith.constant 0 : i32
      %dma_wait3A_103 = tpu.memref_slice %arg4[%mul3A_36, %add3A_38, %dma_wait3A_102] : memref<50257x32x128xf32, #tpu.memory_space<hbm>> -> memref<81x1x128xf32, #tpu.memory_space<hbm>>
      %dma_wait3A_104 = tpu.memref_squeeze %dma_wait3A_103 : memref<81x1x128xf32, #tpu.memory_space<hbm>> -> memref<81x128xf32, #tpu.memory_space<hbm>>
      %dma_wait3A_105 = arith.constant 0 : i32
      %dma_wait3A_106 = arith.constant 256 : i32
      %dma_wait3A_107 = tpu.memref_slice %arg8[%dma_wait3A_105, %dma_wait3A_106] : memref<81x2048xf32, #tpu.memory_space<vmem>> -> memref<81x128xf32, #tpu.memory_space<vmem>>
      tpu.wait_dma2 semaphore(%arg10 : memref<!tpu.dma_semaphore, #tpu.memory_space<semaphore_mem>>) src(%dma_wait3A_107 : memref<81x128xf32, #tpu.memory_space<vmem>>) dst(%dma_wait3A_104 : memref<81x128xf32, #tpu.memory_space<hbm>>)
      %dma_wait3A_108 = arith.constant 0 : i32
      %dma_wait3A_109 = tpu.memref_slice %arg4[%mul3A_40, %add3A_42, %dma_wait3A_108] : memref<50257x32x128xf32, #tpu.memory_space<hbm>> -> memref<81x1x128xf32, #tpu.memory_space<hbm>>
      %dma_wait3A_110 = tpu.memref_squeeze %dma_wait3A_109 : memref<81x1x128xf32, #tpu.memory_space<hbm>> -> memref<81x128xf32, #tpu.memory_space<hbm>>
      %dma_wait3A_111 = arith.constant 0 : i32
      %dma_wait3A_112 = arith.constant 384 : i32
      %dma_wait3A_113 = tpu.memref_slice %arg8[%dma_wait3A_111, %dma_wait3A_112] : memref<81x2048xf32, #tpu.memory_space<vmem>> -> memref<81x128xf32, #tpu.memory_space<vmem>>
      tpu.wait_dma2 semaphore(%arg10 : memref<!tpu.dma_semaphore, #tpu.memory_space<semaphore_mem>>) src(%dma_wait3A_113 : memref<81x128xf32, #tpu.memory_space<vmem>>) dst(%dma_wait3A_110 : memref<81x128xf32, #tpu.memory_space<hbm>>)
      %dma_wait3A_114 = arith.constant 0 : i32
      %dma_wait3A_115 = tpu.memref_slice %arg4[%mul3A_44, %add3A_46, %dma_wait3A_114] : memref<50257x32x128xf32, #tpu.memory_space<hbm>> -> memref<81x1x128xf32, #tpu.memory_space<hbm>>
      %dma_wait3A_116 = tpu.memref_squeeze %dma_wait3A_115 : memref<81x1x128xf32, #tpu.memory_space<hbm>> -> memref<81x128xf32, #tpu.memory_space<hbm>>
      %dma_wait3A_117 = arith.constant 0 : i32
      %dma_wait3A_118 = arith.constant 512 : i32
      %dma_wait3A_119 = tpu.memref_slice %arg8[%dma_wait3A_117, %dma_wait3A_118] : memref<81x2048xf32, #tpu.memory_space<vmem>> -> memref<81x128xf32, #tpu.memory_space<vmem>>
      tpu.wait_dma2 semaphore(%arg10 : memref<!tpu.dma_semaphore, #tpu.memory_space<semaphore_mem>>) src(%dma_wait3A_119 : memref<81x128xf32, #tpu.memory_space<vmem>>) dst(%dma_wait3A_116 : memref<81x128xf32, #tpu.memory_space<hbm>>)
      %dma_wait3A_120 = arith.constant 0 : i32
      %dma_wait3A_121 = tpu.memref_slice %arg4[%mul3A_48, %add3A_50, %dma_wait3A_120] : memref<50257x32x128xf32, #tpu.memory_space<hbm>> -> memref<81x1x128xf32, #tpu.memory_space<hbm>>
      %dma_wait3A_122 = tpu.memref_squeeze %dma_wait3A_121 : memref<81x1x128xf32, #tpu.memory_space<hbm>> -> memref<81x128xf32, #tpu.memory_space<hbm>>
      %dma_wait3A_123 = arith.constant 0 : i32
      %dma_wait3A_124 = arith.constant 640 : i32
      %dma_wait3A_125 = tpu.memref_slice %arg8[%dma_wait3A_123, %dma_wait3A_124] : memref<81x2048xf32, #tpu.memory_space<vmem>> -> memref<81x128xf32, #tpu.memory_space<vmem>>
      tpu.wait_dma2 semaphore(%arg10 : memref<!tpu.dma_semaphore, #tpu.memory_space<semaphore_mem>>) src(%dma_wait3A_125 : memref<81x128xf32, #tpu.memory_space<vmem>>) dst(%dma_wait3A_122 : memref<81x128xf32, #tpu.memory_space<hbm>>)
      %dma_wait3A_126 = arith.constant 0 : i32
      %dma_wait3A_127 = tpu.memref_slice %arg4[%mul3A_52, %add3A_54, %dma_wait3A_126] : memref<50257x32x128xf32, #tpu.memory_space<hbm>> -> memref<81x1x128xf32, #tpu.memory_space<hbm>>
      %dma_wait3A_128 = tpu.memref_squeeze %dma_wait3A_127 : memref<81x1x128xf32, #tpu.memory_space<hbm>> -> memref<81x128xf32, #tpu.memory_space<hbm>>
      %dma_wait3A_129 = arith.constant 0 : i32
      %dma_wait3A_130 = arith.constant 768 : i32
      %dma_wait3A_131 = tpu.memref_slice %arg8[%dma_wait3A_129, %dma_wait3A_130] : memref<81x2048xf32, #tpu.memory_space<vmem>> -> memref<81x128xf32, #tpu.memory_space<vmem>>
      tpu.wait_dma2 semaphore(%arg10 : memref<!tpu.dma_semaphore, #tpu.memory_space<semaphore_mem>>) src(%dma_wait3A_131 : memref<81x128xf32, #tpu.memory_space<vmem>>) dst(%dma_wait3A_128 : memref<81x128xf32, #tpu.memory_space<hbm>>)
      %dma_wait3A_132 = arith.constant 0 : i32
      %dma_wait3A_133 = tpu.memref_slice %arg4[%mul3A_56, %add3A_58, %dma_wait3A_132] : memref<50257x32x128xf32, #tpu.memory_space<hbm>> -> memref<81x1x128xf32, #tpu.memory_space<hbm>>
      %dma_wait3A_134 = tpu.memref_squeeze %dma_wait3A_133 : memref<81x1x128xf32, #tpu.memory_space<hbm>> -> memref<81x128xf32, #tpu.memory_space<hbm>>
      %dma_wait3A_135 = arith.constant 0 : i32
      %dma_wait3A_136 = arith.constant 896 : i32
      %dma_wait3A_137 = tpu.memref_slice %arg8[%dma_wait3A_135, %dma_wait3A_136] : memref<81x2048xf32, #tpu.memory_space<vmem>> -> memref<81x128xf32, #tpu.memory_space<vmem>>
      tpu.wait_dma2 semaphore(%arg10 : memref<!tpu.dma_semaphore, #tpu.memory_space<semaphore_mem>>) src(%dma_wait3A_137 : memref<81x128xf32, #tpu.memory_space<vmem>>) dst(%dma_wait3A_134 : memref<81x128xf32, #tpu.memory_space<hbm>>)
      %dma_wait3A_138 = arith.constant 0 : i32
      %dma_wait3A_139 = tpu.memref_slice %arg4[%mul3A_60, %add3A_62, %dma_wait3A_138] : memref<50257x32x128xf32, #tpu.memory_space<hbm>> -> memref<81x1x128xf32, #tpu.memory_space<hbm>>
      %dma_wait3A_140 = tpu.memref_squeeze %dma_wait3A_139 : memref<81x1x128xf32, #tpu.memory_space<hbm>> -> memref<81x128xf32, #tpu.memory_space<hbm>>
      %dma_wait3A_141 = arith.constant 0 : i32
      %dma_wait3A_142 = arith.constant 1024 : i32
      %dma_wait3A_143 = tpu.memref_slice %arg8[%dma_wait3A_141, %dma_wait3A_142] : memref<81x2048xf32, #tpu.memory_space<vmem>> -> memref<81x128xf32, #tpu.memory_space<vmem>>
      tpu.wait_dma2 semaphore(%arg10 : memref<!tpu.dma_semaphore, #tpu.memory_space<semaphore_mem>>) src(%dma_wait3A_143 : memref<81x128xf32, #tpu.memory_space<vmem>>) dst(%dma_wait3A_140 : memref<81x128xf32, #tpu.memory_space<hbm>>)
      %dma_wait3A_144 = arith.constant 0 : i32
      %dma_wait3A_145 = tpu.memref_slice %arg4[%mul3A_64, %add3A_66, %dma_wait3A_144] : memref<50257x32x128xf32, #tpu.memory_space<hbm>> -> memref<81x1x128xf32, #tpu.memory_space<hbm>>
      %dma_wait3A_146 = tpu.memref_squeeze %dma_wait3A_145 : memref<81x1x128xf32, #tpu.memory_space<hbm>> -> memref<81x128xf32, #tpu.memory_space<hbm>>
      %dma_wait3A_147 = arith.constant 0 : i32
      %dma_wait3A_148 = arith.constant 1152 : i32
      %dma_wait3A_149 = tpu.memref_slice %arg8[%dma_wait3A_147, %dma_wait3A_148] : memref<81x2048xf32, #tpu.memory_space<vmem>> -> memref<81x128xf32, #tpu.memory_space<vmem>>
      tpu.wait_dma2 semaphore(%arg10 : memref<!tpu.dma_semaphore, #tpu.memory_space<semaphore_mem>>) src(%dma_wait3A_149 : memref<81x128xf32, #tpu.memory_space<vmem>>) dst(%dma_wait3A_146 : memref<81x128xf32, #tpu.memory_space<hbm>>)
      %dma_wait3A_150 = arith.constant 0 : i32
      %dma_wait3A_151 = tpu.memref_slice %arg4[%mul3A_68, %add3A_70, %dma_wait3A_150] : memref<50257x32x128xf32, #tpu.memory_space<hbm>> -> memref<81x1x128xf32, #tpu.memory_space<hbm>>
      %dma_wait3A_152 = tpu.memref_squeeze %dma_wait3A_151 : memref<81x1x128xf32, #tpu.memory_space<hbm>> -> memref<81x128xf32, #tpu.memory_space<hbm>>
      %dma_wait3A_153 = arith.constant 0 : i32
      %dma_wait3A_154 = arith.constant 1280 : i32
      %dma_wait3A_155 = tpu.memref_slice %arg8[%dma_wait3A_153, %dma_wait3A_154] : memref<81x2048xf32, #tpu.memory_space<vmem>> -> memref<81x128xf32, #tpu.memory_space<vmem>>
      tpu.wait_dma2 semaphore(%arg10 : memref<!tpu.dma_semaphore, #tpu.memory_space<semaphore_mem>>) src(%dma_wait3A_155 : memref<81x128xf32, #tpu.memory_space<vmem>>) dst(%dma_wait3A_152 : memref<81x128xf32, #tpu.memory_space<hbm>>)
      %dma_wait3A_156 = arith.constant 0 : i32
      %dma_wait3A_157 = tpu.memref_slice %arg4[%mul3A_72, %add3A_74, %dma_wait3A_156] : memref<50257x32x128xf32, #tpu.memory_space<hbm>> -> memref<81x1x128xf32, #tpu.memory_space<hbm>>
      %dma_wait3A_158 = tpu.memref_squeeze %dma_wait3A_157 : memref<81x1x128xf32, #tpu.memory_space<hbm>> -> memref<81x128xf32, #tpu.memory_space<hbm>>
      %dma_wait3A_159 = arith.constant 0 : i32
      %dma_wait3A_160 = arith.constant 1408 : i32
      %dma_wait3A_161 = tpu.memref_slice %arg8[%dma_wait3A_159, %dma_wait3A_160] : memref<81x2048xf32, #tpu.memory_space<vmem>> -> memref<81x128xf32, #tpu.memory_space<vmem>>
      tpu.wait_dma2 semaphore(%arg10 : memref<!tpu.dma_semaphore, #tpu.memory_space<semaphore_mem>>) src(%dma_wait3A_161 : memref<81x128xf32, #tpu.memory_space<vmem>>) dst(%dma_wait3A_158 : memref<81x128xf32, #tpu.memory_space<hbm>>)
      %dma_wait3A_162 = arith.constant 0 : i32
      %dma_wait3A_163 = tpu.memref_slice %arg4[%mul3A_76, %add3A_78, %dma_wait3A_162] : memref<50257x32x128xf32, #tpu.memory_space<hbm>> -> memref<81x1x128xf32, #tpu.memory_space<hbm>>
      %dma_wait3A_164 = tpu.memref_squeeze %dma_wait3A_163 : memref<81x1x128xf32, #tpu.memory_space<hbm>> -> memref<81x128xf32, #tpu.memory_space<hbm>>
      %dma_wait3A_165 = arith.constant 0 : i32
      %dma_wait3A_166 = arith.constant 1536 : i32
      %dma_wait3A_167 = tpu.memref_slice %arg8[%dma_wait3A_165, %dma_wait3A_166] : memref<81x2048xf32, #tpu.memory_space<vmem>> -> memref<81x128xf32, #tpu.memory_space<vmem>>
      tpu.wait_dma2 semaphore(%arg10 : memref<!tpu.dma_semaphore, #tpu.memory_space<semaphore_mem>>) src(%dma_wait3A_167 : memref<81x128xf32, #tpu.memory_space<vmem>>) dst(%dma_wait3A_164 : memref<81x128xf32, #tpu.memory_space<hbm>>)
      %dma_wait3A_168 = arith.constant 0 : i32
      %dma_wait3A_169 = tpu.memref_slice %arg4[%mul3A_80, %add3A_82, %dma_wait3A_168] : memref<50257x32x128xf32, #tpu.memory_space<hbm>> -> memref<81x1x128xf32, #tpu.memory_space<hbm>>
      %dma_wait3A_170 = tpu.memref_squeeze %dma_wait3A_169 : memref<81x1x128xf32, #tpu.memory_space<hbm>> -> memref<81x128xf32, #tpu.memory_space<hbm>>
      %dma_wait3A_171 = arith.constant 0 : i32
      %dma_wait3A_172 = arith.constant 1664 : i32
      %dma_wait3A_173 = tpu.memref_slice %arg8[%dma_wait3A_171, %dma_wait3A_172] : memref<81x2048xf32, #tpu.memory_space<vmem>> -> memref<81x128xf32, #tpu.memory_space<vmem>>
      tpu.wait_dma2 semaphore(%arg10 : memref<!tpu.dma_semaphore, #tpu.memory_space<semaphore_mem>>) src(%dma_wait3A_173 : memref<81x128xf32, #tpu.memory_space<vmem>>) dst(%dma_wait3A_170 : memref<81x128xf32, #tpu.memory_space<hbm>>)
      %dma_wait3A_174 = arith.constant 0 : i32
      %dma_wait3A_175 = tpu.memref_slice %arg4[%mul3A_84, %add3A_86, %dma_wait3A_174] : memref<50257x32x128xf32, #tpu.memory_space<hbm>> -> memref<81x1x128xf32, #tpu.memory_space<hbm>>
      %dma_wait3A_176 = tpu.memref_squeeze %dma_wait3A_175 : memref<81x1x128xf32, #tpu.memory_space<hbm>> -> memref<81x128xf32, #tpu.memory_space<hbm>>
      %dma_wait3A_177 = arith.constant 0 : i32
      %dma_wait3A_178 = arith.constant 1792 : i32
      %dma_wait3A_179 = tpu.memref_slice %arg8[%dma_wait3A_177, %dma_wait3A_178] : memref<81x2048xf32, #tpu.memory_space<vmem>> -> memref<81x128xf32, #tpu.memory_space<vmem>>
      tpu.wait_dma2 semaphore(%arg10 : memref<!tpu.dma_semaphore, #tpu.memory_space<semaphore_mem>>) src(%dma_wait3A_179 : memref<81x128xf32, #tpu.memory_space<vmem>>) dst(%dma_wait3A_176 : memref<81x128xf32, #tpu.memory_space<hbm>>)
      %dma_wait3A_180 = arith.constant 0 : i32
      %dma_wait3A_181 = tpu.memref_slice %arg4[%mul3A_88, %add3A_90, %dma_wait3A_180] : memref<50257x32x128xf32, #tpu.memory_space<hbm>> -> memref<81x1x128xf32, #tpu.memory_space<hbm>>
      %dma_wait3A_182 = tpu.memref_squeeze %dma_wait3A_181 : memref<81x1x128xf32, #tpu.memory_space<hbm>> -> memref<81x128xf32, #tpu.memory_space<hbm>>
      %dma_wait3A_183 = arith.constant 0 : i32
      %dma_wait3A_184 = arith.constant 1920 : i32
      %dma_wait3A_185 = tpu.memref_slice %arg8[%dma_wait3A_183, %dma_wait3A_184] : memref<81x2048xf32, #tpu.memory_space<vmem>> -> memref<81x128xf32, #tpu.memory_space<vmem>>
      tpu.wait_dma2 semaphore(%arg10 : memref<!tpu.dma_semaphore, #tpu.memory_space<semaphore_mem>>) src(%dma_wait3A_185 : memref<81x128xf32, #tpu.memory_space<vmem>>) dst(%dma_wait3A_182 : memref<81x128xf32, #tpu.memory_space<hbm>>)
      %mul3A_186 = arith.constant 1024 : i32
      %mul3A_187 = arith.muli %arg0, %mul3A_186 : i32
      %add3A_188 = arith.constant 0 : i32
      %add3A_189 = arith.addi %add3A_188, %arg1 : i32
      %mul3A_190 = arith.constant 1024 : i32
      %mul3A_191 = arith.muli %arg0, %mul3A_190 : i32
      %add3A_192 = arith.constant 2 : i32
      %add3A_193 = arith.addi %add3A_192, %arg1 : i32
      %mul3A_194 = arith.constant 1024 : i32
      %mul3A_195 = arith.muli %arg0, %mul3A_194 : i32
      %add3A_196 = arith.constant 4 : i32
      %add3A_197 = arith.addi %add3A_196, %arg1 : i32
      %mul3A_198 = arith.constant 1024 : i32
      %mul3A_199 = arith.muli %arg0, %mul3A_198 : i32
      %add3A_200 = arith.constant 6 : i32
      %add3A_201 = arith.addi %add3A_200, %arg1 : i32
      %mul3A_202 = arith.constant 1024 : i32
      %mul3A_203 = arith.muli %arg0, %mul3A_202 : i32
      %add3A_204 = arith.constant 8 : i32
      %add3A_205 = arith.addi %add3A_204, %arg1 : i32
      %mul3A_206 = arith.constant 1024 : i32
      %mul3A_207 = arith.muli %arg0, %mul3A_206 : i32
      %add3A_208 = arith.constant 10 : i32
      %add3A_209 = arith.addi %add3A_208, %arg1 : i32
      %mul3A_210 = arith.constant 1024 : i32
      %mul3A_211 = arith.muli %arg0, %mul3A_210 : i32
      %add3A_212 = arith.constant 12 : i32
      %add3A_213 = arith.addi %add3A_212, %arg1 : i32
      %mul3A_214 = arith.constant 1024 : i32
      %mul3A_215 = arith.muli %arg0, %mul3A_214 : i32
      %add3A_216 = arith.constant 14 : i32
      %add3A_217 = arith.addi %add3A_216, %arg1 : i32
      %mul3A_218 = arith.constant 1024 : i32
      %mul3A_219 = arith.muli %arg0, %mul3A_218 : i32
      %add3A_220 = arith.constant 16 : i32
      %add3A_221 = arith.addi %add3A_220, %arg1 : i32
      %mul3A_222 = arith.constant 1024 : i32
      %mul3A_223 = arith.muli %arg0, %mul3A_222 : i32
      %add3A_224 = arith.constant 18 : i32
      %add3A_225 = arith.addi %add3A_224, %arg1 : i32
      %mul3A_226 = arith.constant 1024 : i32
      %mul3A_227 = arith.muli %arg0, %mul3A_226 : i32
      %add3A_228 = arith.constant 20 : i32
      %add3A_229 = arith.addi %add3A_228, %arg1 : i32
      %mul3A_230 = arith.constant 1024 : i32
      %mul3A_231 = arith.muli %arg0, %mul3A_230 : i32
      %add3A_232 = arith.constant 22 : i32
      %add3A_233 = arith.addi %add3A_232, %arg1 : i32
      %mul3A_234 = arith.constant 1024 : i32
      %mul3A_235 = arith.muli %arg0, %mul3A_234 : i32
      %add3A_236 = arith.constant 24 : i32
      %add3A_237 = arith.addi %add3A_236, %arg1 : i32
      %mul3A_238 = arith.constant 1024 : i32
      %mul3A_239 = arith.muli %arg0, %mul3A_238 : i32
      %add3A_240 = arith.constant 26 : i32
      %add3A_241 = arith.addi %add3A_240, %arg1 : i32
      %mul3A_242 = arith.constant 1024 : i32
      %mul3A_243 = arith.muli %arg0, %mul3A_242 : i32
      %add3A_244 = arith.constant 28 : i32
      %add3A_245 = arith.addi %add3A_244, %arg1 : i32
      %mul3A_246 = arith.constant 1024 : i32
      %mul3A_247 = arith.muli %arg0, %mul3A_246 : i32
      %add3A_248 = arith.constant 30 : i32
      %add3A_249 = arith.addi %add3A_248, %arg1 : i32
      %dma_wait3A_250 = arith.constant 0 : i32
      %dma_wait3A_251 = tpu.memref_slice %arg4[%mul3A_187, %add3A_189, %dma_wait3A_250] : memref<50257x32x128xf32, #tpu.memory_space<hbm>> -> memref<81x1x128xf32, #tpu.memory_space<hbm>>
      %dma_wait3A_252 = tpu.memref_squeeze %dma_wait3A_251 : memref<81x1x128xf32, #tpu.memory_space<hbm>> -> memref<81x128xf32, #tpu.memory_space<hbm>>
      %dma_wait3A_253 = arith.constant 0 : i32
      %dma_wait3A_254 = arith.constant 0 : i32
      %dma_wait3A_255 = tpu.memref_slice %arg9[%dma_wait3A_253, %dma_wait3A_254] : memref<81x2048xf32, #tpu.memory_space<vmem>> -> memref<81x128xf32, #tpu.memory_space<vmem>>
      tpu.wait_dma2 semaphore(%arg11 : memref<!tpu.dma_semaphore, #tpu.memory_space<semaphore_mem>>) src(%dma_wait3A_255 : memref<81x128xf32, #tpu.memory_space<vmem>>) dst(%dma_wait3A_252 : memref<81x128xf32, #tpu.memory_space<hbm>>)
      %dma_wait3A_256 = arith.constant 0 : i32
      %dma_wait3A_257 = tpu.memref_slice %arg4[%mul3A_191, %add3A_193, %dma_wait3A_256] : memref<50257x32x128xf32, #tpu.memory_space<hbm>> -> memref<81x1x128xf32, #tpu.memory_space<hbm>>
      %dma_wait3A_258 = tpu.memref_squeeze %dma_wait3A_257 : memref<81x1x128xf32, #tpu.memory_space<hbm>> -> memref<81x128xf32, #tpu.memory_space<hbm>>
      %dma_wait3A_259 = arith.constant 0 : i32
      %dma_wait3A_260 = arith.constant 128 : i32
      %dma_wait3A_261 = tpu.memref_slice %arg9[%dma_wait3A_259, %dma_wait3A_260] : memref<81x2048xf32, #tpu.memory_space<vmem>> -> memref<81x128xf32, #tpu.memory_space<vmem>>
      tpu.wait_dma2 semaphore(%arg11 : memref<!tpu.dma_semaphore, #tpu.memory_space<semaphore_mem>>) src(%dma_wait3A_261 : memref<81x128xf32, #tpu.memory_space<vmem>>) dst(%dma_wait3A_258 : memref<81x128xf32, #tpu.memory_space<hbm>>)
      %dma_wait3A_262 = arith.constant 0 : i32
      %dma_wait3A_263 = tpu.memref_slice %arg4[%mul3A_195, %add3A_197, %dma_wait3A_262] : memref<50257x32x128xf32, #tpu.memory_space<hbm>> -> memref<81x1x128xf32, #tpu.memory_space<hbm>>
      %dma_wait3A_264 = tpu.memref_squeeze %dma_wait3A_263 : memref<81x1x128xf32, #tpu.memory_space<hbm>> -> memref<81x128xf32, #tpu.memory_space<hbm>>
      %dma_wait3A_265 = arith.constant 0 : i32
      %dma_wait3A_266 = arith.constant 256 : i32
      %dma_wait3A_267 = tpu.memref_slice %arg9[%dma_wait3A_265, %dma_wait3A_266] : memref<81x2048xf32, #tpu.memory_space<vmem>> -> memref<81x128xf32, #tpu.memory_space<vmem>>
      tpu.wait_dma2 semaphore(%arg11 : memref<!tpu.dma_semaphore, #tpu.memory_space<semaphore_mem>>) src(%dma_wait3A_267 : memref<81x128xf32, #tpu.memory_space<vmem>>) dst(%dma_wait3A_264 : memref<81x128xf32, #tpu.memory_space<hbm>>)
      %dma_wait3A_268 = arith.constant 0 : i32
      %dma_wait3A_269 = tpu.memref_slice %arg4[%mul3A_199, %add3A_201, %dma_wait3A_268] : memref<50257x32x128xf32, #tpu.memory_space<hbm>> -> memref<81x1x128xf32, #tpu.memory_space<hbm>>
      %dma_wait3A_270 = tpu.memref_squeeze %dma_wait3A_269 : memref<81x1x128xf32, #tpu.memory_space<hbm>> -> memref<81x128xf32, #tpu.memory_space<hbm>>
      %dma_wait3A_271 = arith.constant 0 : i32
      %dma_wait3A_272 = arith.constant 384 : i32
      %dma_wait3A_273 = tpu.memref_slice %arg9[%dma_wait3A_271, %dma_wait3A_272] : memref<81x2048xf32, #tpu.memory_space<vmem>> -> memref<81x128xf32, #tpu.memory_space<vmem>>
      tpu.wait_dma2 semaphore(%arg11 : memref<!tpu.dma_semaphore, #tpu.memory_space<semaphore_mem>>) src(%dma_wait3A_273 : memref<81x128xf32, #tpu.memory_space<vmem>>) dst(%dma_wait3A_270 : memref<81x128xf32, #tpu.memory_space<hbm>>)
      %dma_wait3A_274 = arith.constant 0 : i32
      %dma_wait3A_275 = tpu.memref_slice %arg4[%mul3A_203, %add3A_205, %dma_wait3A_274] : memref<50257x32x128xf32, #tpu.memory_space<hbm>> -> memref<81x1x128xf32, #tpu.memory_space<hbm>>
      %dma_wait3A_276 = tpu.memref_squeeze %dma_wait3A_275 : memref<81x1x128xf32, #tpu.memory_space<hbm>> -> memref<81x128xf32, #tpu.memory_space<hbm>>
      %dma_wait3A_277 = arith.constant 0 : i32
      %dma_wait3A_278 = arith.constant 512 : i32
      %dma_wait3A_279 = tpu.memref_slice %arg9[%dma_wait3A_277, %dma_wait3A_278] : memref<81x2048xf32, #tpu.memory_space<vmem>> -> memref<81x128xf32, #tpu.memory_space<vmem>>
      tpu.wait_dma2 semaphore(%arg11 : memref<!tpu.dma_semaphore, #tpu.memory_space<semaphore_mem>>) src(%dma_wait3A_279 : memref<81x128xf32, #tpu.memory_space<vmem>>) dst(%dma_wait3A_276 : memref<81x128xf32, #tpu.memory_space<hbm>>)
      %dma_wait3A_280 = arith.constant 0 : i32
      %dma_wait3A_281 = tpu.memref_slice %arg4[%mul3A_207, %add3A_209, %dma_wait3A_280] : memref<50257x32x128xf32, #tpu.memory_space<hbm>> -> memref<81x1x128xf32, #tpu.memory_space<hbm>>
      %dma_wait3A_282 = tpu.memref_squeeze %dma_wait3A_281 : memref<81x1x128xf32, #tpu.memory_space<hbm>> -> memref<81x128xf32, #tpu.memory_space<hbm>>
      %dma_wait3A_283 = arith.constant 0 : i32
      %dma_wait3A_284 = arith.constant 640 : i32
      %dma_wait3A_285 = tpu.memref_slice %arg9[%dma_wait3A_283, %dma_wait3A_284] : memref<81x2048xf32, #tpu.memory_space<vmem>> -> memref<81x128xf32, #tpu.memory_space<vmem>>
      tpu.wait_dma2 semaphore(%arg11 : memref<!tpu.dma_semaphore, #tpu.memory_space<semaphore_mem>>) src(%dma_wait3A_285 : memref<81x128xf32, #tpu.memory_space<vmem>>) dst(%dma_wait3A_282 : memref<81x128xf32, #tpu.memory_space<hbm>>)
      %dma_wait3A_286 = arith.constant 0 : i32
      %dma_wait3A_287 = tpu.memref_slice %arg4[%mul3A_211, %add3A_213, %dma_wait3A_286] : memref<50257x32x128xf32, #tpu.memory_space<hbm>> -> memref<81x1x128xf32, #tpu.memory_space<hbm>>
      %dma_wait3A_288 = tpu.memref_squeeze %dma_wait3A_287 : memref<81x1x128xf32, #tpu.memory_space<hbm>> -> memref<81x128xf32, #tpu.memory_space<hbm>>
      %dma_wait3A_289 = arith.constant 0 : i32
      %dma_wait3A_290 = arith.constant 768 : i32
      %dma_wait3A_291 = tpu.memref_slice %arg9[%dma_wait3A_289, %dma_wait3A_290] : memref<81x2048xf32, #tpu.memory_space<vmem>> -> memref<81x128xf32, #tpu.memory_space<vmem>>
      tpu.wait_dma2 semaphore(%arg11 : memref<!tpu.dma_semaphore, #tpu.memory_space<semaphore_mem>>) src(%dma_wait3A_291 : memref<81x128xf32, #tpu.memory_space<vmem>>) dst(%dma_wait3A_288 : memref<81x128xf32, #tpu.memory_space<hbm>>)
      %dma_wait3A_292 = arith.constant 0 : i32
      %dma_wait3A_293 = tpu.memref_slice %arg4[%mul3A_215, %add3A_217, %dma_wait3A_292] : memref<50257x32x128xf32, #tpu.memory_space<hbm>> -> memref<81x1x128xf32, #tpu.memory_space<hbm>>
      %dma_wait3A_294 = tpu.memref_squeeze %dma_wait3A_293 : memref<81x1x128xf32, #tpu.memory_space<hbm>> -> memref<81x128xf32, #tpu.memory_space<hbm>>
      %dma_wait3A_295 = arith.constant 0 : i32
      %dma_wait3A_296 = arith.constant 896 : i32
      %dma_wait3A_297 = tpu.memref_slice %arg9[%dma_wait3A_295, %dma_wait3A_296] : memref<81x2048xf32, #tpu.memory_space<vmem>> -> memref<81x128xf32, #tpu.memory_space<vmem>>
      tpu.wait_dma2 semaphore(%arg11 : memref<!tpu.dma_semaphore, #tpu.memory_space<semaphore_mem>>) src(%dma_wait3A_297 : memref<81x128xf32, #tpu.memory_space<vmem>>) dst(%dma_wait3A_294 : memref<81x128xf32, #tpu.memory_space<hbm>>)
      %dma_wait3A_298 = arith.constant 0 : i32
      %dma_wait3A_299 = tpu.memref_slice %arg4[%mul3A_219, %add3A_221, %dma_wait3A_298] : memref<50257x32x128xf32, #tpu.memory_space<hbm>> -> memref<81x1x128xf32, #tpu.memory_space<hbm>>
      %dma_wait3A_300 = tpu.memref_squeeze %dma_wait3A_299 : memref<81x1x128xf32, #tpu.memory_space<hbm>> -> memref<81x128xf32, #tpu.memory_space<hbm>>
      %dma_wait3A_301 = arith.constant 0 : i32
      %dma_wait3A_302 = arith.constant 1024 : i32
      %dma_wait3A_303 = tpu.memref_slice %arg9[%dma_wait3A_301, %dma_wait3A_302] : memref<81x2048xf32, #tpu.memory_space<vmem>> -> memref<81x128xf32, #tpu.memory_space<vmem>>
      tpu.wait_dma2 semaphore(%arg11 : memref<!tpu.dma_semaphore, #tpu.memory_space<semaphore_mem>>) src(%dma_wait3A_303 : memref<81x128xf32, #tpu.memory_space<vmem>>) dst(%dma_wait3A_300 : memref<81x128xf32, #tpu.memory_space<hbm>>)
      %dma_wait3A_304 = arith.constant 0 : i32
      %dma_wait3A_305 = tpu.memref_slice %arg4[%mul3A_223, %add3A_225, %dma_wait3A_304] : memref<50257x32x128xf32, #tpu.memory_space<hbm>> -> memref<81x1x128xf32, #tpu.memory_space<hbm>>
      %dma_wait3A_306 = tpu.memref_squeeze %dma_wait3A_305 : memref<81x1x128xf32, #tpu.memory_space<hbm>> -> memref<81x128xf32, #tpu.memory_space<hbm>>
      %dma_wait3A_307 = arith.constant 0 : i32
      %dma_wait3A_308 = arith.constant 1152 : i32
      %dma_wait3A_309 = tpu.memref_slice %arg9[%dma_wait3A_307, %dma_wait3A_308] : memref<81x2048xf32, #tpu.memory_space<vmem>> -> memref<81x128xf32, #tpu.memory_space<vmem>>
      tpu.wait_dma2 semaphore(%arg11 : memref<!tpu.dma_semaphore, #tpu.memory_space<semaphore_mem>>) src(%dma_wait3A_309 : memref<81x128xf32, #tpu.memory_space<vmem>>) dst(%dma_wait3A_306 : memref<81x128xf32, #tpu.memory_space<hbm>>)
      %dma_wait3A_310 = arith.constant 0 : i32
      %dma_wait3A_311 = tpu.memref_slice %arg4[%mul3A_227, %add3A_229, %dma_wait3A_310] : memref<50257x32x128xf32, #tpu.memory_space<hbm>> -> memref<81x1x128xf32, #tpu.memory_space<hbm>>
      %dma_wait3A_312 = tpu.memref_squeeze %dma_wait3A_311 : memref<81x1x128xf32, #tpu.memory_space<hbm>> -> memref<81x128xf32, #tpu.memory_space<hbm>>
      %dma_wait3A_313 = arith.constant 0 : i32
      %dma_wait3A_314 = arith.constant 1280 : i32
      %dma_wait3A_315 = tpu.memref_slice %arg9[%dma_wait3A_313, %dma_wait3A_314] : memref<81x2048xf32, #tpu.memory_space<vmem>> -> memref<81x128xf32, #tpu.memory_space<vmem>>
      tpu.wait_dma2 semaphore(%arg11 : memref<!tpu.dma_semaphore, #tpu.memory_space<semaphore_mem>>) src(%dma_wait3A_315 : memref<81x128xf32, #tpu.memory_space<vmem>>) dst(%dma_wait3A_312 : memref<81x128xf32, #tpu.memory_space<hbm>>)
      %dma_wait3A_316 = arith.constant 0 : i32
      %dma_wait3A_317 = tpu.memref_slice %arg4[%mul3A_231, %add3A_233, %dma_wait3A_316] : memref<50257x32x128xf32, #tpu.memory_space<hbm>> -> memref<81x1x128xf32, #tpu.memory_space<hbm>>
      %dma_wait3A_318 = tpu.memref_squeeze %dma_wait3A_317 : memref<81x1x128xf32, #tpu.memory_space<hbm>> -> memref<81x128xf32, #tpu.memory_space<hbm>>
      %dma_wait3A_319 = arith.constant 0 : i32
      %dma_wait3A_320 = arith.constant 1408 : i32
      %dma_wait3A_321 = tpu.memref_slice %arg9[%dma_wait3A_319, %dma_wait3A_320] : memref<81x2048xf32, #tpu.memory_space<vmem>> -> memref<81x128xf32, #tpu.memory_space<vmem>>
      tpu.wait_dma2 semaphore(%arg11 : memref<!tpu.dma_semaphore, #tpu.memory_space<semaphore_mem>>) src(%dma_wait3A_321 : memref<81x128xf32, #tpu.memory_space<vmem>>) dst(%dma_wait3A_318 : memref<81x128xf32, #tpu.memory_space<hbm>>)
      %dma_wait3A_322 = arith.constant 0 : i32
      %dma_wait3A_323 = tpu.memref_slice %arg4[%mul3A_235, %add3A_237, %dma_wait3A_322] : memref<50257x32x128xf32, #tpu.memory_space<hbm>> -> memref<81x1x128xf32, #tpu.memory_space<hbm>>
      %dma_wait3A_324 = tpu.memref_squeeze %dma_wait3A_323 : memref<81x1x128xf32, #tpu.memory_space<hbm>> -> memref<81x128xf32, #tpu.memory_space<hbm>>
      %dma_wait3A_325 = arith.constant 0 : i32
      %dma_wait3A_326 = arith.constant 1536 : i32
      %dma_wait3A_327 = tpu.memref_slice %arg9[%dma_wait3A_325, %dma_wait3A_326] : memref<81x2048xf32, #tpu.memory_space<vmem>> -> memref<81x128xf32, #tpu.memory_space<vmem>>
      tpu.wait_dma2 semaphore(%arg11 : memref<!tpu.dma_semaphore, #tpu.memory_space<semaphore_mem>>) src(%dma_wait3A_327 : memref<81x128xf32, #tpu.memory_space<vmem>>) dst(%dma_wait3A_324 : memref<81x128xf32, #tpu.memory_space<hbm>>)
      %dma_wait3A_328 = arith.constant 0 : i32
      %dma_wait3A_329 = tpu.memref_slice %arg4[%mul3A_239, %add3A_241, %dma_wait3A_328] : memref<50257x32x128xf32, #tpu.memory_space<hbm>> -> memref<81x1x128xf32, #tpu.memory_space<hbm>>
      %dma_wait3A_330 = tpu.memref_squeeze %dma_wait3A_329 : memref<81x1x128xf32, #tpu.memory_space<hbm>> -> memref<81x128xf32, #tpu.memory_space<hbm>>
      %dma_wait3A_331 = arith.constant 0 : i32
      %dma_wait3A_332 = arith.constant 1664 : i32
      %dma_wait3A_333 = tpu.memref_slice %arg9[%dma_wait3A_331, %dma_wait3A_332] : memref<81x2048xf32, #tpu.memory_space<vmem>> -> memref<81x128xf32, #tpu.memory_space<vmem>>
      tpu.wait_dma2 semaphore(%arg11 : memref<!tpu.dma_semaphore, #tpu.memory_space<semaphore_mem>>) src(%dma_wait3A_333 : memref<81x128xf32, #tpu.memory_space<vmem>>) dst(%dma_wait3A_330 : memref<81x128xf32, #tpu.memory_space<hbm>>)
      %dma_wait3A_334 = arith.constant 0 : i32
      %dma_wait3A_335 = tpu.memref_slice %arg4[%mul3A_243, %add3A_245, %dma_wait3A_334] : memref<50257x32x128xf32, #tpu.memory_space<hbm>> -> memref<81x1x128xf32, #tpu.memory_space<hbm>>
      %dma_wait3A_336 = tpu.memref_squeeze %dma_wait3A_335 : memref<81x1x128xf32, #tpu.memory_space<hbm>> -> memref<81x128xf32, #tpu.memory_space<hbm>>
      %dma_wait3A_337 = arith.constant 0 : i32
      %dma_wait3A_338 = arith.constant 1792 : i32
      %dma_wait3A_339 = tpu.memref_slice %arg9[%dma_wait3A_337, %dma_wait3A_338] : memref<81x2048xf32, #tpu.memory_space<vmem>> -> memref<81x128xf32, #tpu.memory_space<vmem>>
      tpu.wait_dma2 semaphore(%arg11 : memref<!tpu.dma_semaphore, #tpu.memory_space<semaphore_mem>>) src(%dma_wait3A_339 : memref<81x128xf32, #tpu.memory_space<vmem>>) dst(%dma_wait3A_336 : memref<81x128xf32, #tpu.memory_space<hbm>>)
      %dma_wait3A_340 = arith.constant 0 : i32
      %dma_wait3A_341 = tpu.memref_slice %arg4[%mul3A_247, %add3A_249, %dma_wait3A_340] : memref<50257x32x128xf32, #tpu.memory_space<hbm>> -> memref<81x1x128xf32, #tpu.memory_space<hbm>>
      %dma_wait3A_342 = tpu.memref_squeeze %dma_wait3A_341 : memref<81x1x128xf32, #tpu.memory_space<hbm>> -> memref<81x128xf32, #tpu.memory_space<hbm>>
      %dma_wait3A_343 = arith.constant 0 : i32
      %dma_wait3A_344 = arith.constant 1920 : i32
      %dma_wait3A_345 = tpu.memref_slice %arg9[%dma_wait3A_343, %dma_wait3A_344] : memref<81x2048xf32, #tpu.memory_space<vmem>> -> memref<81x128xf32, #tpu.memory_space<vmem>>
      tpu.wait_dma2 semaphore(%arg11 : memref<!tpu.dma_semaphore, #tpu.memory_space<semaphore_mem>>) src(%dma_wait3A_345 : memref<81x128xf32, #tpu.memory_space<vmem>>) dst(%dma_wait3A_342 : memref<81x128xf32, #tpu.memory_space<hbm>>)
    } else {
    }
    return
  }
  func.func @transform_0(%arg0: i32, %arg1: i32) -> (i32, i32) {
    %c0_i32 = arith.constant 0 : i32
    %c0_i32_0 = arith.constant 0 : i32
    %c0_i32_1 = arith.constant 0 : i32
    return %c0_i32, %c0_i32_0 : i32, i32
  }
  func.func @transform_1(%arg0: i32, %arg1: i32) -> (i32, i32) {
    %add3A = arith.addi %arg0, %arg1 : i32
    %min3A = arith.constant 49 : i32
    %min3A_0 = arith.minsi %add3A, %min3A : i32
    %c0_i32 = arith.constant 0 : i32
    %c0_i32_1 = arith.constant 0 : i32
    return %min3A_0, %c0_i32 : i32, i32
  }
}

</mosaic_0001>

<sc_bundles>
// kernel: kernel.5.cloned.1.call-start
scs
__scs_entry_jumppad:
0x0: {  	(pc) =	sbr.rel $0x88, $3  }
0x1: {  	(tag) =	ssettag $0x0;
	lr =	simm.s32 $0x1  }
0x2: {  	[smem:$0x3F9D] =	sst lr;
	_ =	strace $0xD0000000  }
0x3: {  	_ = 	snop  }
0x4: {  	_ = 	snop  }
0x5: {  	_ = 	snop  }
0x6: {  	_ = 	snop  }
0x7: {  	_ = 	snop  }
__scs_overlays_trampoline_lowered:
0x8: {  	[smem:$0x3FAC] =	sst s0  }
0x9: {  	[smem:$0x3FAD] =	sst s1  }
0xa: {  	[smem:$0x3FAE] =	sst s2  }
0xb: {  	[smem:$0x3FAF] =	sst s3  }
0xc: {  	[smem:$0x3FB0] =	sst s4  }
0xd: {  	[smem:$0x3FB1] =	sst s5  }
0xe: {  	[smem:$0x3FB2] =	sst s6  }
0xf: {  	[smem:$0x3FB3] =	sst s7  }
0x10: {  	[smem:$0x3FB4] =	sst s8  }
0x11: {  	[smem:$0x3FB5] =	sst s9;
	s0 =	simm.s32 @!p0 $0x0  }
0x12: {  	s1 =	sld [smem:$0x3F9B];
	s0 =	simm.s32 @p0 $0x1  }
0x13: {  	[smem:$0x3FB6] =	sst s0;
	s0 =	simm.s32 @!p1 $0x0  }
0x14: {  	s2 =	sld [smem:$0x3F9A];
	s0 =	simm.s32 @p1 $0x1  }
0x15: {  	[smem:$0x3FB7] =	sst s0;
	s0 =	simm.s32 @!p2 $0x0  }
0x16: {  	s3 =	sld [smem:$0x3FDB];
	s0 =	simm.s32 @p2 $0x1  }
0x17: {  	s4 =	simm.s32 $0x1BF5;
	[smem:$0x3FB9] =	sst s0  }
0x18: {  	s0 =	sld [smem:$0x3F9C];
	_ =	swait.ge [sflag:s4], $0x0  }
0x19: {  	s7 =	sld [smem:$0x3F9D]  }
0x1a: {  	s8 =	sadd.s32 $0xFFFFE003, lr  }
0x1b: {  	s9 =	sadd.s32 $0xFFFFFEF7, lr;
	s5 =	simm.s32 $0xFFFFFFFF;
	p2 =	slt.u32 s8, $0xFFFFF086  }
0x1c: {  	p1 =	slt.u32 s9, $0xF7A;
	s5 =	simm.s32 @!p2 $0x0  }
0x1d: {  	s5 =	simm.s32 @p1 $0x1;
	p0 =	seq.s32 s7, s2  }
0x1e: {  	s7 =	smul.u32 @!p0 $0xF7A, s2;
	p2 =	seq.s32 @!p0 s5, $0x0  }
0x1f: {  	s9 =	smul.u32 $0xF7A, s1;
	s8 =	simm.s32 @!p0 $0x1BF5;
	p2 =	por !p2, p0  }
0x20: {  	[sflag:s8] =	ssyncset.s32 @!p0 $0xFFFFF086;
	s6 =	sadd.s32 @!p0 s3, s7;
	s7 =	simm.s32 @!p0 $0x108  }
0x21: {  	s3 =	sadd.s32 s3, s9;
	s6 =	sadd.s32 @!p0 $0x88, s6;
	s7 =	simm.s32 @p2 $0x1082  }
0x22: {  	[simem:s7], [sflag:s8] =	dma.local @!p0 [hbm:s6], $0xF7A  }
0x23: {  	s9 =	sor.u32 $0xD0000000, s2;
	s6 =	simm.s32 $0x108;
	_ =	swait.ge @!p0 [sflag:s8], $0x0  }
0x24: {  	s3 =	sadd.s32 $0x88, s3;
	s6 =	simm.s32 @!p1 $0x1082;
	[sflag:s4] =	ssyncset.s32 $0xFFFFF086  }
0x25: {  	[simem:s6], [sflag:s4] =	dma.local [hbm:s3], $0xF7A  }
0x26: {  	[smem:$0x3F9D] =	sst s1;
	(tag) =	ssettag s2;
	_ =	strace s9  }
0x27: {  	s1 =	sld [smem:$0x3FAD]  }
0x28: {  	s2 =	sld [smem:$0x3FAE]  }
0x29: {  	s4 =	sld [smem:$0x3FB0]  }
0x2a: {  	p0 =	seq.s32 s5, $0x0;
	s5 =	sld [smem:$0x3FB1]  }
0x2b: {  	s6 =	sld [smem:$0x3FB2]  }
0x2c: {  	s7 =	sld [smem:$0x3FB3]  }
0x2d: {  	s3 =	simm.s32 $0x108;
	s8 =	sld [smem:$0x3FB4]  }
0x2e: {  	s3 =	simm.s32 @!p0 $0x1082;
	s9 =	sld [smem:$0x3FB5]  }
0x2f: {  	lr =	sadd.s32 s0, s3;
	s0 =	sld [smem:$0x3FAC]  }
0x30: {  	s3 =	sld [smem:$0x3FAF]  }
0x31: {  	[smem:$0x3FB8] =	sst s10  }
0x32: {  	s10 =	sld [smem:$0x3FB6];
	_ =	sdelay $0x3  }
0x33: {  	p0 =	seq.s32 s10, $0x1;
	s10 =	sld [smem:$0x3FB8];
	_ =	sdelay $0x3  }
0x34: {  	[smem:$0x3FB8] =	sst s10  }
0x35: {  	s10 =	sld [smem:$0x3FB7];
	_ =	sdelay $0x3  }
0x36: {  	p1 =	seq.s32 s10, $0x1;
	s10 =	sld [smem:$0x3FB8];
	_ =	sdelay $0x3  }
0x37: {  	[smem:$0x3FB8] =	sst s10  }
0x38: {  	s10 =	sld [smem:$0x3FB9]  }
0x39: {  	_ = 	snop;
	(pc) =	sbr.ind lr, $3  }
0x3a: {  	_ = 	snop  }
0x3b: {  	_ = 	snop  }
0x3c: {  	p2 =	seq.s32 s10, $0x1;
	s10 =	sld [smem:$0x3FB8]  }
0x3d: {  	_ =	shalt  }
0x3e: {  	_ =	shalt  }
0x3f: {  	_ =	shalt  }
0x40: {  	_ =	shalt  }
0x41: {  	_ =	shalt  }
0x42: {  	_ =	shalt  }
0x43: {  	_ =	shalt  }
0x44: {  	_ =	shalt  }
0x45: {  	_ =	shalt  }
0x46: {  	_ =	shalt  }
0x47: {  	_ =	shalt  }
0x48: {  	_ =	shalt  }
0x49: {  	_ =	shalt  }
0x4a: {  	_ =	shalt  }
0x4b: {  	_ =	shalt  }
0x4c: {  	_ =	shalt  }
0x4d: {  	_ =	shalt  }
0x4e: {  	_ =	shalt  }
0x4f: {  	_ =	shalt  }
0x50: {  	_ =	shalt  }
0x51: {  	_ =	shalt  }
0x52: {  	_ =	shalt  }
0x53: {  	_ =	shalt  }
0x54: {  	_ =	shalt  }
0x55: {  	_ =	shalt  }
0x56: {  	_ =	shalt  }
0x57: {  	_ =	shalt  }
0x58: {  	_ =	shalt  }
0x59: {  	_ =	shalt  }
0x5a: {  	_ =	shalt  }
0x5b: {  	_ =	shalt  }
0x5c: {  	_ =	shalt  }
0x5d: {  	_ =	shalt  }
0x5e: {  	_ =	shalt  }
0x5f: {  	_ =	shalt  }
0x60: {  	_ =	shalt  }
0x61: {  	_ =	shalt  }
0x62: {  	_ =	shalt  }
0x63: {  	_ =	shalt  }
0x64: {  	_ =	shalt  }
0x65: {  	_ =	shalt  }
0x66: {  	_ =	shalt  }
0x67: {  	_ =	shalt  }
0x68: {  	_ =	shalt  }
0x69: {  	_ =	shalt  }
0x6a: {  	_ =	shalt  }
0x6b: {  	_ =	shalt  }
0x6c: {  	_ =	shalt  }
0x6d: {  	_ =	shalt  }
0x6e: {  	_ =	shalt  }
0x6f: {  	_ =	shalt  }
0x70: {  	_ =	shalt  }
0x71: {  	_ =	shalt  }
0x72: {  	_ =	shalt  }
0x73: {  	_ =	shalt  }
0x74: {  	_ =	shalt  }
0x75: {  	_ =	shalt  }
0x76: {  	_ =	shalt  }
0x77: {  	_ =	shalt  }
0x78: {  	_ =	shalt  }
0x79: {  	_ =	shalt  }
0x7a: {  	_ =	shalt  }
0x7b: {  	_ =	shalt  }
0x7c: {  	_ =	shalt  }
0x7d: {  	_ =	shalt  }
0x7e: {  	_ =	shalt  }
0x7f: {  	_ =	shalt  }
0x80: {  	_ =	shalt  }
0x81: {  	_ =	shalt  }
0x82: {  	_ =	shalt  }
0x83: {  	_ =	shalt  }
0x84: {  	_ =	shalt  }
0x85: {  	_ =	shalt  }
0x86: {  	_ =	shalt  }
0x87: {  	_ =	shalt  }
.Lfunc_end0:
.L_simem_size_0:
called_computation_lowered:
.L_overlay_start_0:
0x88: {  	s2 =	sld [smem:$0x3FD9]  }
0x89: {  	s3 =	sld [smem:$0x3FFE];
	_ =	sdelay $0x1  }
0x8a: {  	s1 =	srdreg.scid  }
0x8b: {  	s0 =	sand.u32 $0x1, s1  }
0x8c: {  	s17 =	sshll.u32 s0, $0xA;
	s2 =	sadd.s32 s3, s2  }
0x8d: {  	s2 =	sadd.s32 s2, s17  }
0x8e: {  	[smem:$0x3FC4] =	sst s2  }
0x8f: {  	_ = 	snop  }
0x90: {  	s2 =	sld [smem:$0x3FC8]  }
0x91: {  	s18 =	sld [smem:$0x3FD0];
	(tm) =	ssettm $0x1  }
0x92: {  	s4 =	sld [smem:$0x3FFB];
	_ =	sdelay $0x3  }
0x93: {  	_ =	strace s4  }
0x94: {  	s4 =	sld [smem:$0x3FFC];
	_ =	sdelay $0x3  }
0x95: {  	_ =	strace s4  }
0x96: {  	s4 =	sld [smem:$0x3FFD];
	_ =	sdelay $0x3  }
0x97: {  	_ =	strace s4  }
0x98: {  	_ =	strace $0x8FFFFFFF  }
0x99: {  	s19 =	sld [smem:$0x3FDB];
	_ =	sdelay $0x1  }
0x9a: {  	s5 =	simm.s32 $_scs_section_size  }
0x9b: {  	s6 =	simm.s32 $_size__tile_overlayer_lowered;
	s7 =	simm.s32 $_tile_overlayer_lowered  }
0x9c: {  	s22 =	simm.s32 $0x1BFF;
	s21 =	sshll.u32 s7, $0x1;
	s4 =	sadd.s32 s5, s19  }
0x9d: {  	s8 =	simm.s32 $0x0;
	s20 =	sshll.u32 s6, $0x1;
	s6 =	sadd.s32 s21, s4  }
0x9e: {  	[timem:s8], [sflag:s22] =	dma.local [hbm:s6], s20  }
0x9f: {  	_ =	swait.ge [sflag:s22], s20  }
0xa0: {  	s5 =	ssub.s32 $0x0, s20;
	[sflag:s22] =	ssyncset.done $0x0  }
0xa1: {  	[sflag:s22] =	ssyncadd.s32 s5;
	_ =	sdelay $0x1  }
0xa2: {  	s23 =	simm.s32 $0x1B8B  }
0xa3: {  	_ =	swait.ge [sflag:s23], $0x1  }
0xa4: {  	[sflag:s23] =	ssyncset.done $0x0  }
0xa5: {  	s25 =	simm.s32 $0x1B8E;
	s24 =	sld [smem:$0x3FFE];
	[sflag:s23] =	ssyncadd.s32 $0xFFFFFFFF  }
0xa6: {  	s26 =	simm.s32 $execute0_lowered;
	[smem:$0x3FD2] =	sst s25  }
0xa7: {  	s6 =	sshll.u32 s26, $0x1;
	_ =	strace $0x80000046;
	[dreg:$0x1] =	wrdreg $0xFFFFFFFF  }
0xa8: {  	s28 =	simm.s32 $_size_execute0_lowered;
	s4 =	sadd.s32 s4, s6;
	[dreg:$0x0] =	wrdreg $0x0  }
0xa9: {  	s6 =	sshll.u32 s28, $0x1;
	[dreg:$0x2] =	wrdreg s4  }
0xaa: {  	[dreg:$0x3] =	wrdreg s6  }
0xab: {  	[dreg:$0x4] =	wrdreg $0xC0  }
0xac: {  	_ =	task [dreg:s8], $0x5FFFF  }
0xad: {  	[dreg:$0x1] =	wrdreg $0xFFFFFFFF  }
0xae: {  	[dreg:$0x0] =	wrdreg $0x60  }
0xaf: {  	[dreg:$0x2] =	wrdreg s2  }
0xb0: {  	[dreg:$0x3] =	wrdreg s24  }
0xb1: {  	[dreg:$0x4] =	wrdreg s18  }
0xb2: {  	[dreg:$0x5] =	wrdreg $0x9  }
0xb3: {  	_ =	task.clear_ibuf [dreg:s8], $0x6FFFF;
	_ =	strace $0x90000046  }
0xb4: {  	s29 =	simm.s32 $0x9;
	_ =	strace $0x80000048  }
0xb5: {  	_ =	swait.ge [sflag:s29], $0x1  }
0xb6: {  	[sflag:s29] =	ssyncadd.s32 $0xFFFFFFFF  }
0xb7: {  	_ =	strace $0x90000048  }
0xb8: {  	_ =	sfence  }
0xb9: {  	s30 =	sld [smem:$0x0];
	_ =	sdelay $0x2  }
0xba: {  	s31 =	sshll.u32 s1, $0xD;
	s1 =	sshrl.u32 s1, $0x2  }
0xbb: {  	s3 =	sand.u32 $0x4000, s31;
	s1 =	sadd.s32 s1, s30  }
0xbc: {  	s0 =	sor.u32 s3, s0;
	s1 =	sshll.u32 s1, $0x11  }
0xbd: {  	s0 =	sor.u32 s1, s0  }
0xbe: {  	s0 =	sadd.s32 $0x8F2B, s0  }
0xbf: {  	[sflag:s0] =	ssyncadd.remote.s32 $0x1  }
0xc0: {  	_ =	sfence.sel $0xFFFF  }
0xc1: {  	[dreg:$0x0] =	wrdreg $0xFFFFFFFF;
	(pc) =	sbr.abs _section_cstart, $3  }
0xc2: {  	[dreg:$0x1] =	wrdreg $0xFFFFFFFF  }
0xc3: {  	_ =	task.clear_ibuf [dreg:s8], $0x2FFFF;
	_ =	strace $0x9FFFFFFF  }
0xc4: {  	(tm) =	ssettm $0x7FFFFFFF  }
0xc5: {  	_ =	shalt  }
tec
execute0_lowered:
.L_overlay_start_1:
0x0: {  	(tag) =	ssettag $0x1  }
0x1: {  	s1 =	rddreg [dreg:$0x0]  }
0x2: {  	s4 =	rddreg [dreg:$0x1]  }
0x3: {  	s5 =	rddreg [dreg:$0x2];
	s3 =	simm.s32 $0x0  }
0x4: {  	s24 =	simm.s32 $0x880;
	[smem:$0x7FF] =	sst s3  }
0x5: {  	s25 =	simm.s32 $0x1080;
	_ =	strace $0x80000047;
	[dreg:$0x6] =	wrdreg s24  }
0x6: {  	s0 =	stileid.u32;
	s26 =	simm.s32 $0x1880;
	[dreg:$0x7] =	wrdreg s25  }
0x7: {  	s6 =	sshll.u32 s0, $0x5;
	s0 =	simm.s32 $0x2080;
	[dreg:$0x8] =	wrdreg s26  }
0x8: {  	s8 =	simm.s32 $0x4080;
	[dreg:$0x9] =	wrdreg s0  }
0x9: {  	s9 =	simm.s32 $0x4880;
	[dreg:$0xd] =	wrdreg s8  }
0xa: {  	s10 =	simm.s32 $0x5080;
	[dreg:$0xe] =	wrdreg s9  }
0xb: {  	s11 =	simm.s32 $0x5880;
	[dreg:$0xf] =	wrdreg s10  }
0xc: {  	s12 =	simm.s32 $0x6080;
	[dreg:$0x10] =	wrdreg s11  }
0xd: {  	s13 =	simm.s32 $0x6880;
	[dreg:$0x11] =	wrdreg s12  }
0xe: {  	s14 =	simm.s32 $0x7080;
	[dreg:$0x12] =	wrdreg s13  }
0xf: {  	s2 =	srdreg.scid;
	s15 =	simm.s32 $0x7880;
	[dreg:$0x13] =	wrdreg s14  }
0x10: {  	s16 =	simm.s32 $0x8080;
	s17 =	simm.s32 $0x8880;
	[dreg:$0x14] =	wrdreg s15  }
0x11: {  	s18 =	simm.s32 $0x9080;
	s20 =	simm.s32 $0x9880;
	[dreg:$0x15] =	wrdreg s16  }
0x12: {  	s21 =	simm.s32 $0xA080;
	s22 =	simm.s32 $0xA880;
	[dreg:$0x16] =	wrdreg s17  }
0x13: {  	s28 =	simm.s32 $0x16080;
	s29 =	simm.s32 $0x16880;
	[dreg:$0x17] =	wrdreg s18  }
0x14: {  	s30 =	simm.s32 $0x17080;
	s2 =	sand.u32 $0x1, s2;
	[dreg:$0x18] =	wrdreg s20  }
0x15: {  	s31 =	simm.s32 $0x17880;
	s7 =	sshll.u32 s2, $0x4;
	[dreg:$0x19] =	wrdreg s21  }
0x16: {  	s2 =	ssub.s32 $0x2, s2;
	[dreg:$0x1a] =	wrdreg s22;
	s24 =	simm.s32 $0xB880  }
0x17: {  	s25 =	simm.s32 $0xC080;
	s8 =	simm.s32 $0x80;
	s26 =	simm.s32 $0xC880  }
0x18: {  	s10 =	simm.s32 $0xD880;
	s11 =	simm.s32 $0xE080;
	s12 =	simm.s32 $0xE880  }
0x19: {  	s13 =	simm.s32 $0xF080;
	s14 =	simm.s32 $0xF880;
	s15 =	simm.s32 $0x10080  }
0x1a: {  	s16 =	simm.s32 $0x10880;
	s17 =	simm.s32 $0x11080;
	s18 =	simm.s32 $0x11880  }
0x1b: {  	s20 =	simm.s32 $0x12880;
	s21 =	simm.s32 $0x13080;
	[dreg:$0x1c] =	wrdreg s24  }
0x1c: {  	s22 =	simm.s32 $0x13880;
	s6 =	sor.u32 s7, s6;
	[dreg:$0x1d] =	wrdreg s25  }
0x1d: {  	s7 =	simm.s32 $0x3880;
	s19 =	sshrl.u32 s2, $0x1;
	[dreg:$0x1e] =	wrdreg s26  }
0x1e: {  	s24 =	simm.s32 $0x14880;
	s4 =	sadd.s32 s6, s4;
	s6 =	smul.u32 $0x300, s6  }
0x1f: {  	s25 =	simm.s32 $0x15080;
	[dreg:$0xc] =	wrdreg s7;
	s4 =	sadd.s32 $0x600, s4  }
0x20: {  	s26 =	simm.s32 $0x15880;
	[dreg:$0x4] =	wrdreg s4;
	s23 =	sadd.s32 s5, s6  }
0x21: {  	s2 =	ssub.s32 s2, s19;
	s5 =	simm.s32 $0x2880;
	[dreg:$0x5] =	wrdreg s23  }
0x22: {  	s7 =	simm.s32 $0x2;
	s6 =	simm.s32 $0x3080;
	[dreg:$0xa] =	wrdreg s5  }
0x23: {  	v2 =	vlaneseq.u32;
	s19 =	simm.s32 $0x12080;
	s4 =	sadd.s32 $0x100, s1;
	[dreg:$0xb] =	wrdreg s6  }
0x24: {  	vm0 =	vmmov $0xffff;
	v1 =	vshrl.u32 v2, $0x3;
	s5 =	sadd.s32 $0x200, s1;
	s23 =	simm.s32 $0xB080;
	s6 =	smax.u32 s2, $0x1  }
0x25: {  	v0 =	vand.u32 $0x7, v2;
	v2 =	vor.u32 $0x8, v2;
	v1 =	vmul.u32 $0x8, v1;
	s2 =	simm.s32 $0x1;
	[dreg:$0x1b] =	wrdreg s23;
	s23 =	simm.s32 $0x14080  }
.LBB2_1:
0x26: {  	s0 =	rddreg [dreg:$0x4]  }
0x27: {  	[tilespmem:s3], [sflag:$0x2] =	stream.linear.gather [hbm4b:s0+s3], $0x80, $0x38;
	[tilespmem:$0x18080] =	vst v63  }
0x28: {  	_ =	swait.ge [sflag:s7], $0x80  }
0x29: {  	[sflag:s7] =	ssyncset.done $0x0  }
0x2a: {  	[sflag:s7] =	ssyncadd.s32 $0xFFFFFF80  }
0x2b: {  	v3 =	vld [tilespmem:$0x0];
	_ =	sdelay $0x4  }
0x2c: {  	v4 =	vshrl.u32 v3, $0x3  }
0x2d: {  	v4 =	vmul.u32 $0x30, v4  }
0x2e: {  	v3 =	vand.u32 $0x7, v3  }
0x2f: {  	v3 =	vor.u32 v3, v4  }
0x30: {  	v4 =	vperm.xlane v3, v0;
	_ =	sdelay $0x1  }
0x31: {  	v4 =	vadd.s32 v1, v4;
	_ =	sdelay $0x3  }
0x32: {  	v3 =	vperm.xlane v3, v2  }
0x33: {  	[tilespmem:s8], [sflag:$0x1] =	stream.indirect_vreg.gather [hbm4b:s1+s3], $0x80, v4, vm0, $0xb8;
	[tilespmem:$0x18080] =	vst v63  }
0x34: {  	s0 =	rddreg [dreg:$0x6];
	v3 =	vadd.s32 v1, v3  }
0x35: {  	[tilespmem:s0], [sflag:$0x1] =	stream.indirect_vreg.gather [hbm4b:s4+s3], $0x80, v4, vm0, $0xb8;
	[tilespmem:$0x18080] =	vst v63  }
0x36: {  	s9 =	rddreg [dreg:$0x7]  }
0x37: {  	[tilespmem:s9], [sflag:$0x1] =	stream.indirect_vreg.gather [hbm4b:s5+s3], $0x80, v4, vm0, $0xb8;
	[tilespmem:$0x18080] =	vst v63  }
0x38: {  	s0 =	rddreg [dreg:$0x8]  }
0x39: {  	[tilespmem:s0], [sflag:$0x1] =	stream.indirect_vreg.gather [hbm4b:s1+s3], $0x80, v3, vm0, $0xb8;
	[tilespmem:$0x18080] =	vst v63  }
0x3a: {  	s9 =	rddreg [dreg:$0x9]  }
0x3b: {  	[tilespmem:s9], [sflag:$0x1] =	stream.indirect_vreg.gather [hbm4b:s4+s3], $0x80, v3, vm0, $0xb8;
	[tilespmem:$0x18080] =	vst v63  }
0x3c: {  	s0 =	rddreg [dreg:$0xa]  }
0x3d: {  	[tilespmem:s0], [sflag:$0x1] =	stream.indirect_vreg.gather [hbm4b:s5+s3], $0x80, v3, vm0, $0xb8;
	[tilespmem:$0x18080] =	vst v63  }
0x3e: {  	v3 =	vld [tilespmem:$0x10];
	_ =	sdelay $0x4  }
0x3f: {  	v57 =	vshrl.u32 v3, $0x3  }
0x40: {  	v4 =	vmul.u32 $0x30, v57  }
0x41: {  	v3 =	vand.u32 $0x7, v3  }
0x42: {  	v3 =	vor.u32 v3, v4  }
0x43: {  	v4 =	vperm.xlane v3, v0;
	_ =	sdelay $0x1  }
0x44: {  	v4 =	vadd.s32 v1, v4;
	_ =	sdelay $0x3  }
0x45: {  	s0 =	rddreg [dreg:$0xb];
	v3 =	vperm.xlane v3, v2  }
0x46: {  	[tilespmem:s0], [sflag:$0x1] =	stream.indirect_vreg.gather [hbm4b:s1+s3], $0x80, v4, vm0, $0xb8;
	[tilespmem:$0x18080] =	vst v63  }
0x47: {  	s9 =	rddreg [dreg:$0xc];
	v3 =	vadd.s32 v1, v3  }
0x48: {  	[tilespmem:s9], [sflag:$0x1] =	stream.indirect_vreg.gather [hbm4b:s4+s3], $0x80, v4, vm0, $0xb8;
	[tilespmem:$0x18080] =	vst v63  }
0x49: {  	s0 =	rddreg [dreg:$0xd]  }
0x4a: {  	[tilespmem:s0], [sflag:$0x1] =	stream.indirect_vreg.gather [hbm4b:s5+s3], $0x80, v4, vm0, $0xb8;
	[tilespmem:$0x18080] =	vst v63  }
0x4b: {  	s9 =	rddreg [dreg:$0xe]  }
0x4c: {  	[tilespmem:s9], [sflag:$0x1] =	stream.indirect_vreg.gather [hbm4b:s1+s3], $0x80, v3, vm0, $0xb8;
	[tilespmem:$0x18080] =	vst v63  }
0x4d: {  	s0 =	rddreg [dreg:$0xf]  }
0x4e: {  	[tilespmem:s0], [sflag:$0x1] =	stream.indirect_vreg.gather [hbm4b:s4+s3], $0x80, v3, vm0, $0xb8;
	[tilespmem:$0x18080] =	vst v63  }
0x4f: {  	s9 =	rddreg [dreg:$0x10]  }
0x50: {  	[tilespmem:s9], [sflag:$0x1] =	stream.indirect_vreg.gather [hbm4b:s5+s3], $0x80, v3, vm0, $0xb8;
	[tilespmem:$0x18080] =	vst v63  }
0x51: {  	v3 =	vld [tilespmem:$0x20];
	_ =	sdelay $0x4  }
0x52: {  	v58 =	vshrl.u32 v3, $0x3  }
0x53: {  	v4 =	vmul.u32 $0x30, v58  }
0x54: {  	v3 =	vand.u32 $0x7, v3  }
0x55: {  	v3 =	vor.u32 v3, v4  }
0x56: {  	v4 =	vperm.xlane v3, v0;
	_ =	sdelay $0x1  }
0x57: {  	v4 =	vadd.s32 v1, v4;
	_ =	sdelay $0x3  }
0x58: {  	s0 =	rddreg [dreg:$0x11];
	v3 =	vperm.xlane v3, v2  }
0x59: {  	[tilespmem:s0], [sflag:$0x1] =	stream.indirect_vreg.gather [hbm4b:s1+s3], $0x80, v4, vm0, $0xb8;
	[tilespmem:$0x18080] =	vst v63  }
0x5a: {  	s9 =	rddreg [dreg:$0x12];
	v3 =	vadd.s32 v1, v3  }
0x5b: {  	[tilespmem:s9], [sflag:$0x1] =	stream.indirect_vreg.gather [hbm4b:s4+s3], $0x80, v4, vm0, $0xb8;
	[tilespmem:$0x18080] =	vst v63  }
0x5c: {  	s0 =	rddreg [dreg:$0x13]  }
0x5d: {  	[tilespmem:s0], [sflag:$0x1] =	stream.indirect_vreg.gather [hbm4b:s5+s3], $0x80, v4, vm0, $0xb8;
	[tilespmem:$0x18080] =	vst v63  }
0x5e: {  	s9 =	rddreg [dreg:$0x14]  }
0x5f: {  	[tilespmem:s9], [sflag:$0x1] =	stream.indirect_vreg.gather [hbm4b:s1+s3], $0x80, v3, vm0, $0xb8;
	[tilespmem:$0x18080] =	vst v63  }
0x60: {  	s0 =	rddreg [dreg:$0x15]  }
0x61: {  	[tilespmem:s0], [sflag:$0x1] =	stream.indirect_vreg.gather [hbm4b:s4+s3], $0x80, v3, vm0, $0xb8;
	[tilespmem:$0x18080] =	vst v63  }
0x62: {  	s9 =	rddreg [dreg:$0x16]  }
0x63: {  	[tilespmem:s9], [sflag:$0x1] =	stream.indirect_vreg.gather [hbm4b:s5+s3], $0x80, v3, vm0, $0xb8;
	[tilespmem:$0x18080] =	vst v63  }
0x64: {  	v3 =	vld [tilespmem:$0x30];
	_ =	sdelay $0x4  }
0x65: {  	v59 =	vshrl.u32 v3, $0x3  }
0x66: {  	v4 =	vmul.u32 $0x30, v59  }
0x67: {  	v3 =	vand.u32 $0x7, v3  }
0x68: {  	v3 =	vor.u32 v3, v4  }
0x69: {  	v4 =	vperm.xlane v3, v0;
	_ =	sdelay $0x1  }
0x6a: {  	v4 =	vadd.s32 v1, v4;
	_ =	sdelay $0x3  }
0x6b: {  	s0 =	rddreg [dreg:$0x17];
	v3 =	vperm.xlane v3, v2  }
0x6c: {  	[tilespmem:s0], [sflag:$0x1] =	stream.indirect_vreg.gather [hbm4b:s1+s3], $0x80, v4, vm0, $0xb8;
	[tilespmem:$0x18080] =	vst v63  }
0x6d: {  	s9 =	rddreg [dreg:$0x18];
	v3 =	vadd.s32 v1, v3  }
0x6e: {  	[tilespmem:s9], [sflag:$0x1] =	stream.indirect_vreg.gather [hbm4b:s4+s3], $0x80, v4, vm0, $0xb8;
	[tilespmem:$0x18080] =	vst v63  }
0x6f: {  	s0 =	rddreg [dreg:$0x19]  }
0x70: {  	[tilespmem:s0], [sflag:$0x1] =	stream.indirect_vreg.gather [hbm4b:s5+s3], $0x80, v4, vm0, $0xb8;
	[tilespmem:$0x18080] =	vst v63  }
0x71: {  	s9 =	rddreg [dreg:$0x1a]  }
0x72: {  	[tilespmem:s9], [sflag:$0x1] =	stream.indirect_vreg.gather [hbm4b:s1+s3], $0x80, v3, vm0, $0xb8;
	[tilespmem:$0x18080] =	vst v63  }
0x73: {  	s0 =	rddreg [dreg:$0x1b]  }
0x74: {  	[tilespmem:s0], [sflag:$0x1] =	stream.indirect_vreg.gather [hbm4b:s4+s3], $0x80, v3, vm0, $0xb8;
	[tilespmem:$0x18080] =	vst v63  }
0x75: {  	s9 =	rddreg [dreg:$0x1c]  }
0x76: {  	[tilespmem:s9], [sflag:$0x1] =	stream.indirect_vreg.gather [hbm4b:s5+s3], $0x80, v3, vm0, $0xb8;
	[tilespmem:$0x18080] =	vst v63  }
0x77: {  	v3 =	vld [tilespmem:$0x40];
	_ =	sdelay $0x4  }
0x78: {  	v60 =	vshrl.u32 v3, $0x3  }
0x79: {  	v4 =	vmul.u32 $0x30, v60  }
0x7a: {  	v3 =	vand.u32 $0x7, v3  }
0x7b: {  	v3 =	vor.u32 v3, v4  }
0x7c: {  	v4 =	vperm.xlane v3, v0;
	_ =	sdelay $0x1  }
0x7d: {  	v4 =	vadd.s32 v1, v4;
	_ =	sdelay $0x3  }
0x7e: {  	s0 =	rddreg [dreg:$0x1d];
	v3 =	vperm.xlane v3, v2  }
0x7f: {  	[tilespmem:s0], [sflag:$0x1] =	stream.indirect_vreg.gather [hbm4b:s1+s3], $0x80, v4, vm0, $0xb8;
	[tilespmem:$0x18080] =	vst v63  }
0x80: {  	s9 =	rddreg [dreg:$0x1e];
	v3 =	vadd.s32 v1, v3  }
0x81: {  	[tilespmem:s9], [sflag:$0x1] =	stream.indirect_vreg.gather [hbm4b:s4+s3], $0x80, v4, vm0, $0xb8;
	[tilespmem:$0x18080] =	vst v63  }
0x82: {  	s9 =	simm.s32 $0xD080  }
0x83: {  	[tilespmem:s9], [sflag:$0x1] =	stream.indirect_vreg.gather [hbm4b:s5+s3], $0x80, v4, vm0, $0xb8;
	[tilespmem:$0x18080] =	vst v63  }
0x84: {  	_ = 	snop  }
0x85: {  	[tilespmem:s10], [sflag:$0x1] =	stream.indirect_vreg.gather [hbm4b:s1+s3], $0x80, v3, vm0, $0xb8;
	[tilespmem:$0x18080] =	vst v63  }
0x86: {  	_ = 	snop  }
0x87: {  	[tilespmem:s11], [sflag:$0x1] =	stream.indirect_vreg.gather [hbm4b:s4+s3], $0x80, v3, vm0, $0xb8;
	[tilespmem:$0x18080] =	vst v63  }
0x88: {  	_ = 	snop  }
0x89: {  	[tilespmem:s12], [sflag:$0x1] =	stream.indirect_vreg.gather [hbm4b:s5+s3], $0x80, v3, vm0, $0xb8;
	[tilespmem:$0x18080] =	vst v63  }
0x8a: {  	v3 =	vld [tilespmem:$0x50];
	_ =	sdelay $0x4  }
0x8b: {  	v61 =	vshrl.u32 v3, $0x3  }
0x8c: {  	v4 =	vmul.u32 $0x30, v61  }
0x8d: {  	v3 =	vand.u32 $0x7, v3  }
0x8e: {  	v3 =	vor.u32 v3, v4  }
0x8f: {  	v4 =	vperm.xlane v3, v0;
	_ =	sdelay $0x1  }
0x90: {  	v4 =	vadd.s32 v1, v4;
	_ =	sdelay $0x3  }
0x91: {  	v3 =	vperm.xlane v3, v2  }
0x92: {  	[tilespmem:s13], [sflag:$0x1] =	stream.indirect_vreg.gather [hbm4b:s1+s3], $0x80, v4, vm0, $0xb8;
	[tilespmem:$0x18080] =	vst v63  }
0x93: {  	v3 =	vadd.s32 v1, v3  }
0x94: {  	[tilespmem:s14], [sflag:$0x1] =	stream.indirect_vreg.gather [hbm4b:s4+s3], $0x80, v4, vm0, $0xb8;
	[tilespmem:$0x18080] =	vst v63  }
0x95: {  	_ = 	snop  }
0x96: {  	[tilespmem:s15], [sflag:$0x1] =	stream.indirect_vreg.gather [hbm4b:s5+s3], $0x80, v4, vm0, $0xb8;
	[tilespmem:$0x18080] =	vst v63  }
0x97: {  	_ = 	snop  }
0x98: {  	[tilespmem:s16], [sflag:$0x1] =	stream.indirect_vreg.gather [hbm4b:s1+s3], $0x80, v3, vm0, $0xb8;
	[tilespmem:$0x18080] =	vst v63  }
0x99: {  	_ = 	snop  }
0x9a: {  	[tilespmem:s17], [sflag:$0x1] =	stream.indirect_vreg.gather [hbm4b:s4+s3], $0x80, v3, vm0, $0xb8;
	[tilespmem:$0x18080] =	vst v63  }
0x9b: {  	_ = 	snop  }
0x9c: {  	[tilespmem:s18], [sflag:$0x1] =	stream.indirect_vreg.gather [hbm4b:s5+s3], $0x80, v3, vm0, $0xb8;
	[tilespmem:$0x18080] =	vst v63  }
0x9d: {  	v3 =	vld [tilespmem:$0x60];
	_ =	sdelay $0x4  }
0x9e: {  	v62 =	vshrl.u32 v3, $0x3  }
0x9f: {  	v4 =	vmul.u32 $0x30, v62  }
0xa0: {  	v3 =	vand.u32 $0x7, v3  }
0xa1: {  	v3 =	vor.u32 v3, v4  }
0xa2: {  	v4 =	vperm.xlane v3, v0;
	_ =	sdelay $0x1  }
0xa3: {  	v4 =	vadd.s32 v1, v4;
	_ =	sdelay $0x3  }
0xa4: {  	v3 =	vperm.xlane v3, v2  }
0xa5: {  	[tilespmem:s19], [sflag:$0x1] =	stream.indirect_vreg.gather [hbm4b:s1+s3], $0x80, v4, vm0, $0xb8;
	[tilespmem:$0x18080] =	vst v63  }
0xa6: {  	v3 =	vadd.s32 v1, v3  }
0xa7: {  	[tilespmem:s20], [sflag:$0x1] =	stream.indirect_vreg.gather [hbm4b:s4+s3], $0x80, v4, vm0, $0xb8;
	[tilespmem:$0x18080] =	vst v63  }
0xa8: {  	_ = 	snop  }
0xa9: {  	[tilespmem:s21], [sflag:$0x1] =	stream.indirect_vreg.gather [hbm4b:s5+s3], $0x80, v4, vm0, $0xb8;
	[tilespmem:$0x18080] =	vst v63  }
0xaa: {  	_ = 	snop  }
0xab: {  	[tilespmem:s22], [sflag:$0x1] =	stream.indirect_vreg.gather [hbm4b:s1+s3], $0x80, v3, vm0, $0xb8;
	[tilespmem:$0x18080] =	vst v63  }
0xac: {  	_ = 	snop  }
0xad: {  	[tilespmem:s23], [sflag:$0x1] =	stream.indirect_vreg.gather [hbm4b:s4+s3], $0x80, v3, vm0, $0xb8;
	[tilespmem:$0x18080] =	vst v63  }
0xae: {  	_ = 	snop  }
0xaf: {  	[tilespmem:s24], [sflag:$0x1] =	stream.indirect_vreg.gather [hbm4b:s5+s3], $0x80, v3, vm0, $0xb8;
	[tilespmem:$0x18080] =	vst v63  }
0xb0: {  	v3 =	vld [tilespmem:$0x70];
	_ =	sdelay $0x4  }
0xb1: {  	v63 =	vshrl.u32 v3, $0x3  }
0xb2: {  	v4 =	vmul.u32 $0x30, v63  }
0xb3: {  	v3 =	vand.u32 $0x7, v3  }
0xb4: {  	v3 =	vor.u32 v3, v4  }
0xb5: {  	v4 =	vperm.xlane v3, v0;
	_ =	sdelay $0x1  }
0xb6: {  	v4 =	vadd.s32 v1, v4;
	_ =	sdelay $0x3  }
0xb7: {  	v3 =	vperm.xlane v3, v2  }
0xb8: {  	[tilespmem:s25], [sflag:$0x1] =	stream.indirect_vreg.gather [hbm4b:s1+s3], $0x80, v4, vm0, $0xb8;
	[tilespmem:$0x18080] =	vst v63  }
0xb9: {  	v3 =	vadd.s32 v1, v3  }
0xba: {  	[tilespmem:s26], [sflag:$0x1] =	stream.indirect_vreg.gather [hbm4b:s4+s3], $0x80, v4, vm0, $0xb8;
	[tilespmem:$0x18080] =	vst v63  }
0xbb: {  	_ = 	snop  }
0xbc: {  	[tilespmem:s28], [sflag:$0x1] =	stream.indirect_vreg.gather [hbm4b:s5+s3], $0x80, v4, vm0, $0xb8;
	[tilespmem:$0x18080] =	vst v63  }
0xbd: {  	_ = 	snop  }
0xbe: {  	[tilespmem:s29], [sflag:$0x1] =	stream.indirect_vreg.gather [hbm4b:s1+s3], $0x80, v3, vm0, $0xb8;
	[tilespmem:$0x18080] =	vst v63  }
0xbf: {  	_ = 	snop  }
0xc0: {  	[tilespmem:s30], [sflag:$0x1] =	stream.indirect_vreg.gather [hbm4b:s4+s3], $0x80, v3, vm0, $0xb8;
	[tilespmem:$0x18080] =	vst v63  }
0xc1: {  	_ = 	snop  }
0xc2: {  	[tilespmem:s31], [sflag:$0x1] =	stream.indirect_vreg.gather [hbm4b:s5+s3], $0x80, v3, vm0, $0xb8;
	[tilespmem:$0x18080] =	vst v63  }
0xc3: {  	_ =	swait.ge [sflag:s2], $0x18000  }
0xc4: {  	p0 =	sne.s32 s6, $0x1;
	[sflag:s2] =	ssyncset.done $0x0  }
.Ltmp0:
0xc5: {  	s9 =	rddreg [dreg:$0x5];
	[sflag:s2] =	ssyncadd.s32 $0xFFFE8000;
	(pc) =	sbr.rel @p0 .LBB2_1-.Ltmp0, $4  }
0xc6: {  	[hbm4b:s9+s3] =	stream.linear.scatter [tilespmem:s8], [sflag:$0x2], $0x18000, $0x38;
	[tilespmem:$0x18080] =	vst v63  }
0xc7: {  	_ =	swait.ge [sflag:s7], $0x18000  }
0xc8: {  	[sflag:s7] =	ssyncset.done $0x0  }
0xc9: {  	s6 =	sadd.s32 $0xFFFFFFFF, s6;
	[sflag:s7] =	ssyncadd.s32 $0xFFFE8000  }
0xca: {  	_ =	sfence.sel $0x180000  }
0xcb: {  	[bflag:$0x0] =	sbarrier.arrive $0xFFFF  }
0xcc: {  	_ =	strace $0x90000047  }
0xcd: {  	s0 =	stileid.u32;
	[bflag:$0x2] =	sbarrier.arrive $0xFFFF  }
0xce: {  	p0 =	sne.s32 s0, $0x0;
	s0 =	rddreg [dreg:$0x3]  }
0xcf: {  	s0 =	sadd.s32 @!p0 $0x100000, s0  }
0xd0: {  	[sflag:s0] =	ssyncadd.tile.s32 @!p0 $0x1;
	_ =	shalt  }
.Lfunc_end2:
_tile_overlayer_lowered:
.L_overlay_start_2:
0xd1: {  	(tag) =	ssettag $0x2  }
0xd2: {  	s0 =	rddreg [dreg:$0x0];
	s2 =	stileid.u32  }
0xd3: {  	s1 =	rddreg [dreg:$0x1];
	p0 =	sne.s32 s2, $0x0  }
0xd4: {  	s3 =	rddreg [dreg:$0x2];
	[bflag:$0x3] =	sbarrier.arrive $0xFFFF;
	s2 =	simm.s32 @!p0 $0x1C02  }
0xd5: {  	[timem:s3], [sflag:s2] =	dma.local @!p0 [hbm:s0], s1  }
0xd6: {  	s0 =	simm.s32 @!p0 $0x2  }
0xd7: {  	_ =	swait.ge @!p0 [sflag:s0], s1  }
0xd8: {  	s1 =	ssub.s32 @!p0 $0x0, s1;
	[sflag:s0] =	ssyncset.done @!p0 $0x0  }
0xd9: {  	[sflag:s0] =	ssyncadd.s32 @!p0 s1  }
0xda: {  	[bflag:$0x3] =	sbarrier.arrive $0xFFFF  }
0xdb: {  	_ =	shalt  }

</sc_bundles>
